<compile_context>
chip_gen: v7x
topology: tpu7x:2x2x1
jax: 0.10.2.dev20260603
libtpu: 0.0.44.dev20260713+nightly
codegen_flags: <defaults>
</compile_context>

<pallas_src>
import jax
import jax.numpy as jnp
from jax.experimental import pallas as pl
from jax.experimental.pallas import tpu as pltpu
from jax.experimental.pallas import tpu_sc as plsc

N_INPUTS = 784
N_HIDDEN = 2000
N_OUTPUTS = 10
N_NEURONS = N_HIDDEN + N_OUTPUTS
T_MAX = 12
TAU = 10.0
DT = 1.0
THRESH = 0.5
VMAX = 1.0
D_MIN = 3
N_DELAYS = 5
B = 64
S_PAD = 2048
K_PAD = 896


M_TOTAL = N_DELAYS * S_PAD * S_PAD
NC = 2
NS = 16
LANE = 128
ZCH = 16384
M_HALF = M_TOTAL // NC
M_WORKER = M_TOTAL // (NC * NS)
ZREP = M_WORKER // ZCH


def _make_wd_scatter(n_chunks):
    mesh = plsc.VectorSubcoreMesh(core_axis_name="c", subcore_axis_name="s")

    def body(idx_hbm, val_hbm, out_hbm, zbuf, idx_v, val_v, zsem, ssem):
        c = jax.lax.axis_index("c")
        s = jax.lax.axis_index("s")
        base = (c * NS + s) * M_WORKER

        @pl.loop(0, ZCH // 16)
        def _fill(i):
            zbuf[pl.ds(i * 16, 16)] = jnp.zeros((16,), jnp.float32)

        pltpu.sync_copy(idx_hbm.at[c, s], idx_v)
        pltpu.sync_copy(val_hbm.at[c, s], val_v)

        zh = [pltpu.async_copy(zbuf, out_hbm.at[pl.ds(base + r * ZCH, ZCH)],
                               zsem) for r in range(ZREP)]
        for h in zh:
            h.wait()
        plsc.subcore_barrier()

        sh = [pltpu.async_copy(val_v.at[j], out_hbm.at[idx_v.at[j]], ssem)
              for j in range(n_chunks)]
        for h in sh:
            h.wait()

    return pl.kernel(
        body,
        out_type=jax.ShapeDtypeStruct((M_TOTAL,), jnp.float32),
        mesh=mesh,
        scratch_types=[
            pltpu.VMEM((ZCH,), jnp.float32),
            pltpu.VMEM((n_chunks, LANE), jnp.int32),
            pltpu.VMEM((n_chunks, LANE), jnp.float32),
            pltpu.SemaphoreType.DMA,
            pltpu.SemaphoreType.DMA,
        ],
    )


def _build_wd(flat_idx, w_eff):
    e_total = flat_idx.shape[0]
    n_chunks = -(-e_total // (NS * LANE))
    cap = NS * n_chunks * LANE

    fi = jnp.full((cap,), -1, jnp.int32).at[:e_total].set(flat_idx)
    wv = jnp.zeros((cap,), jnp.float32).at[:e_total].set(w_eff)
    slot = jnp.arange(cap, dtype=jnp.int32)
    slot_s = slot // (n_chunks * LANE)
    slot_j = (slot // LANE) % n_chunks
    slot_l = slot % LANE

    is_edge = fi >= 0
    sent = ((slot_s * 64 + slot_j * LANE + slot_l) % (M_TOTAL // S_PAD)
            ) * S_PAD + N_NEURONS + slot_l % (S_PAD - N_NEURONS)
    idx_one = jnp.where(is_edge, fi, sent).reshape(NS, n_chunks, LANE)
    val_one = jnp.where(is_edge, wv, 0.0).reshape(NS, n_chunks, LANE)
    idx_h = jnp.stack([idx_one, idx_one])
    val_h = jnp.stack([val_one, val_one])
    wd_flat = _make_wd_scatter(n_chunks)(idx_h, val_h)
    return wd_flat.reshape(N_DELAYS, S_PAD, S_PAD)


T_WARM = D_MIN + 2


def _warm_kernel(icur_ref, S_out, V_out, Vm_out, acc_out):

    def step(t, carry):
        S, V, Vm, acc = carry
        inject = (t % 3) == 2
        I_syn = jnp.where(inject, icur_ref[...], 0.0)
        Vm = Vm + (-Vm + I_syn) * (DT / TAU)
        V_exc = jnp.maximum(0.0, Vm - THRESH)
        col = jax.lax.broadcasted_iota(jnp.int32, (B, S_PAD), 1)
        fired = (V_exc > 0.0) & (col < N_HIDDEN)
        dvals = (jax.lax.broadcasted_iota(
            jnp.int32, (N_DELAYS, B, S_PAD), 0) + D_MIN).astype(jnp.float32)
        arrived = S == dvals
        idle = S == 0.0
        newS = fired[None] & idle
        live = (~arrived).astype(jnp.float32)
        S = S * live
        V = V * live
        out_mask = ((col >= N_HIDDEN) & (col < N_NEURONS)).astype(jnp.float32)
        acc = acc + Vm * out_mask
        firedf = fired.astype(jnp.float32)
        Vm = Vm - (Vm * firedf + 0.2 * firedf)
        newSf = newS.astype(jnp.float32)
        S = S + (S > 0.0).astype(jnp.float32) * (DT * VMAX) + newSf * (DT * VMAX)
        V = V + newSf * V_exc[None]
        return S, V, Vm, acc

    z3 = jnp.zeros((N_DELAYS, B, S_PAD), jnp.float32)
    z2 = jnp.zeros((B, S_PAD), jnp.float32)
    S, V, Vm, acc = jax.lax.fori_loop(0, T_WARM, step, (z3, z3, z2, z2))
    S_out[...] = S
    V_out[...] = V
    Vm_out[...] = Vm
    acc_out[...] = acc


def _snn_kernel(icur_ref, wd_ref, S_in, V_in, Vm_in, acc_in, out_ref,
                S_ref, Vv_ref, Vm_ref, Iacc_ref):
    t = pl.program_id(0) + T_WARM
    k = pl.program_id(1)

    @pl.when((t == T_WARM) & (k == 0))
    def _init():
        S_ref[...] = S_in[...]
        Vv_ref[...] = V_in[...]
        Vm_ref[...] = Vm_in[...]
        out_ref[...] = acc_in[...]

    @pl.when(k == 0)
    def _zero_acc():
        Iacc_ref[...] = jnp.zeros_like(Iacc_ref)

    d_val = (D_MIN + k).astype(jnp.float32)
    Sk = S_ref[k]
    arr = Sk == d_val
    @pl.when(jnp.any(arr))
    def _matmul():
        deliver = Vv_ref[k] * arr.astype(jnp.float32)
        Iacc_ref[...] += jax.lax.dot_general(
            deliver, wd_ref[0], (((1,), (0,)), ((), ())),
            precision=jax.lax.Precision.HIGHEST,
            preferred_element_type=jnp.float32)

    @pl.when(k == N_DELAYS - 1)
    def _finish_step():
        I_syn = Iacc_ref[...]
        inject = (t % 3) == 2
        I_syn = I_syn + jnp.where(inject, icur_ref[...], 0.0)
        Vm = Vm_ref[...]
        Vm = Vm + (-Vm + I_syn) * (DT / TAU)
        V_exc = jnp.maximum(0.0, Vm - THRESH)
        col = jax.lax.broadcasted_iota(jnp.int32, (B, S_PAD), 1)
        fired = (V_exc > 0.0) & (col < N_HIDDEN)

        S = S_ref[...]
        V = Vv_ref[...]
        dvals = (jax.lax.broadcasted_iota(
            jnp.int32, (N_DELAYS, B, S_PAD), 0) + D_MIN).astype(jnp.float32)
        arrived = S == dvals
        idle = S == 0.0
        newS = fired[None] & idle
        live = (~arrived).astype(jnp.float32)
        S = S * live
        V = V * live

        out_mask = ((col >= N_HIDDEN) & (col < N_NEURONS)).astype(jnp.float32)
        out_ref[...] += Vm * out_mask

        firedf = fired.astype(jnp.float32)
        Vm = Vm - (Vm * firedf + 0.2 * firedf)
        newSf = newS.astype(jnp.float32)
        S = S + (S > 0.0).astype(jnp.float32) * (DT * VMAX) + newSf * (DT * VMAX)
        V = V + newSf * V_exc[None]

        S_ref[...] = S
        Vv_ref[...] = V
        Vm_ref[...] = Vm

        @pl.when(t == T_MAX - 1)
        def _done():
            out_ref[...] = out_ref[...] / jnp.float32(T_MAX)


def kernel(x, W_e, input_W, L_e, src, tgt, key):
    del key
    d_round = jnp.round(L_e)
    is_int = jnp.abs(L_e - d_round) < 0.25
    d_idx = jnp.clip(d_round.astype(jnp.int32) - D_MIN, 0, N_DELAYS - 1)
    w_eff = jnp.where(is_int, W_e, 0.0)
    flat_idx = (d_idx * S_PAD + src) * S_PAD + tgt
    Wd = _build_wd(flat_idx, w_eff)

    input_currents = x.reshape(B, -1) @ input_W
    icur = jnp.pad(input_currents, ((0, 0), (0, S_PAD - N_HIDDEN)))

    s3 = jax.ShapeDtypeStruct((N_DELAYS, B, S_PAD), jnp.float32)
    s2 = jax.ShapeDtypeStruct((B, S_PAD), jnp.float32)
    S0, V0, Vm0, acc0 = pl.pallas_call(
        _warm_kernel,
        out_shape=(s3, s3, s2, s2),
        compiler_params=pltpu.CompilerParams(
            vmem_limit_bytes=100 * 1024 * 1024),
    )(icur)

    full3 = pl.BlockSpec((N_DELAYS, B, S_PAD), lambda t, k: (0, 0, 0))
    full2 = pl.BlockSpec((B, S_PAD), lambda t, k: (0, 0))
    out = pl.pallas_call(
        _snn_kernel,
        grid=(T_MAX - T_WARM, N_DELAYS),
        in_specs=[
            full2,
            pl.BlockSpec((1, S_PAD, S_PAD), lambda t, k: (k, 0, 0)),
            full3, full3, full2, full2,
        ],
        out_specs=full2,
        out_shape=s2,
        scratch_shapes=[
            pltpu.VMEM((N_DELAYS, B, S_PAD), jnp.float32),
            pltpu.VMEM((N_DELAYS, B, S_PAD), jnp.float32),
            pltpu.VMEM((B, S_PAD), jnp.float32),
            pltpu.VMEM((B, S_PAD), jnp.float32),
        ],
        compiler_params=pltpu.CompilerParams(
            dimension_semantics=("arbitrary", "arbitrary"),
            vmem_limit_bytes=100 * 1024 * 1024,
        ),
    )(icur, Wd, S0, V0, Vm0, acc0)
    return out[:, N_HIDDEN:N_NEURONS]

# --- scband reference (transcript-rebuilt; emitter-appended) ---
"""Pipeline reference for scband-small-world-snn-40063454937402 (READ-ONLY COPY).

The authoritative reference and input builder live on the scoring server;
editing this copy changes nothing except your own understanding.
"""

import jax, jax.numpy as jnp
import numpy as np

N_INPUTS = 784
N_HIDDEN = 2000
N_OUTPUTS = 10
K_NEAREST = 16
P_REWIRE = 0.1
P_CONNECT = 0.01
T_MAX = 12
VMAX = 1.0
THRESH = 0.5
TAU = 10.0
DT = 1.0
DS = 0.5
BATCH = 64
N_NEURONS = N_HIDDEN + N_OUTPUTS


def _build_graph(seed=0):
    rng = np.random.default_rng(seed)
    n_total = N_INPUTS + N_HIDDEN + N_OUTPUTS
    hs, he = N_INPUTS, n_total - N_OUTPUTS
    nh = N_HIDDEN
    A = np.zeros((n_total, n_total), dtype=np.int32)
    # directed ring lattice over hidden neurons (vectorized form of the per-row loop)
    rows = np.repeat(np.arange(nh), K_NEAREST)
    cols = ((np.arange(nh)[:, None] + np.arange(1, K_NEAREST + 1)[None, :]) % nh).reshape(-1)
    A[hs + rows, hs + cols] = 1
    hc = A[hs:he, hs:he].copy()
    rand_mat = rng.uniform(size=hc.shape)
    to_rewire = (rand_mat < P_REWIRE) & (hc == 1)
    hc = hc & (~to_rewire)
    src_rows, _ = np.nonzero(to_rewire)
    if src_rows.shape[0]:
        new_cols = rng.integers(0, nh, size=src_rows.shape[0])
        keep = src_rows != new_cols
        hc[src_rows[keep], new_cols[keep]] = 1
    A[hs:he, hs:he] = hc
    extra = (rng.uniform(size=(nh, nh)) < P_CONNECT) & ~(hc.T == 1)
    A[hs:he, hs:he] = (hc.astype(bool) | extra).astype(np.int32)
    A[:N_INPUTS, hs:he] = rng.uniform(size=(N_INPUTS, nh)) < 2 * P_CONNECT
    A[hs:he, n_total - N_OUTPUTS:] = rng.uniform(size=(nh, N_OUTPUTS)) < 2 * P_CONNECT
    need = A[:N_INPUTS].sum(1) == 0
    if need.any():
        t = rng.integers(hs, he, size=N_INPUTS)
        idx = np.nonzero(need)[0]
        A[idx, t[idx]] = 1
    need = A[:, n_total - N_OUTPUTS:].sum(0) == 0
    if need.any():
        s = rng.integers(hs, he, size=N_OUTPUTS)
        idx = np.nonzero(need)[0]
        A[s[idx], n_total - N_OUTPUTS + idx] = 1
    A[:, :N_INPUTS] = 0
    A[-N_OUTPUTS:, :] = 0
    # edge attribute init (initialise_edges)
    L_choices = np.arange(3.0, 8.0, DS)
    Lmat = A * rng.choice(L_choices, size=A.shape)
    Wmat = A * rng.uniform(size=A.shape) * ((rng.uniform(size=A.shape) > 0.0) * 2 - 1)
    src, tgt = np.nonzero(A)
    L_e = Lmat[src, tgt].astype(np.float32)
    L_e[src < N_INPUTS] = 3.0
    W_e = Wmat[src, tgt].astype(np.float32)
    input_mask = src < N_INPUTS
    rec_mask = ~input_mask
    input_W = np.zeros((N_INPUTS, N_HIDDEN), dtype=np.float32)
    input_W[src[input_mask], tgt[input_mask] - N_INPUTS] = W_e[input_mask]
    rec_src = (src[rec_mask] - N_INPUTS).astype(np.int32)
    rec_tgt = (tgt[rec_mask] - N_INPUTS).astype(np.int32)
    return rec_src, rec_tgt, L_e[rec_mask], W_e[rec_mask], input_W


def setup_inputs(seed: int = 0) -> dict:
    key = jax.random.key(seed)
    src, tgt, L_e, W_e, input_W = _build_graph(0)
    x = jax.random.normal(jax.random.fold_in(key, 1), (BATCH, N_INPUTS), dtype=jnp.float32)
    return {
        "x": x,
        "W_e": jnp.asarray(W_e),
        "input_W": jnp.asarray(input_W),
        "L_e": jnp.asarray(L_e),
        "src": jnp.asarray(src, dtype=jnp.int32),
        "tgt": jnp.asarray(tgt, dtype=jnp.int32),
        "key": jax.random.key(42),
    }


def reference(x, W_e, input_W, L_e, src, tgt, key):
    # training=False path: dropout_rate -> 0.0, so the no_dropout branch of lax.cond is taken.
    B = x.shape[0]
    E = src.shape[0]
    input_currents = x.reshape(B, -1) @ input_W

    def _step(carry, k):
        S, V, Vm, acc, phase = carry
        arrived = jnp.isclose(S, L_e, atol=1e-05, rtol=1e-08)
        spikes = V * arrived * W_e
        I_syn = jnp.zeros((B, N_NEURONS), spikes.dtype)
        I_syn = I_syn.at[:, tgt].add(spikes)
        is_inject = phase == 2
        I_syn = I_syn.at[:, :N_HIDDEN].add(jnp.where(is_inject, input_currents, 0.0))
        Vm = Vm + (-Vm + I_syn) * (DT / TAU)
        V_exc = jnp.maximum(0.0, Vm - THRESH)
        fired = (V_exc > 0).at[:, -N_OUTPUTS:].set(False)
        idle = S == 0
        newS = fired[:, src] & idle
        S = S * ~arrived
        V = V * ~arrived
        acc = acc + Vm[:, -N_OUTPUTS:]
        Vm = Vm - (Vm * fired + 0.2 * fired)
        S = S + (S > 0) * DT * VMAX + newS * DT * VMAX
        V = V + newS * V_exc[:, src]
        new_phase = (phase + 1) % 3
        return (S, V, Vm, acc, new_phase), None

    carry0 = (
        jnp.zeros((B, E), jnp.float32),
        jnp.zeros((B, E), jnp.float32),
        jnp.zeros((B, N_NEURONS), jnp.float32),
        jnp.zeros((B, N_OUTPUTS), jnp.float32),
        jnp.asarray(0, dtype=jnp.int32),
    )
    keys = jax.random.split(key, T_MAX)
    carry_final, _ = jax.lax.scan(jax.checkpoint(_step, prevent_cse=False), carry0, keys)
    acc_final = carry_final[3]
    return acc_final / T_MAX


if False:  # reference __main__ guard neutralized (emitter)
    out = reference(**setup_inputs())
    print(out.shape, out.dtype)

if __name__ == "__main__":
    import jax
    _d = setup_inputs()
    print(jax.jit(kernel)(*tuple(_d.values())))

</pallas_src>

<mosaic_0001>
#map = affine_map<(d0, d1) -> (0, 0, 0, 0)>
#map1 = affine_map<(d0, d1) -> (0)>
module attributes {stable_mosaic.version = 14 : i64} {
  func.func @body(%arg0: i32, %arg1: i32, %arg2: memref<2x16x36x128xi32, #tpu.memory_space<hbm>>, %arg3: memref<2x16x36x128xf32, #tpu.memory_space<hbm>>, %arg4: memref<20971520xf32, #tpu.memory_space<hbm>>, %arg5: memref<16384xf32, #tpu.memory_space<vmem>>, %arg6: memref<36x128xi32, #tpu.memory_space<vmem>>, %arg7: memref<36x128xf32, #tpu.memory_space<vmem>>, %arg8: memref<!tpu.dma_semaphore, #tpu.memory_space<semaphore_mem>>, %arg9: memref<!tpu.dma_semaphore, #tpu.memory_space<semaphore_mem>>) attributes {dimension_semantics = [#tpu.dimension_semantics<core_parallel>, #tpu.dimension_semantics<subcore_parallel>], iteration_bounds = array<i64: 2, 16>, scalar_prefetch = 0 : i64, scratch_operands = 5 : i64, tpu.core_type = #tpu.core_type<sc_vector_subcore>, window_params = [{transform_indices = #map}, {transform_indices = #map}, {transform_indices = #map1}]} {
    %mul3A = arith.constant 16 : i32
    %mul3A_0 = arith.muli %arg0, %mul3A : i32
    %add3A = arith.addi %mul3A_0, %arg1 : i32
    %mul3A_1 = arith.constant 655360 : i32
    %mul3A_2 = arith.muli %add3A, %mul3A_1 : i32
    %scan3A = arith.constant 0 : i32
    %scan3A_3 = arith.constant 1024 : i32
    %scan3A_4 = arith.addi %scan3A, %scan3A_3 : i32
    %scan3A_5 = arith.constant 1 : i32
    scf.for %scan3A_965 = %scan3A to %scan3A_4 step %scan3A_5  : i32 {
      %mul3A_966 = arith.constant 1 : i32
      %mul3A_967 = arith.muli %scan3A_965, %mul3A_966 : i32
      %add3A_968 = arith.constant 0 : i32
      %add3A_969 = arith.addi %add3A_968, %mul3A_967 : i32
      %broadcast_in_dim3A = arith.constant 0.000000e+00 : f32
      %broadcast_in_dim3A_970 = vector.broadcast %broadcast_in_dim3A : f32 to vector<16xf32>
      %mul3A_971 = arith.constant 16 : i32
      %mul3A_972 = arith.muli %add3A_969, %mul3A_971 : i32
      %swap3A = arith.index_cast %mul3A_972 : i32 to index
      %swap3A_973 = tpu.vector_load %arg5[%swap3A] {strides = array<i32>} : memref<16384xf32, #tpu.memory_space<vmem>>, vector<16xf32>,
      %swap3A_974 = vector.shape_cast %swap3A_973 : vector<16xf32> to vector<16xf32>
      %swap3A_975 = vector.shape_cast %broadcast_in_dim3A_970 : vector<16xf32> to vector<16xf32>
      tpu.vector_store %arg5[%swap3A], %swap3A_975 {strides = array<i32>} : memref<16384xf32, #tpu.memory_space<vmem>>, vector<16xf32>,
    }
    %scan3A_6 = arith.constant 1024 : i32
    "tpu.region"() ({
      %run_scoped3A = tpu.sem_alloc : memref<!tpu.dma_semaphore, #tpu.memory_space<semaphore_mem>>
      %dma_start3A_965 = arith.constant 0 : i32
      %dma_start3A_966 = arith.constant 0 : i32
      %dma_start3A_967 = tpu.memref_slice %arg2[%arg0, %arg1, %dma_start3A_965, %dma_start3A_966] : memref<2x16x36x128xi32, #tpu.memory_space<hbm>> -> memref<1x1x36x128xi32, #tpu.memory_space<hbm>>
      %dma_start3A_968 = tpu.memref_squeeze %dma_start3A_967 : memref<1x1x36x128xi32, #tpu.memory_space<hbm>> -> memref<36x128xi32, #tpu.memory_space<hbm>>
      %dma_start3A_969 = arith.constant 0 : i32
      %dma_start3A_970 = arith.constant 0 : i32
      %dma_start3A_971 = tpu.memref_slice %arg2[%arg0, %arg1, %dma_start3A_969, %dma_start3A_970] : memref<2x16x36x128xi32, #tpu.memory_space<hbm>> -> memref<1x1x36x128xi32, #tpu.memory_space<hbm>>
      %dma_start3A_972 = tpu.memref_squeeze %dma_start3A_971 : memref<1x1x36x128xi32, #tpu.memory_space<hbm>> -> memref<36x128xi32, #tpu.memory_space<hbm>>
      tpu.enqueue_dma source(%dma_start3A_972 : memref<36x128xi32, #tpu.memory_space<hbm>>) target(%arg6 : memref<36x128xi32, #tpu.memory_space<vmem>>) target_semaphore(%run_scoped3A : memref<!tpu.dma_semaphore, #tpu.memory_space<semaphore_mem>>)
      %dma_wait3A_973 = arith.constant 0 : i32
      %dma_wait3A_974 = arith.constant 0 : i32
      %dma_wait3A_975 = tpu.memref_slice %arg2[%arg0, %arg1, %dma_wait3A_973, %dma_wait3A_974] : memref<2x16x36x128xi32, #tpu.memory_space<hbm>> -> memref<1x1x36x128xi32, #tpu.memory_space<hbm>>
      %dma_wait3A_976 = tpu.memref_squeeze %dma_wait3A_975 : memref<1x1x36x128xi32, #tpu.memory_space<hbm>> -> memref<36x128xi32, #tpu.memory_space<hbm>>
      %dma_wait3A_977 = arith.constant 0 : i32
      %dma_wait3A_978 = arith.constant 0 : i32
      %dma_wait3A_979 = tpu.memref_slice %arg2[%arg0, %arg1, %dma_wait3A_977, %dma_wait3A_978] : memref<2x16x36x128xi32, #tpu.memory_space<hbm>> -> memref<1x1x36x128xi32, #tpu.memory_space<hbm>>
      %dma_wait3A_980 = tpu.memref_squeeze %dma_wait3A_979 : memref<1x1x36x128xi32, #tpu.memory_space<hbm>> -> memref<36x128xi32, #tpu.memory_space<hbm>>
      tpu.wait_dma2 semaphore(%run_scoped3A : memref<!tpu.dma_semaphore, #tpu.memory_space<semaphore_mem>>) src(%dma_wait3A_980 : memref<36x128xi32, #tpu.memory_space<hbm>>) dst(%arg6 : memref<36x128xi32, #tpu.memory_space<vmem>>)
      tpu.yield
    }) : () -> ()
    "tpu.region"() ({
      %run_scoped3A = tpu.sem_alloc : memref<!tpu.dma_semaphore, #tpu.memory_space<semaphore_mem>>
      %dma_start3A_965 = arith.constant 0 : i32
      %dma_start3A_966 = arith.constant 0 : i32
      %dma_start3A_967 = tpu.memref_slice %arg3[%arg0, %arg1, %dma_start3A_965, %dma_start3A_966] : memref<2x16x36x128xf32, #tpu.memory_space<hbm>> -> memref<1x1x36x128xf32, #tpu.memory_space<hbm>>
      %dma_start3A_968 = tpu.memref_squeeze %dma_start3A_967 : memref<1x1x36x128xf32, #tpu.memory_space<hbm>> -> memref<36x128xf32, #tpu.memory_space<hbm>>
      %dma_start3A_969 = arith.constant 0 : i32
      %dma_start3A_970 = arith.constant 0 : i32
      %dma_start3A_971 = tpu.memref_slice %arg3[%arg0, %arg1, %dma_start3A_969, %dma_start3A_970] : memref<2x16x36x128xf32, #tpu.memory_space<hbm>> -> memref<1x1x36x128xf32, #tpu.memory_space<hbm>>
      %dma_start3A_972 = tpu.memref_squeeze %dma_start3A_971 : memref<1x1x36x128xf32, #tpu.memory_space<hbm>> -> memref<36x128xf32, #tpu.memory_space<hbm>>
      tpu.enqueue_dma source(%dma_start3A_972 : memref<36x128xf32, #tpu.memory_space<hbm>>) target(%arg7 : memref<36x128xf32, #tpu.memory_space<vmem>>) target_semaphore(%run_scoped3A : memref<!tpu.dma_semaphore, #tpu.memory_space<semaphore_mem>>)
      %dma_wait3A_973 = arith.constant 0 : i32
      %dma_wait3A_974 = arith.constant 0 : i32
      %dma_wait3A_975 = tpu.memref_slice %arg3[%arg0, %arg1, %dma_wait3A_973, %dma_wait3A_974] : memref<2x16x36x128xf32, #tpu.memory_space<hbm>> -> memref<1x1x36x128xf32, #tpu.memory_space<hbm>>
      %dma_wait3A_976 = tpu.memref_squeeze %dma_wait3A_975 : memref<1x1x36x128xf32, #tpu.memory_space<hbm>> -> memref<36x128xf32, #tpu.memory_space<hbm>>
      %dma_wait3A_977 = arith.constant 0 : i32
      %dma_wait3A_978 = arith.constant 0 : i32
      %dma_wait3A_979 = tpu.memref_slice %arg3[%arg0, %arg1, %dma_wait3A_977, %dma_wait3A_978] : memref<2x16x36x128xf32, #tpu.memory_space<hbm>> -> memref<1x1x36x128xf32, #tpu.memory_space<hbm>>
      %dma_wait3A_980 = tpu.memref_squeeze %dma_wait3A_979 : memref<1x1x36x128xf32, #tpu.memory_space<hbm>> -> memref<36x128xf32, #tpu.memory_space<hbm>>
      tpu.wait_dma2 semaphore(%run_scoped3A : memref<!tpu.dma_semaphore, #tpu.memory_space<semaphore_mem>>) src(%dma_wait3A_980 : memref<36x128xf32, #tpu.memory_space<hbm>>) dst(%arg7 : memref<36x128xf32, #tpu.memory_space<vmem>>)
      tpu.yield
    }) : () -> ()
    %add3A_7 = arith.constant 0 : i32
    %add3A_8 = arith.addi %mul3A_2, %add3A_7 : i32
    %dma_start3A = tpu.memref_slice %arg4[%add3A_8] : memref<20971520xf32, #tpu.memory_space<hbm>> -> memref<16384xf32, #tpu.memory_space<hbm>>
    %dma_start3A_9 = tpu.memref_slice %arg4[%add3A_8] : memref<20971520xf32, #tpu.memory_space<hbm>> -> memref<16384xf32, #tpu.memory_space<hbm>>
    tpu.enqueue_dma source(%arg5 : memref<16384xf32, #tpu.memory_space<vmem>>) target(%dma_start3A_9 : memref<16384xf32, #tpu.memory_space<hbm>>) target_semaphore(%arg8 : memref<!tpu.dma_semaphore, #tpu.memory_space<semaphore_mem>>)
    %add3A_10 = arith.constant 16384 : i32
    %add3A_11 = arith.addi %mul3A_2, %add3A_10 : i32
    %dma_start3A_12 = tpu.memref_slice %arg4[%add3A_11] : memref<20971520xf32, #tpu.memory_space<hbm>> -> memref<16384xf32, #tpu.memory_space<hbm>>
    %dma_start3A_13 = tpu.memref_slice %arg4[%add3A_11] : memref<20971520xf32, #tpu.memory_space<hbm>> -> memref<16384xf32, #tpu.memory_space<hbm>>
    tpu.enqueue_dma source(%arg5 : memref<16384xf32, #tpu.memory_space<vmem>>) target(%dma_start3A_13 : memref<16384xf32, #tpu.memory_space<hbm>>) target_semaphore(%arg8 : memref<!tpu.dma_semaphore, #tpu.memory_space<semaphore_mem>>)
    %add3A_14 = arith.constant 32768 : i32
    %add3A_15 = arith.addi %mul3A_2, %add3A_14 : i32
    %dma_start3A_16 = tpu.memref_slice %arg4[%add3A_15] : memref<20971520xf32, #tpu.memory_space<hbm>> -> memref<16384xf32, #tpu.memory_space<hbm>>
    %dma_start3A_17 = tpu.memref_slice %arg4[%add3A_15] : memref<20971520xf32, #tpu.memory_space<hbm>> -> memref<16384xf32, #tpu.memory_space<hbm>>
    tpu.enqueue_dma source(%arg5 : memref<16384xf32, #tpu.memory_space<vmem>>) target(%dma_start3A_17 : memref<16384xf32, #tpu.memory_space<hbm>>) target_semaphore(%arg8 : memref<!tpu.dma_semaphore, #tpu.memory_space<semaphore_mem>>)
    %add3A_18 = arith.constant 49152 : i32
    %add3A_19 = arith.addi %mul3A_2, %add3A_18 : i32
    %dma_start3A_20 = tpu.memref_slice %arg4[%add3A_19] : memref<20971520xf32, #tpu.memory_space<hbm>> -> memref<16384xf32, #tpu.memory_space<hbm>>
    %dma_start3A_21 = tpu.memref_slice %arg4[%add3A_19] : memref<20971520xf32, #tpu.memory_space<hbm>> -> memref<16384xf32, #tpu.memory_space<hbm>>
    tpu.enqueue_dma source(%arg5 : memref<16384xf32, #tpu.memory_space<vmem>>) target(%dma_start3A_21 : memref<16384xf32, #tpu.memory_space<hbm>>) target_semaphore(%arg8 : memref<!tpu.dma_semaphore, #tpu.memory_space<semaphore_mem>>)
    %add3A_22 = arith.constant 65536 : i32
    %add3A_23 = arith.addi %mul3A_2, %add3A_22 : i32
    %dma_start3A_24 = tpu.memref_slice %arg4[%add3A_23] : memref<20971520xf32, #tpu.memory_space<hbm>> -> memref<16384xf32, #tpu.memory_space<hbm>>
    %dma_start3A_25 = tpu.memref_slice %arg4[%add3A_23] : memref<20971520xf32, #tpu.memory_space<hbm>> -> memref<16384xf32, #tpu.memory_space<hbm>>
    tpu.enqueue_dma source(%arg5 : memref<16384xf32, #tpu.memory_space<vmem>>) target(%dma_start3A_25 : memref<16384xf32, #tpu.memory_space<hbm>>) target_semaphore(%arg8 : memref<!tpu.dma_semaphore, #tpu.memory_space<semaphore_mem>>)
    %add3A_26 = arith.constant 81920 : i32
    %add3A_27 = arith.addi %mul3A_2, %add3A_26 : i32
    %dma_start3A_28 = tpu.memref_slice %arg4[%add3A_27] : memref<20971520xf32, #tpu.memory_space<hbm>> -> memref<16384xf32, #tpu.memory_space<hbm>>
    %dma_start3A_29 = tpu.memref_slice %arg4[%add3A_27] : memref<20971520xf32, #tpu.memory_space<hbm>> -> memref<16384xf32, #tpu.memory_space<hbm>>
    tpu.enqueue_dma source(%arg5 : memref<16384xf32, #tpu.memory_space<vmem>>) target(%dma_start3A_29 : memref<16384xf32, #tpu.memory_space<hbm>>) target_semaphore(%arg8 : memref<!tpu.dma_semaphore, #tpu.memory_space<semaphore_mem>>)
    %add3A_30 = arith.constant 98304 : i32
    %add3A_31 = arith.addi %mul3A_2, %add3A_30 : i32
    %dma_start3A_32 = tpu.memref_slice %arg4[%add3A_31] : memref<20971520xf32, #tpu.memory_space<hbm>> -> memref<16384xf32, #tpu.memory_space<hbm>>
    %dma_start3A_33 = tpu.memref_slice %arg4[%add3A_31] : memref<20971520xf32, #tpu.memory_space<hbm>> -> memref<16384xf32, #tpu.memory_space<hbm>>
    tpu.enqueue_dma source(%arg5 : memref<16384xf32, #tpu.memory_space<vmem>>) target(%dma_start3A_33 : memref<16384xf32, #tpu.memory_space<hbm>>) target_semaphore(%arg8 : memref<!tpu.dma_semaphore, #tpu.memory_space<semaphore_mem>>)
    %add3A_34 = arith.constant 114688 : i32
    %add3A_35 = arith.addi %mul3A_2, %add3A_34 : i32
    %dma_start3A_36 = tpu.memref_slice %arg4[%add3A_35] : memref<20971520xf32, #tpu.memory_space<hbm>> -> memref<16384xf32, #tpu.memory_space<hbm>>
    %dma_start3A_37 = tpu.memref_slice %arg4[%add3A_35] : memref<20971520xf32, #tpu.memory_space<hbm>> -> memref<16384xf32, #tpu.memory_space<hbm>>
    tpu.enqueue_dma source(%arg5 : memref<16384xf32, #tpu.memory_space<vmem>>) target(%dma_start3A_37 : memref<16384xf32, #tpu.memory_space<hbm>>) target_semaphore(%arg8 : memref<!tpu.dma_semaphore, #tpu.memory_space<semaphore_mem>>)
    %add3A_38 = arith.constant 131072 : i32
    %add3A_39 = arith.addi %mul3A_2, %add3A_38 : i32
    %dma_start3A_40 = tpu.memref_slice %arg4[%add3A_39] : memref<20971520xf32, #tpu.memory_space<hbm>> -> memref<16384xf32, #tpu.memory_space<hbm>>
    %dma_start3A_41 = tpu.memref_slice %arg4[%add3A_39] : memref<20971520xf32, #tpu.memory_space<hbm>> -> memref<16384xf32, #tpu.memory_space<hbm>>
    tpu.enqueue_dma source(%arg5 : memref<16384xf32, #tpu.memory_space<vmem>>) target(%dma_start3A_41 : memref<16384xf32, #tpu.memory_space<hbm>>) target_semaphore(%arg8 : memref<!tpu.dma_semaphore, #tpu.memory_space<semaphore_mem>>)
    %add3A_42 = arith.constant 147456 : i32
    %add3A_43 = arith.addi %mul3A_2, %add3A_42 : i32
    %dma_start3A_44 = tpu.memref_slice %arg4[%add3A_43] : memref<20971520xf32, #tpu.memory_space<hbm>> -> memref<16384xf32, #tpu.memory_space<hbm>>
    %dma_start3A_45 = tpu.memref_slice %arg4[%add3A_43] : memref<20971520xf32, #tpu.memory_space<hbm>> -> memref<16384xf32, #tpu.memory_space<hbm>>
    tpu.enqueue_dma source(%arg5 : memref<16384xf32, #tpu.memory_space<vmem>>) target(%dma_start3A_45 : memref<16384xf32, #tpu.memory_space<hbm>>) target_semaphore(%arg8 : memref<!tpu.dma_semaphore, #tpu.memory_space<semaphore_mem>>)
    %add3A_46 = arith.constant 163840 : i32
    %add3A_47 = arith.addi %mul3A_2, %add3A_46 : i32
    %dma_start3A_48 = tpu.memref_slice %arg4[%add3A_47] : memref<20971520xf32, #tpu.memory_space<hbm>> -> memref<16384xf32, #tpu.memory_space<hbm>>
    %dma_start3A_49 = tpu.memref_slice %arg4[%add3A_47] : memref<20971520xf32, #tpu.memory_space<hbm>> -> memref<16384xf32, #tpu.memory_space<hbm>>
    tpu.enqueue_dma source(%arg5 : memref<16384xf32, #tpu.memory_space<vmem>>) target(%dma_start3A_49 : memref<16384xf32, #tpu.memory_space<hbm>>) target_semaphore(%arg8 : memref<!tpu.dma_semaphore, #tpu.memory_space<semaphore_mem>>)
    %add3A_50 = arith.constant 180224 : i32
    %add3A_51 = arith.addi %mul3A_2, %add3A_50 : i32
    %dma_start3A_52 = tpu.memref_slice %arg4[%add3A_51] : memref<20971520xf32, #tpu.memory_space<hbm>> -> memref<16384xf32, #tpu.memory_space<hbm>>
    %dma_start3A_53 = tpu.memref_slice %arg4[%add3A_51] : memref<20971520xf32, #tpu.memory_space<hbm>> -> memref<16384xf32, #tpu.memory_space<hbm>>
    tpu.enqueue_dma source(%arg5 : memref<16384xf32, #tpu.memory_space<vmem>>) target(%dma_start3A_53 : memref<16384xf32, #tpu.memory_space<hbm>>) target_semaphore(%arg8 : memref<!tpu.dma_semaphore, #tpu.memory_space<semaphore_mem>>)
    %add3A_54 = arith.constant 196608 : i32
    %add3A_55 = arith.addi %mul3A_2, %add3A_54 : i32
    %dma_start3A_56 = tpu.memref_slice %arg4[%add3A_55] : memref<20971520xf32, #tpu.memory_space<hbm>> -> memref<16384xf32, #tpu.memory_space<hbm>>
    %dma_start3A_57 = tpu.memref_slice %arg4[%add3A_55] : memref<20971520xf32, #tpu.memory_space<hbm>> -> memref<16384xf32, #tpu.memory_space<hbm>>
    tpu.enqueue_dma source(%arg5 : memref<16384xf32, #tpu.memory_space<vmem>>) target(%dma_start3A_57 : memref<16384xf32, #tpu.memory_space<hbm>>) target_semaphore(%arg8 : memref<!tpu.dma_semaphore, #tpu.memory_space<semaphore_mem>>)
    %add3A_58 = arith.constant 212992 : i32
    %add3A_59 = arith.addi %mul3A_2, %add3A_58 : i32
    %dma_start3A_60 = tpu.memref_slice %arg4[%add3A_59] : memref<20971520xf32, #tpu.memory_space<hbm>> -> memref<16384xf32, #tpu.memory_space<hbm>>
    %dma_start3A_61 = tpu.memref_slice %arg4[%add3A_59] : memref<20971520xf32, #tpu.memory_space<hbm>> -> memref<16384xf32, #tpu.memory_space<hbm>>
    tpu.enqueue_dma source(%arg5 : memref<16384xf32, #tpu.memory_space<vmem>>) target(%dma_start3A_61 : memref<16384xf32, #tpu.memory_space<hbm>>) target_semaphore(%arg8 : memref<!tpu.dma_semaphore, #tpu.memory_space<semaphore_mem>>)
    %add3A_62 = arith.constant 229376 : i32
    %add3A_63 = arith.addi %mul3A_2, %add3A_62 : i32
    %dma_start3A_64 = tpu.memref_slice %arg4[%add3A_63] : memref<20971520xf32, #tpu.memory_space<hbm>> -> memref<16384xf32, #tpu.memory_space<hbm>>
    %dma_start3A_65 = tpu.memref_slice %arg4[%add3A_63] : memref<20971520xf32, #tpu.memory_space<hbm>> -> memref<16384xf32, #tpu.memory_space<hbm>>
    tpu.enqueue_dma source(%arg5 : memref<16384xf32, #tpu.memory_space<vmem>>) target(%dma_start3A_65 : memref<16384xf32, #tpu.memory_space<hbm>>) target_semaphore(%arg8 : memref<!tpu.dma_semaphore, #tpu.memory_space<semaphore_mem>>)
    %add3A_66 = arith.constant 245760 : i32
    %add3A_67 = arith.addi %mul3A_2, %add3A_66 : i32
    %dma_start3A_68 = tpu.memref_slice %arg4[%add3A_67] : memref<20971520xf32, #tpu.memory_space<hbm>> -> memref<16384xf32, #tpu.memory_space<hbm>>
    %dma_start3A_69 = tpu.memref_slice %arg4[%add3A_67] : memref<20971520xf32, #tpu.memory_space<hbm>> -> memref<16384xf32, #tpu.memory_space<hbm>>
    tpu.enqueue_dma source(%arg5 : memref<16384xf32, #tpu.memory_space<vmem>>) target(%dma_start3A_69 : memref<16384xf32, #tpu.memory_space<hbm>>) target_semaphore(%arg8 : memref<!tpu.dma_semaphore, #tpu.memory_space<semaphore_mem>>)
    %add3A_70 = arith.constant 262144 : i32
    %add3A_71 = arith.addi %mul3A_2, %add3A_70 : i32
    %dma_start3A_72 = tpu.memref_slice %arg4[%add3A_71] : memref<20971520xf32, #tpu.memory_space<hbm>> -> memref<16384xf32, #tpu.memory_space<hbm>>
    %dma_start3A_73 = tpu.memref_slice %arg4[%add3A_71] : memref<20971520xf32, #tpu.memory_space<hbm>> -> memref<16384xf32, #tpu.memory_space<hbm>>
    tpu.enqueue_dma source(%arg5 : memref<16384xf32, #tpu.memory_space<vmem>>) target(%dma_start3A_73 : memref<16384xf32, #tpu.memory_space<hbm>>) target_semaphore(%arg8 : memref<!tpu.dma_semaphore, #tpu.memory_space<semaphore_mem>>)
    %add3A_74 = arith.constant 278528 : i32
    %add3A_75 = arith.addi %mul3A_2, %add3A_74 : i32
    %dma_start3A_76 = tpu.memref_slice %arg4[%add3A_75] : memref<20971520xf32, #tpu.memory_space<hbm>> -> memref<16384xf32, #tpu.memory_space<hbm>>
    %dma_start3A_77 = tpu.memref_slice %arg4[%add3A_75] : memref<20971520xf32, #tpu.memory_space<hbm>> -> memref<16384xf32, #tpu.memory_space<hbm>>
    tpu.enqueue_dma source(%arg5 : memref<16384xf32, #tpu.memory_space<vmem>>) target(%dma_start3A_77 : memref<16384xf32, #tpu.memory_space<hbm>>) target_semaphore(%arg8 : memref<!tpu.dma_semaphore, #tpu.memory_space<semaphore_mem>>)
    %add3A_78 = arith.constant 294912 : i32
    %add3A_79 = arith.addi %mul3A_2, %add3A_78 : i32
    %dma_start3A_80 = tpu.memref_slice %arg4[%add3A_79] : memref<20971520xf32, #tpu.memory_space<hbm>> -> memref<16384xf32, #tpu.memory_space<hbm>>
    %dma_start3A_81 = tpu.memref_slice %arg4[%add3A_79] : memref<20971520xf32, #tpu.memory_space<hbm>> -> memref<16384xf32, #tpu.memory_space<hbm>>
    tpu.enqueue_dma source(%arg5 : memref<16384xf32, #tpu.memory_space<vmem>>) target(%dma_start3A_81 : memref<16384xf32, #tpu.memory_space<hbm>>) target_semaphore(%arg8 : memref<!tpu.dma_semaphore, #tpu.memory_space<semaphore_mem>>)
    %add3A_82 = arith.constant 311296 : i32
    %add3A_83 = arith.addi %mul3A_2, %add3A_82 : i32
    %dma_start3A_84 = tpu.memref_slice %arg4[%add3A_83] : memref<20971520xf32, #tpu.memory_space<hbm>> -> memref<16384xf32, #tpu.memory_space<hbm>>
    %dma_start3A_85 = tpu.memref_slice %arg4[%add3A_83] : memref<20971520xf32, #tpu.memory_space<hbm>> -> memref<16384xf32, #tpu.memory_space<hbm>>
    tpu.enqueue_dma source(%arg5 : memref<16384xf32, #tpu.memory_space<vmem>>) target(%dma_start3A_85 : memref<16384xf32, #tpu.memory_space<hbm>>) target_semaphore(%arg8 : memref<!tpu.dma_semaphore, #tpu.memory_space<semaphore_mem>>)
    %add3A_86 = arith.constant 327680 : i32
    %add3A_87 = arith.addi %mul3A_2, %add3A_86 : i32
    %dma_start3A_88 = tpu.memref_slice %arg4[%add3A_87] : memref<20971520xf32, #tpu.memory_space<hbm>> -> memref<16384xf32, #tpu.memory_space<hbm>>
    %dma_start3A_89 = tpu.memref_slice %arg4[%add3A_87] : memref<20971520xf32, #tpu.memory_space<hbm>> -> memref<16384xf32, #tpu.memory_space<hbm>>
    tpu.enqueue_dma source(%arg5 : memref<16384xf32, #tpu.memory_space<vmem>>) target(%dma_start3A_89 : memref<16384xf32, #tpu.memory_space<hbm>>) target_semaphore(%arg8 : memref<!tpu.dma_semaphore, #tpu.memory_space<semaphore_mem>>)
    %add3A_90 = arith.constant 344064 : i32
    %add3A_91 = arith.addi %mul3A_2, %add3A_90 : i32
    %dma_start3A_92 = tpu.memref_slice %arg4[%add3A_91] : memref<20971520xf32, #tpu.memory_space<hbm>> -> memref<16384xf32, #tpu.memory_space<hbm>>
    %dma_start3A_93 = tpu.memref_slice %arg4[%add3A_91] : memref<20971520xf32, #tpu.memory_space<hbm>> -> memref<16384xf32, #tpu.memory_space<hbm>>
    tpu.enqueue_dma source(%arg5 : memref<16384xf32, #tpu.memory_space<vmem>>) target(%dma_start3A_93 : memref<16384xf32, #tpu.memory_space<hbm>>) target_semaphore(%arg8 : memref<!tpu.dma_semaphore, #tpu.memory_space<semaphore_mem>>)
    %add3A_94 = arith.constant 360448 : i32
    %add3A_95 = arith.addi %mul3A_2, %add3A_94 : i32
    %dma_start3A_96 = tpu.memref_slice %arg4[%add3A_95] : memref<20971520xf32, #tpu.memory_space<hbm>> -> memref<16384xf32, #tpu.memory_space<hbm>>
    %dma_start3A_97 = tpu.memref_slice %arg4[%add3A_95] : memref<20971520xf32, #tpu.memory_space<hbm>> -> memref<16384xf32, #tpu.memory_space<hbm>>
    tpu.enqueue_dma source(%arg5 : memref<16384xf32, #tpu.memory_space<vmem>>) target(%dma_start3A_97 : memref<16384xf32, #tpu.memory_space<hbm>>) target_semaphore(%arg8 : memref<!tpu.dma_semaphore, #tpu.memory_space<semaphore_mem>>)
    %add3A_98 = arith.constant 376832 : i32
    %add3A_99 = arith.addi %mul3A_2, %add3A_98 : i32
    %dma_start3A_100 = tpu.memref_slice %arg4[%add3A_99] : memref<20971520xf32, #tpu.memory_space<hbm>> -> memref<16384xf32, #tpu.memory_space<hbm>>
    %dma_start3A_101 = tpu.memref_slice %arg4[%add3A_99] : memref<20971520xf32, #tpu.memory_space<hbm>> -> memref<16384xf32, #tpu.memory_space<hbm>>
    tpu.enqueue_dma source(%arg5 : memref<16384xf32, #tpu.memory_space<vmem>>) target(%dma_start3A_101 : memref<16384xf32, #tpu.memory_space<hbm>>) target_semaphore(%arg8 : memref<!tpu.dma_semaphore, #tpu.memory_space<semaphore_mem>>)
    %add3A_102 = arith.constant 393216 : i32
    %add3A_103 = arith.addi %mul3A_2, %add3A_102 : i32
    %dma_start3A_104 = tpu.memref_slice %arg4[%add3A_103] : memref<20971520xf32, #tpu.memory_space<hbm>> -> memref<16384xf32, #tpu.memory_space<hbm>>
    %dma_start3A_105 = tpu.memref_slice %arg4[%add3A_103] : memref<20971520xf32, #tpu.memory_space<hbm>> -> memref<16384xf32, #tpu.memory_space<hbm>>
    tpu.enqueue_dma source(%arg5 : memref<16384xf32, #tpu.memory_space<vmem>>) target(%dma_start3A_105 : memref<16384xf32, #tpu.memory_space<hbm>>) target_semaphore(%arg8 : memref<!tpu.dma_semaphore, #tpu.memory_space<semaphore_mem>>)
    %add3A_106 = arith.constant 409600 : i32
    %add3A_107 = arith.addi %mul3A_2, %add3A_106 : i32
    %dma_start3A_108 = tpu.memref_slice %arg4[%add3A_107] : memref<20971520xf32, #tpu.memory_space<hbm>> -> memref<16384xf32, #tpu.memory_space<hbm>>
    %dma_start3A_109 = tpu.memref_slice %arg4[%add3A_107] : memref<20971520xf32, #tpu.memory_space<hbm>> -> memref<16384xf32, #tpu.memory_space<hbm>>
    tpu.enqueue_dma source(%arg5 : memref<16384xf32, #tpu.memory_space<vmem>>) target(%dma_start3A_109 : memref<16384xf32, #tpu.memory_space<hbm>>) target_semaphore(%arg8 : memref<!tpu.dma_semaphore, #tpu.memory_space<semaphore_mem>>)
    %add3A_110 = arith.constant 425984 : i32
    %add3A_111 = arith.addi %mul3A_2, %add3A_110 : i32
    %dma_start3A_112 = tpu.memref_slice %arg4[%add3A_111] : memref<20971520xf32, #tpu.memory_space<hbm>> -> memref<16384xf32, #tpu.memory_space<hbm>>
    %dma_start3A_113 = tpu.memref_slice %arg4[%add3A_111] : memref<20971520xf32, #tpu.memory_space<hbm>> -> memref<16384xf32, #tpu.memory_space<hbm>>
    tpu.enqueue_dma source(%arg5 : memref<16384xf32, #tpu.memory_space<vmem>>) target(%dma_start3A_113 : memref<16384xf32, #tpu.memory_space<hbm>>) target_semaphore(%arg8 : memref<!tpu.dma_semaphore, #tpu.memory_space<semaphore_mem>>)
    %add3A_114 = arith.constant 442368 : i32
    %add3A_115 = arith.addi %mul3A_2, %add3A_114 : i32
    %dma_start3A_116 = tpu.memref_slice %arg4[%add3A_115] : memref<20971520xf32, #tpu.memory_space<hbm>> -> memref<16384xf32, #tpu.memory_space<hbm>>
    %dma_start3A_117 = tpu.memref_slice %arg4[%add3A_115] : memref<20971520xf32, #tpu.memory_space<hbm>> -> memref<16384xf32, #tpu.memory_space<hbm>>
    tpu.enqueue_dma source(%arg5 : memref<16384xf32, #tpu.memory_space<vmem>>) target(%dma_start3A_117 : memref<16384xf32, #tpu.memory_space<hbm>>) target_semaphore(%arg8 : memref<!tpu.dma_semaphore, #tpu.memory_space<semaphore_mem>>)
    %add3A_118 = arith.constant 458752 : i32
    %add3A_119 = arith.addi %mul3A_2, %add3A_118 : i32
    %dma_start3A_120 = tpu.memref_slice %arg4[%add3A_119] : memref<20971520xf32, #tpu.memory_space<hbm>> -> memref<16384xf32, #tpu.memory_space<hbm>>
    %dma_start3A_121 = tpu.memref_slice %arg4[%add3A_119] : memref<20971520xf32, #tpu.memory_space<hbm>> -> memref<16384xf32, #tpu.memory_space<hbm>>
    tpu.enqueue_dma source(%arg5 : memref<16384xf32, #tpu.memory_space<vmem>>) target(%dma_start3A_121 : memref<16384xf32, #tpu.memory_space<hbm>>) target_semaphore(%arg8 : memref<!tpu.dma_semaphore, #tpu.memory_space<semaphore_mem>>)
    %add3A_122 = arith.constant 475136 : i32
    %add3A_123 = arith.addi %mul3A_2, %add3A_122 : i32
    %dma_start3A_124 = tpu.memref_slice %arg4[%add3A_123] : memref<20971520xf32, #tpu.memory_space<hbm>> -> memref<16384xf32, #tpu.memory_space<hbm>>
    %dma_start3A_125 = tpu.memref_slice %arg4[%add3A_123] : memref<20971520xf32, #tpu.memory_space<hbm>> -> memref<16384xf32, #tpu.memory_space<hbm>>
    tpu.enqueue_dma source(%arg5 : memref<16384xf32, #tpu.memory_space<vmem>>) target(%dma_start3A_125 : memref<16384xf32, #tpu.memory_space<hbm>>) target_semaphore(%arg8 : memref<!tpu.dma_semaphore, #tpu.memory_space<semaphore_mem>>)
    %add3A_126 = arith.constant 491520 : i32
    %add3A_127 = arith.addi %mul3A_2, %add3A_126 : i32
    %dma_start3A_128 = tpu.memref_slice %arg4[%add3A_127] : memref<20971520xf32, #tpu.memory_space<hbm>> -> memref<16384xf32, #tpu.memory_space<hbm>>
    %dma_start3A_129 = tpu.memref_slice %arg4[%add3A_127] : memref<20971520xf32, #tpu.memory_space<hbm>> -> memref<16384xf32, #tpu.memory_space<hbm>>
    tpu.enqueue_dma source(%arg5 : memref<16384xf32, #tpu.memory_space<vmem>>) target(%dma_start3A_129 : memref<16384xf32, #tpu.memory_space<hbm>>) target_semaphore(%arg8 : memref<!tpu.dma_semaphore, #tpu.memory_space<semaphore_mem>>)
    %add3A_130 = arith.constant 507904 : i32
    %add3A_131 = arith.addi %mul3A_2, %add3A_130 : i32
    %dma_start3A_132 = tpu.memref_slice %arg4[%add3A_131] : memref<20971520xf32, #tpu.memory_space<hbm>> -> memref<16384xf32, #tpu.memory_space<hbm>>
    %dma_start3A_133 = tpu.memref_slice %arg4[%add3A_131] : memref<20971520xf32, #tpu.memory_space<hbm>> -> memref<16384xf32, #tpu.memory_space<hbm>>
    tpu.enqueue_dma source(%arg5 : memref<16384xf32, #tpu.memory_space<vmem>>) target(%dma_start3A_133 : memref<16384xf32, #tpu.memory_space<hbm>>) target_semaphore(%arg8 : memref<!tpu.dma_semaphore, #tpu.memory_space<semaphore_mem>>)
    %add3A_134 = arith.constant 524288 : i32
    %add3A_135 = arith.addi %mul3A_2, %add3A_134 : i32
    %dma_start3A_136 = tpu.memref_slice %arg4[%add3A_135] : memref<20971520xf32, #tpu.memory_space<hbm>> -> memref<16384xf32, #tpu.memory_space<hbm>>
    %dma_start3A_137 = tpu.memref_slice %arg4[%add3A_135] : memref<20971520xf32, #tpu.memory_space<hbm>> -> memref<16384xf32, #tpu.memory_space<hbm>>
    tpu.enqueue_dma source(%arg5 : memref<16384xf32, #tpu.memory_space<vmem>>) target(%dma_start3A_137 : memref<16384xf32, #tpu.memory_space<hbm>>) target_semaphore(%arg8 : memref<!tpu.dma_semaphore, #tpu.memory_space<semaphore_mem>>)
    %add3A_138 = arith.constant 540672 : i32
    %add3A_139 = arith.addi %mul3A_2, %add3A_138 : i32
    %dma_start3A_140 = tpu.memref_slice %arg4[%add3A_139] : memref<20971520xf32, #tpu.memory_space<hbm>> -> memref<16384xf32, #tpu.memory_space<hbm>>
    %dma_start3A_141 = tpu.memref_slice %arg4[%add3A_139] : memref<20971520xf32, #tpu.memory_space<hbm>> -> memref<16384xf32, #tpu.memory_space<hbm>>
    tpu.enqueue_dma source(%arg5 : memref<16384xf32, #tpu.memory_space<vmem>>) target(%dma_start3A_141 : memref<16384xf32, #tpu.memory_space<hbm>>) target_semaphore(%arg8 : memref<!tpu.dma_semaphore, #tpu.memory_space<semaphore_mem>>)
    %add3A_142 = arith.constant 557056 : i32
    %add3A_143 = arith.addi %mul3A_2, %add3A_142 : i32
    %dma_start3A_144 = tpu.memref_slice %arg4[%add3A_143] : memref<20971520xf32, #tpu.memory_space<hbm>> -> memref<16384xf32, #tpu.memory_space<hbm>>
    %dma_start3A_145 = tpu.memref_slice %arg4[%add3A_143] : memref<20971520xf32, #tpu.memory_space<hbm>> -> memref<16384xf32, #tpu.memory_space<hbm>>
    tpu.enqueue_dma source(%arg5 : memref<16384xf32, #tpu.memory_space<vmem>>) target(%dma_start3A_145 : memref<16384xf32, #tpu.memory_space<hbm>>) target_semaphore(%arg8 : memref<!tpu.dma_semaphore, #tpu.memory_space<semaphore_mem>>)
    %add3A_146 = arith.constant 573440 : i32
    %add3A_147 = arith.addi %mul3A_2, %add3A_146 : i32
    %dma_start3A_148 = tpu.memref_slice %arg4[%add3A_147] : memref<20971520xf32, #tpu.memory_space<hbm>> -> memref<16384xf32, #tpu.memory_space<hbm>>
    %dma_start3A_149 = tpu.memref_slice %arg4[%add3A_147] : memref<20971520xf32, #tpu.memory_space<hbm>> -> memref<16384xf32, #tpu.memory_space<hbm>>
    tpu.enqueue_dma source(%arg5 : memref<16384xf32, #tpu.memory_space<vmem>>) target(%dma_start3A_149 : memref<16384xf32, #tpu.memory_space<hbm>>) target_semaphore(%arg8 : memref<!tpu.dma_semaphore, #tpu.memory_space<semaphore_mem>>)
    %add3A_150 = arith.constant 589824 : i32
    %add3A_151 = arith.addi %mul3A_2, %add3A_150 : i32
    %dma_start3A_152 = tpu.memref_slice %arg4[%add3A_151] : memref<20971520xf32, #tpu.memory_space<hbm>> -> memref<16384xf32, #tpu.memory_space<hbm>>
    %dma_start3A_153 = tpu.memref_slice %arg4[%add3A_151] : memref<20971520xf32, #tpu.memory_space<hbm>> -> memref<16384xf32, #tpu.memory_space<hbm>>
    tpu.enqueue_dma source(%arg5 : memref<16384xf32, #tpu.memory_space<vmem>>) target(%dma_start3A_153 : memref<16384xf32, #tpu.memory_space<hbm>>) target_semaphore(%arg8 : memref<!tpu.dma_semaphore, #tpu.memory_space<semaphore_mem>>)
    %add3A_154 = arith.constant 606208 : i32
    %add3A_155 = arith.addi %mul3A_2, %add3A_154 : i32
    %dma_start3A_156 = tpu.memref_slice %arg4[%add3A_155] : memref<20971520xf32, #tpu.memory_space<hbm>> -> memref<16384xf32, #tpu.memory_space<hbm>>
    %dma_start3A_157 = tpu.memref_slice %arg4[%add3A_155] : memref<20971520xf32, #tpu.memory_space<hbm>> -> memref<16384xf32, #tpu.memory_space<hbm>>
    tpu.enqueue_dma source(%arg5 : memref<16384xf32, #tpu.memory_space<vmem>>) target(%dma_start3A_157 : memref<16384xf32, #tpu.memory_space<hbm>>) target_semaphore(%arg8 : memref<!tpu.dma_semaphore, #tpu.memory_space<semaphore_mem>>)
    %add3A_158 = arith.constant 622592 : i32
    %add3A_159 = arith.addi %mul3A_2, %add3A_158 : i32
    %dma_start3A_160 = tpu.memref_slice %arg4[%add3A_159] : memref<20971520xf32, #tpu.memory_space<hbm>> -> memref<16384xf32, #tpu.memory_space<hbm>>
    %dma_start3A_161 = tpu.memref_slice %arg4[%add3A_159] : memref<20971520xf32, #tpu.memory_space<hbm>> -> memref<16384xf32, #tpu.memory_space<hbm>>
    tpu.enqueue_dma source(%arg5 : memref<16384xf32, #tpu.memory_space<vmem>>) target(%dma_start3A_161 : memref<16384xf32, #tpu.memory_space<hbm>>) target_semaphore(%arg8 : memref<!tpu.dma_semaphore, #tpu.memory_space<semaphore_mem>>)
    %add3A_162 = arith.constant 638976 : i32
    %add3A_163 = arith.addi %mul3A_2, %add3A_162 : i32
    %dma_start3A_164 = tpu.memref_slice %arg4[%add3A_163] : memref<20971520xf32, #tpu.memory_space<hbm>> -> memref<16384xf32, #tpu.memory_space<hbm>>
    %dma_start3A_165 = tpu.memref_slice %arg4[%add3A_163] : memref<20971520xf32, #tpu.memory_space<hbm>> -> memref<16384xf32, #tpu.memory_space<hbm>>
    tpu.enqueue_dma source(%arg5 : memref<16384xf32, #tpu.memory_space<vmem>>) target(%dma_start3A_165 : memref<16384xf32, #tpu.memory_space<hbm>>) target_semaphore(%arg8 : memref<!tpu.dma_semaphore, #tpu.memory_space<semaphore_mem>>)
    %dma_wait3A = tpu.memref_slice %arg4[%add3A_8] : memref<20971520xf32, #tpu.memory_space<hbm>> -> memref<16384xf32, #tpu.memory_space<hbm>>
    %dma_wait3A_166 = tpu.memref_slice %arg4[%add3A_8] : memref<20971520xf32, #tpu.memory_space<hbm>> -> memref<16384xf32, #tpu.memory_space<hbm>>
    tpu.wait_dma2 semaphore(%arg8 : memref<!tpu.dma_semaphore, #tpu.memory_space<semaphore_mem>>) src(%arg5 : memref<16384xf32, #tpu.memory_space<vmem>>) dst(%dma_wait3A_166 : memref<16384xf32, #tpu.memory_space<hbm>>)
    %dma_wait3A_167 = tpu.memref_slice %arg4[%add3A_11] : memref<20971520xf32, #tpu.memory_space<hbm>> -> memref<16384xf32, #tpu.memory_space<hbm>>
    %dma_wait3A_168 = tpu.memref_slice %arg4[%add3A_11] : memref<20971520xf32, #tpu.memory_space<hbm>> -> memref<16384xf32, #tpu.memory_space<hbm>>
    tpu.wait_dma2 semaphore(%arg8 : memref<!tpu.dma_semaphore, #tpu.memory_space<semaphore_mem>>) src(%arg5 : memref<16384xf32, #tpu.memory_space<vmem>>) dst(%dma_wait3A_168 : memref<16384xf32, #tpu.memory_space<hbm>>)
    %dma_wait3A_169 = tpu.memref_slice %arg4[%add3A_15] : memref<20971520xf32, #tpu.memory_space<hbm>> -> memref<16384xf32, #tpu.memory_space<hbm>>
    %dma_wait3A_170 = tpu.memref_slice %arg4[%add3A_15] : memref<20971520xf32, #tpu.memory_space<hbm>> -> memref<16384xf32, #tpu.memory_space<hbm>>
    tpu.wait_dma2 semaphore(%arg8 : memref<!tpu.dma_semaphore, #tpu.memory_space<semaphore_mem>>) src(%arg5 : memref<16384xf32, #tpu.memory_space<vmem>>) dst(%dma_wait3A_170 : memref<16384xf32, #tpu.memory_space<hbm>>)
    %dma_wait3A_171 = tpu.memref_slice %arg4[%add3A_19] : memref<20971520xf32, #tpu.memory_space<hbm>> -> memref<16384xf32, #tpu.memory_space<hbm>>
    %dma_wait3A_172 = tpu.memref_slice %arg4[%add3A_19] : memref<20971520xf32, #tpu.memory_space<hbm>> -> memref<16384xf32, #tpu.memory_space<hbm>>
    tpu.wait_dma2 semaphore(%arg8 : memref<!tpu.dma_semaphore, #tpu.memory_space<semaphore_mem>>) src(%arg5 : memref<16384xf32, #tpu.memory_space<vmem>>) dst(%dma_wait3A_172 : memref<16384xf32, #tpu.memory_space<hbm>>)
    %dma_wait3A_173 = tpu.memref_slice %arg4[%add3A_23] : memref<20971520xf32, #tpu.memory_space<hbm>> -> memref<16384xf32, #tpu.memory_space<hbm>>
    %dma_wait3A_174 = tpu.memref_slice %arg4[%add3A_23] : memref<20971520xf32, #tpu.memory_space<hbm>> -> memref<16384xf32, #tpu.memory_space<hbm>>
    tpu.wait_dma2 semaphore(%arg8 : memref<!tpu.dma_semaphore, #tpu.memory_space<semaphore_mem>>) src(%arg5 : memref<16384xf32, #tpu.memory_space<vmem>>) dst(%dma_wait3A_174 : memref<16384xf32, #tpu.memory_space<hbm>>)
    %dma_wait3A_175 = tpu.memref_slice %arg4[%add3A_27] : memref<20971520xf32, #tpu.memory_space<hbm>> -> memref<16384xf32, #tpu.memory_space<hbm>>
    %dma_wait3A_176 = tpu.memref_slice %arg4[%add3A_27] : memref<20971520xf32, #tpu.memory_space<hbm>> -> memref<16384xf32, #tpu.memory_space<hbm>>
    tpu.wait_dma2 semaphore(%arg8 : memref<!tpu.dma_semaphore, #tpu.memory_space<semaphore_mem>>) src(%arg5 : memref<16384xf32, #tpu.memory_space<vmem>>) dst(%dma_wait3A_176 : memref<16384xf32, #tpu.memory_space<hbm>>)
    %dma_wait3A_177 = tpu.memref_slice %arg4[%add3A_31] : memref<20971520xf32, #tpu.memory_space<hbm>> -> memref<16384xf32, #tpu.memory_space<hbm>>
    %dma_wait3A_178 = tpu.memref_slice %arg4[%add3A_31] : memref<20971520xf32, #tpu.memory_space<hbm>> -> memref<16384xf32, #tpu.memory_space<hbm>>
    tpu.wait_dma2 semaphore(%arg8 : memref<!tpu.dma_semaphore, #tpu.memory_space<semaphore_mem>>) src(%arg5 : memref<16384xf32, #tpu.memory_space<vmem>>) dst(%dma_wait3A_178 : memref<16384xf32, #tpu.memory_space<hbm>>)
    %dma_wait3A_179 = tpu.memref_slice %arg4[%add3A_35] : memref<20971520xf32, #tpu.memory_space<hbm>> -> memref<16384xf32, #tpu.memory_space<hbm>>
    %dma_wait3A_180 = tpu.memref_slice %arg4[%add3A_35] : memref<20971520xf32, #tpu.memory_space<hbm>> -> memref<16384xf32, #tpu.memory_space<hbm>>
    tpu.wait_dma2 semaphore(%arg8 : memref<!tpu.dma_semaphore, #tpu.memory_space<semaphore_mem>>) src(%arg5 : memref<16384xf32, #tpu.memory_space<vmem>>) dst(%dma_wait3A_180 : memref<16384xf32, #tpu.memory_space<hbm>>)
    %dma_wait3A_181 = tpu.memref_slice %arg4[%add3A_39] : memref<20971520xf32, #tpu.memory_space<hbm>> -> memref<16384xf32, #tpu.memory_space<hbm>>
    %dma_wait3A_182 = tpu.memref_slice %arg4[%add3A_39] : memref<20971520xf32, #tpu.memory_space<hbm>> -> memref<16384xf32, #tpu.memory_space<hbm>>
    tpu.wait_dma2 semaphore(%arg8 : memref<!tpu.dma_semaphore, #tpu.memory_space<semaphore_mem>>) src(%arg5 : memref<16384xf32, #tpu.memory_space<vmem>>) dst(%dma_wait3A_182 : memref<16384xf32, #tpu.memory_space<hbm>>)
    %dma_wait3A_183 = tpu.memref_slice %arg4[%add3A_43] : memref<20971520xf32, #tpu.memory_space<hbm>> -> memref<16384xf32, #tpu.memory_space<hbm>>
    %dma_wait3A_184 = tpu.memref_slice %arg4[%add3A_43] : memref<20971520xf32, #tpu.memory_space<hbm>> -> memref<16384xf32, #tpu.memory_space<hbm>>
    tpu.wait_dma2 semaphore(%arg8 : memref<!tpu.dma_semaphore, #tpu.memory_space<semaphore_mem>>) src(%arg5 : memref<16384xf32, #tpu.memory_space<vmem>>) dst(%dma_wait3A_184 : memref<16384xf32, #tpu.memory_space<hbm>>)
    %dma_wait3A_185 = tpu.memref_slice %arg4[%add3A_47] : memref<20971520xf32, #tpu.memory_space<hbm>> -> memref<16384xf32, #tpu.memory_space<hbm>>
    %dma_wait3A_186 = tpu.memref_slice %arg4[%add3A_47] : memref<20971520xf32, #tpu.memory_space<hbm>> -> memref<16384xf32, #tpu.memory_space<hbm>>
    tpu.wait_dma2 semaphore(%arg8 : memref<!tpu.dma_semaphore, #tpu.memory_space<semaphore_mem>>) src(%arg5 : memref<16384xf32, #tpu.memory_space<vmem>>) dst(%dma_wait3A_186 : memref<16384xf32, #tpu.memory_space<hbm>>)
    %dma_wait3A_187 = tpu.memref_slice %arg4[%add3A_51] : memref<20971520xf32, #tpu.memory_space<hbm>> -> memref<16384xf32, #tpu.memory_space<hbm>>
    %dma_wait3A_188 = tpu.memref_slice %arg4[%add3A_51] : memref<20971520xf32, #tpu.memory_space<hbm>> -> memref<16384xf32, #tpu.memory_space<hbm>>
    tpu.wait_dma2 semaphore(%arg8 : memref<!tpu.dma_semaphore, #tpu.memory_space<semaphore_mem>>) src(%arg5 : memref<16384xf32, #tpu.memory_space<vmem>>) dst(%dma_wait3A_188 : memref<16384xf32, #tpu.memory_space<hbm>>)
    %dma_wait3A_189 = tpu.memref_slice %arg4[%add3A_55] : memref<20971520xf32, #tpu.memory_space<hbm>> -> memref<16384xf32, #tpu.memory_space<hbm>>
    %dma_wait3A_190 = tpu.memref_slice %arg4[%add3A_55] : memref<20971520xf32, #tpu.memory_space<hbm>> -> memref<16384xf32, #tpu.memory_space<hbm>>
    tpu.wait_dma2 semaphore(%arg8 : memref<!tpu.dma_semaphore, #tpu.memory_space<semaphore_mem>>) src(%arg5 : memref<16384xf32, #tpu.memory_space<vmem>>) dst(%dma_wait3A_190 : memref<16384xf32, #tpu.memory_space<hbm>>)
    %dma_wait3A_191 = tpu.memref_slice %arg4[%add3A_59] : memref<20971520xf32, #tpu.memory_space<hbm>> -> memref<16384xf32, #tpu.memory_space<hbm>>
    %dma_wait3A_192 = tpu.memref_slice %arg4[%add3A_59] : memref<20971520xf32, #tpu.memory_space<hbm>> -> memref<16384xf32, #tpu.memory_space<hbm>>
    tpu.wait_dma2 semaphore(%arg8 : memref<!tpu.dma_semaphore, #tpu.memory_space<semaphore_mem>>) src(%arg5 : memref<16384xf32, #tpu.memory_space<vmem>>) dst(%dma_wait3A_192 : memref<16384xf32, #tpu.memory_space<hbm>>)
    %dma_wait3A_193 = tpu.memref_slice %arg4[%add3A_63] : memref<20971520xf32, #tpu.memory_space<hbm>> -> memref<16384xf32, #tpu.memory_space<hbm>>
    %dma_wait3A_194 = tpu.memref_slice %arg4[%add3A_63] : memref<20971520xf32, #tpu.memory_space<hbm>> -> memref<16384xf32, #tpu.memory_space<hbm>>
    tpu.wait_dma2 semaphore(%arg8 : memref<!tpu.dma_semaphore, #tpu.memory_space<semaphore_mem>>) src(%arg5 : memref<16384xf32, #tpu.memory_space<vmem>>) dst(%dma_wait3A_194 : memref<16384xf32, #tpu.memory_space<hbm>>)
    %dma_wait3A_195 = tpu.memref_slice %arg4[%add3A_67] : memref<20971520xf32, #tpu.memory_space<hbm>> -> memref<16384xf32, #tpu.memory_space<hbm>>
    %dma_wait3A_196 = tpu.memref_slice %arg4[%add3A_67] : memref<20971520xf32, #tpu.memory_space<hbm>> -> memref<16384xf32, #tpu.memory_space<hbm>>
    tpu.wait_dma2 semaphore(%arg8 : memref<!tpu.dma_semaphore, #tpu.memory_space<semaphore_mem>>) src(%arg5 : memref<16384xf32, #tpu.memory_space<vmem>>) dst(%dma_wait3A_196 : memref<16384xf32, #tpu.memory_space<hbm>>)
    %dma_wait3A_197 = tpu.memref_slice %arg4[%add3A_71] : memref<20971520xf32, #tpu.memory_space<hbm>> -> memref<16384xf32, #tpu.memory_space<hbm>>
    %dma_wait3A_198 = tpu.memref_slice %arg4[%add3A_71] : memref<20971520xf32, #tpu.memory_space<hbm>> -> memref<16384xf32, #tpu.memory_space<hbm>>
    tpu.wait_dma2 semaphore(%arg8 : memref<!tpu.dma_semaphore, #tpu.memory_space<semaphore_mem>>) src(%arg5 : memref<16384xf32, #tpu.memory_space<vmem>>) dst(%dma_wait3A_198 : memref<16384xf32, #tpu.memory_space<hbm>>)
    %dma_wait3A_199 = tpu.memref_slice %arg4[%add3A_75] : memref<20971520xf32, #tpu.memory_space<hbm>> -> memref<16384xf32, #tpu.memory_space<hbm>>
    %dma_wait3A_200 = tpu.memref_slice %arg4[%add3A_75] : memref<20971520xf32, #tpu.memory_space<hbm>> -> memref<16384xf32, #tpu.memory_space<hbm>>
    tpu.wait_dma2 semaphore(%arg8 : memref<!tpu.dma_semaphore, #tpu.memory_space<semaphore_mem>>) src(%arg5 : memref<16384xf32, #tpu.memory_space<vmem>>) dst(%dma_wait3A_200 : memref<16384xf32, #tpu.memory_space<hbm>>)
    %dma_wait3A_201 = tpu.memref_slice %arg4[%add3A_79] : memref<20971520xf32, #tpu.memory_space<hbm>> -> memref<16384xf32, #tpu.memory_space<hbm>>
    %dma_wait3A_202 = tpu.memref_slice %arg4[%add3A_79] : memref<20971520xf32, #tpu.memory_space<hbm>> -> memref<16384xf32, #tpu.memory_space<hbm>>
    tpu.wait_dma2 semaphore(%arg8 : memref<!tpu.dma_semaphore, #tpu.memory_space<semaphore_mem>>) src(%arg5 : memref<16384xf32, #tpu.memory_space<vmem>>) dst(%dma_wait3A_202 : memref<16384xf32, #tpu.memory_space<hbm>>)
    %dma_wait3A_203 = tpu.memref_slice %arg4[%add3A_83] : memref<20971520xf32, #tpu.memory_space<hbm>> -> memref<16384xf32, #tpu.memory_space<hbm>>
    %dma_wait3A_204 = tpu.memref_slice %arg4[%add3A_83] : memref<20971520xf32, #tpu.memory_space<hbm>> -> memref<16384xf32, #tpu.memory_space<hbm>>
    tpu.wait_dma2 semaphore(%arg8 : memref<!tpu.dma_semaphore, #tpu.memory_space<semaphore_mem>>) src(%arg5 : memref<16384xf32, #tpu.memory_space<vmem>>) dst(%dma_wait3A_204 : memref<16384xf32, #tpu.memory_space<hbm>>)
    %dma_wait3A_205 = tpu.memref_slice %arg4[%add3A_87] : memref<20971520xf32, #tpu.memory_space<hbm>> -> memref<16384xf32, #tpu.memory_space<hbm>>
    %dma_wait3A_206 = tpu.memref_slice %arg4[%add3A_87] : memref<20971520xf32, #tpu.memory_space<hbm>> -> memref<16384xf32, #tpu.memory_space<hbm>>
    tpu.wait_dma2 semaphore(%arg8 : memref<!tpu.dma_semaphore, #tpu.memory_space<semaphore_mem>>) src(%arg5 : memref<16384xf32, #tpu.memory_space<vmem>>) dst(%dma_wait3A_206 : memref<16384xf32, #tpu.memory_space<hbm>>)
    %dma_wait3A_207 = tpu.memref_slice %arg4[%add3A_91] : memref<20971520xf32, #tpu.memory_space<hbm>> -> memref<16384xf32, #tpu.memory_space<hbm>>
    %dma_wait3A_208 = tpu.memref_slice %arg4[%add3A_91] : memref<20971520xf32, #tpu.memory_space<hbm>> -> memref<16384xf32, #tpu.memory_space<hbm>>
    tpu.wait_dma2 semaphore(%arg8 : memref<!tpu.dma_semaphore, #tpu.memory_space<semaphore_mem>>) src(%arg5 : memref<16384xf32, #tpu.memory_space<vmem>>) dst(%dma_wait3A_208 : memref<16384xf32, #tpu.memory_space<hbm>>)
    %dma_wait3A_209 = tpu.memref_slice %arg4[%add3A_95] : memref<20971520xf32, #tpu.memory_space<hbm>> -> memref<16384xf32, #tpu.memory_space<hbm>>
    %dma_wait3A_210 = tpu.memref_slice %arg4[%add3A_95] : memref<20971520xf32, #tpu.memory_space<hbm>> -> memref<16384xf32, #tpu.memory_space<hbm>>
    tpu.wait_dma2 semaphore(%arg8 : memref<!tpu.dma_semaphore, #tpu.memory_space<semaphore_mem>>) src(%arg5 : memref<16384xf32, #tpu.memory_space<vmem>>) dst(%dma_wait3A_210 : memref<16384xf32, #tpu.memory_space<hbm>>)
    %dma_wait3A_211 = tpu.memref_slice %arg4[%add3A_99] : memref<20971520xf32, #tpu.memory_space<hbm>> -> memref<16384xf32, #tpu.memory_space<hbm>>
    %dma_wait3A_212 = tpu.memref_slice %arg4[%add3A_99] : memref<20971520xf32, #tpu.memory_space<hbm>> -> memref<16384xf32, #tpu.memory_space<hbm>>
    tpu.wait_dma2 semaphore(%arg8 : memref<!tpu.dma_semaphore, #tpu.memory_space<semaphore_mem>>) src(%arg5 : memref<16384xf32, #tpu.memory_space<vmem>>) dst(%dma_wait3A_212 : memref<16384xf32, #tpu.memory_space<hbm>>)
    %dma_wait3A_213 = tpu.memref_slice %arg4[%add3A_103] : memref<20971520xf32, #tpu.memory_space<hbm>> -> memref<16384xf32, #tpu.memory_space<hbm>>
    %dma_wait3A_214 = tpu.memref_slice %arg4[%add3A_103] : memref<20971520xf32, #tpu.memory_space<hbm>> -> memref<16384xf32, #tpu.memory_space<hbm>>
    tpu.wait_dma2 semaphore(%arg8 : memref<!tpu.dma_semaphore, #tpu.memory_space<semaphore_mem>>) src(%arg5 : memref<16384xf32, #tpu.memory_space<vmem>>) dst(%dma_wait3A_214 : memref<16384xf32, #tpu.memory_space<hbm>>)
    %dma_wait3A_215 = tpu.memref_slice %arg4[%add3A_107] : memref<20971520xf32, #tpu.memory_space<hbm>> -> memref<16384xf32, #tpu.memory_space<hbm>>
    %dma_wait3A_216 = tpu.memref_slice %arg4[%add3A_107] : memref<20971520xf32, #tpu.memory_space<hbm>> -> memref<16384xf32, #tpu.memory_space<hbm>>
    tpu.wait_dma2 semaphore(%arg8 : memref<!tpu.dma_semaphore, #tpu.memory_space<semaphore_mem>>) src(%arg5 : memref<16384xf32, #tpu.memory_space<vmem>>) dst(%dma_wait3A_216 : memref<16384xf32, #tpu.memory_space<hbm>>)
    %dma_wait3A_217 = tpu.memref_slice %arg4[%add3A_111] : memref<20971520xf32, #tpu.memory_space<hbm>> -> memref<16384xf32, #tpu.memory_space<hbm>>
    %dma_wait3A_218 = tpu.memref_slice %arg4[%add3A_111] : memref<20971520xf32, #tpu.memory_space<hbm>> -> memref<16384xf32, #tpu.memory_space<hbm>>
    tpu.wait_dma2 semaphore(%arg8 : memref<!tpu.dma_semaphore, #tpu.memory_space<semaphore_mem>>) src(%arg5 : memref<16384xf32, #tpu.memory_space<vmem>>) dst(%dma_wait3A_218 : memref<16384xf32, #tpu.memory_space<hbm>>)
    %dma_wait3A_219 = tpu.memref_slice %arg4[%add3A_115] : memref<20971520xf32, #tpu.memory_space<hbm>> -> memref<16384xf32, #tpu.memory_space<hbm>>
    %dma_wait3A_220 = tpu.memref_slice %arg4[%add3A_115] : memref<20971520xf32, #tpu.memory_space<hbm>> -> memref<16384xf32, #tpu.memory_space<hbm>>
    tpu.wait_dma2 semaphore(%arg8 : memref<!tpu.dma_semaphore, #tpu.memory_space<semaphore_mem>>) src(%arg5 : memref<16384xf32, #tpu.memory_space<vmem>>) dst(%dma_wait3A_220 : memref<16384xf32, #tpu.memory_space<hbm>>)
    %dma_wait3A_221 = tpu.memref_slice %arg4[%add3A_119] : memref<20971520xf32, #tpu.memory_space<hbm>> -> memref<16384xf32, #tpu.memory_space<hbm>>
    %dma_wait3A_222 = tpu.memref_slice %arg4[%add3A_119] : memref<20971520xf32, #tpu.memory_space<hbm>> -> memref<16384xf32, #tpu.memory_space<hbm>>
    tpu.wait_dma2 semaphore(%arg8 : memref<!tpu.dma_semaphore, #tpu.memory_space<semaphore_mem>>) src(%arg5 : memref<16384xf32, #tpu.memory_space<vmem>>) dst(%dma_wait3A_222 : memref<16384xf32, #tpu.memory_space<hbm>>)
    %dma_wait3A_223 = tpu.memref_slice %arg4[%add3A_123] : memref<20971520xf32, #tpu.memory_space<hbm>> -> memref<16384xf32, #tpu.memory_space<hbm>>
    %dma_wait3A_224 = tpu.memref_slice %arg4[%add3A_123] : memref<20971520xf32, #tpu.memory_space<hbm>> -> memref<16384xf32, #tpu.memory_space<hbm>>
    tpu.wait_dma2 semaphore(%arg8 : memref<!tpu.dma_semaphore, #tpu.memory_space<semaphore_mem>>) src(%arg5 : memref<16384xf32, #tpu.memory_space<vmem>>) dst(%dma_wait3A_224 : memref<16384xf32, #tpu.memory_space<hbm>>)
    %dma_wait3A_225 = tpu.memref_slice %arg4[%add3A_127] : memref<20971520xf32, #tpu.memory_space<hbm>> -> memref<16384xf32, #tpu.memory_space<hbm>>
    %dma_wait3A_226 = tpu.memref_slice %arg4[%add3A_127] : memref<20971520xf32, #tpu.memory_space<hbm>> -> memref<16384xf32, #tpu.memory_space<hbm>>
    tpu.wait_dma2 semaphore(%arg8 : memref<!tpu.dma_semaphore, #tpu.memory_space<semaphore_mem>>) src(%arg5 : memref<16384xf32, #tpu.memory_space<vmem>>) dst(%dma_wait3A_226 : memref<16384xf32, #tpu.memory_space<hbm>>)
    %dma_wait3A_227 = tpu.memref_slice %arg4[%add3A_131] : memref<20971520xf32, #tpu.memory_space<hbm>> -> memref<16384xf32, #tpu.memory_space<hbm>>
    %dma_wait3A_228 = tpu.memref_slice %arg4[%add3A_131] : memref<20971520xf32, #tpu.memory_space<hbm>> -> memref<16384xf32, #tpu.memory_space<hbm>>
    tpu.wait_dma2 semaphore(%arg8 : memref<!tpu.dma_semaphore, #tpu.memory_space<semaphore_mem>>) src(%arg5 : memref<16384xf32, #tpu.memory_space<vmem>>) dst(%dma_wait3A_228 : memref<16384xf32, #tpu.memory_space<hbm>>)
    %dma_wait3A_229 = tpu.memref_slice %arg4[%add3A_135] : memref<20971520xf32, #tpu.memory_space<hbm>> -> memref<16384xf32, #tpu.memory_space<hbm>>
    %dma_wait3A_230 = tpu.memref_slice %arg4[%add3A_135] : memref<20971520xf32, #tpu.memory_space<hbm>> -> memref<16384xf32, #tpu.memory_space<hbm>>
    tpu.wait_dma2 semaphore(%arg8 : memref<!tpu.dma_semaphore, #tpu.memory_space<semaphore_mem>>) src(%arg5 : memref<16384xf32, #tpu.memory_space<vmem>>) dst(%dma_wait3A_230 : memref<16384xf32, #tpu.memory_space<hbm>>)
    %dma_wait3A_231 = tpu.memref_slice %arg4[%add3A_139] : memref<20971520xf32, #tpu.memory_space<hbm>> -> memref<16384xf32, #tpu.memory_space<hbm>>
    %dma_wait3A_232 = tpu.memref_slice %arg4[%add3A_139] : memref<20971520xf32, #tpu.memory_space<hbm>> -> memref<16384xf32, #tpu.memory_space<hbm>>
    tpu.wait_dma2 semaphore(%arg8 : memref<!tpu.dma_semaphore, #tpu.memory_space<semaphore_mem>>) src(%arg5 : memref<16384xf32, #tpu.memory_space<vmem>>) dst(%dma_wait3A_232 : memref<16384xf32, #tpu.memory_space<hbm>>)
    %dma_wait3A_233 = tpu.memref_slice %arg4[%add3A_143] : memref<20971520xf32, #tpu.memory_space<hbm>> -> memref<16384xf32, #tpu.memory_space<hbm>>
    %dma_wait3A_234 = tpu.memref_slice %arg4[%add3A_143] : memref<20971520xf32, #tpu.memory_space<hbm>> -> memref<16384xf32, #tpu.memory_space<hbm>>
    tpu.wait_dma2 semaphore(%arg8 : memref<!tpu.dma_semaphore, #tpu.memory_space<semaphore_mem>>) src(%arg5 : memref<16384xf32, #tpu.memory_space<vmem>>) dst(%dma_wait3A_234 : memref<16384xf32, #tpu.memory_space<hbm>>)
    %dma_wait3A_235 = tpu.memref_slice %arg4[%add3A_147] : memref<20971520xf32, #tpu.memory_space<hbm>> -> memref<16384xf32, #tpu.memory_space<hbm>>
    %dma_wait3A_236 = tpu.memref_slice %arg4[%add3A_147] : memref<20971520xf32, #tpu.memory_space<hbm>> -> memref<16384xf32, #tpu.memory_space<hbm>>
    tpu.wait_dma2 semaphore(%arg8 : memref<!tpu.dma_semaphore, #tpu.memory_space<semaphore_mem>>) src(%arg5 : memref<16384xf32, #tpu.memory_space<vmem>>) dst(%dma_wait3A_236 : memref<16384xf32, #tpu.memory_space<hbm>>)
    %dma_wait3A_237 = tpu.memref_slice %arg4[%add3A_151] : memref<20971520xf32, #tpu.memory_space<hbm>> -> memref<16384xf32, #tpu.memory_space<hbm>>
    %dma_wait3A_238 = tpu.memref_slice %arg4[%add3A_151] : memref<20971520xf32, #tpu.memory_space<hbm>> -> memref<16384xf32, #tpu.memory_space<hbm>>
    tpu.wait_dma2 semaphore(%arg8 : memref<!tpu.dma_semaphore, #tpu.memory_space<semaphore_mem>>) src(%arg5 : memref<16384xf32, #tpu.memory_space<vmem>>) dst(%dma_wait3A_238 : memref<16384xf32, #tpu.memory_space<hbm>>)
    %dma_wait3A_239 = tpu.memref_slice %arg4[%add3A_155] : memref<20971520xf32, #tpu.memory_space<hbm>> -> memref<16384xf32, #tpu.memory_space<hbm>>
    %dma_wait3A_240 = tpu.memref_slice %arg4[%add3A_155] : memref<20971520xf32, #tpu.memory_space<hbm>> -> memref<16384xf32, #tpu.memory_space<hbm>>
    tpu.wait_dma2 semaphore(%arg8 : memref<!tpu.dma_semaphore, #tpu.memory_space<semaphore_mem>>) src(%arg5 : memref<16384xf32, #tpu.memory_space<vmem>>) dst(%dma_wait3A_240 : memref<16384xf32, #tpu.memory_space<hbm>>)
    %dma_wait3A_241 = tpu.memref_slice %arg4[%add3A_159] : memref<20971520xf32, #tpu.memory_space<hbm>> -> memref<16384xf32, #tpu.memory_space<hbm>>
    %dma_wait3A_242 = tpu.memref_slice %arg4[%add3A_159] : memref<20971520xf32, #tpu.memory_space<hbm>> -> memref<16384xf32, #tpu.memory_space<hbm>>
    tpu.wait_dma2 semaphore(%arg8 : memref<!tpu.dma_semaphore, #tpu.memory_space<semaphore_mem>>) src(%arg5 : memref<16384xf32, #tpu.memory_space<vmem>>) dst(%dma_wait3A_242 : memref<16384xf32, #tpu.memory_space<hbm>>)
    %dma_wait3A_243 = tpu.memref_slice %arg4[%add3A_163] : memref<20971520xf32, #tpu.memory_space<hbm>> -> memref<16384xf32, #tpu.memory_space<hbm>>
    %dma_wait3A_244 = tpu.memref_slice %arg4[%add3A_163] : memref<20971520xf32, #tpu.memory_space<hbm>> -> memref<16384xf32, #tpu.memory_space<hbm>>
    tpu.wait_dma2 semaphore(%arg8 : memref<!tpu.dma_semaphore, #tpu.memory_space<semaphore_mem>>) src(%arg5 : memref<16384xf32, #tpu.memory_space<vmem>>) dst(%dma_wait3A_244 : memref<16384xf32, #tpu.memory_space<hbm>>)
    %barrier3A = arith.constant 0 : index
    tpu.barrier barrier_id(%barrier3A)
    %dma_start3A_245 = arith.constant 0 : i32
    %dma_start3A_246 = arith.constant 0 : i32
    %dma_start3A_247 = arith.constant 0 : i32
    %dma_start3A_248 = tpu.memref_slice %arg7[%dma_start3A_245, %dma_start3A_247] : memref<36x128xf32, #tpu.memory_space<vmem>> -> memref<1x128xf32, #tpu.memory_space<vmem>>
    %dma_start3A_249 = tpu.memref_squeeze %dma_start3A_248 : memref<1x128xf32, #tpu.memory_space<vmem>> -> memref<128xf32, #tpu.memory_space<vmem>>
    %dma_start3A_250 = arith.constant 0 : i32
    %dma_start3A_251 = tpu.memref_slice %arg6[%dma_start3A_246, %dma_start3A_250] : memref<36x128xi32, #tpu.memory_space<vmem>> -> memref<1x128xi32, #tpu.memory_space<vmem>>
    %dma_start3A_252 = tpu.memref_squeeze %dma_start3A_251 : memref<1x128xi32, #tpu.memory_space<vmem>> -> memref<128xi32, #tpu.memory_space<vmem>>
    %dma_start3A_253 = arith.constant 0 : i32
    %dma_start3A_254 = tpu.memref_slice %arg4[%dma_start3A_253] : memref<20971520xf32, #tpu.memory_space<hbm>> -> memref<20971520xf32, #tpu.memory_space<hbm>>
    tpu.enqueue_indirect_dma source(%dma_start3A_249 : memref<128xf32, #tpu.memory_space<vmem>>) target(%dma_start3A_254 : memref<20971520xf32, #tpu.memory_space<hbm>>) offsets(%dma_start3A_252 : memref<128xi32, #tpu.memory_space<vmem>>) semaphore(%arg9 : memref<!tpu.dma_semaphore, #tpu.memory_space<semaphore_mem>>)
    %dma_start3A_255 = arith.constant 1 : i32
    %dma_start3A_256 = arith.constant 1 : i32
    %dma_start3A_257 = arith.constant 0 : i32
    %dma_start3A_258 = tpu.memref_slice %arg7[%dma_start3A_255, %dma_start3A_257] : memref<36x128xf32, #tpu.memory_space<vmem>> -> memref<1x128xf32, #tpu.memory_space<vmem>>
    %dma_start3A_259 = tpu.memref_squeeze %dma_start3A_258 : memref<1x128xf32, #tpu.memory_space<vmem>> -> memref<128xf32, #tpu.memory_space<vmem>>
    %dma_start3A_260 = arith.constant 0 : i32
    %dma_start3A_261 = tpu.memref_slice %arg6[%dma_start3A_256, %dma_start3A_260] : memref<36x128xi32, #tpu.memory_space<vmem>> -> memref<1x128xi32, #tpu.memory_space<vmem>>
    %dma_start3A_262 = tpu.memref_squeeze %dma_start3A_261 : memref<1x128xi32, #tpu.memory_space<vmem>> -> memref<128xi32, #tpu.memory_space<vmem>>
    %dma_start3A_263 = arith.constant 0 : i32
    %dma_start3A_264 = tpu.memref_slice %arg4[%dma_start3A_263] : memref<20971520xf32, #tpu.memory_space<hbm>> -> memref<20971520xf32, #tpu.memory_space<hbm>>
    tpu.enqueue_indirect_dma source(%dma_start3A_259 : memref<128xf32, #tpu.memory_space<vmem>>) target(%dma_start3A_264 : memref<20971520xf32, #tpu.memory_space<hbm>>) offsets(%dma_start3A_262 : memref<128xi32, #tpu.memory_space<vmem>>) semaphore(%arg9 : memref<!tpu.dma_semaphore, #tpu.memory_space<semaphore_mem>>)
    %dma_start3A_265 = arith.constant 2 : i32
    %dma_start3A_266 = arith.constant 2 : i32
    %dma_start3A_267 = arith.constant 0 : i32
    %dma_start3A_268 = tpu.memref_slice %arg7[%dma_start3A_265, %dma_start3A_267] : memref<36x128xf32, #tpu.memory_space<vmem>> -> memref<1x128xf32, #tpu.memory_space<vmem>>
    %dma_start3A_269 = tpu.memref_squeeze %dma_start3A_268 : memref<1x128xf32, #tpu.memory_space<vmem>> -> memref<128xf32, #tpu.memory_space<vmem>>
    %dma_start3A_270 = arith.constant 0 : i32
    %dma_start3A_271 = tpu.memref_slice %arg6[%dma_start3A_266, %dma_start3A_270] : memref<36x128xi32, #tpu.memory_space<vmem>> -> memref<1x128xi32, #tpu.memory_space<vmem>>
    %dma_start3A_272 = tpu.memref_squeeze %dma_start3A_271 : memref<1x128xi32, #tpu.memory_space<vmem>> -> memref<128xi32, #tpu.memory_space<vmem>>
    %dma_start3A_273 = arith.constant 0 : i32
    %dma_start3A_274 = tpu.memref_slice %arg4[%dma_start3A_273] : memref<20971520xf32, #tpu.memory_space<hbm>> -> memref<20971520xf32, #tpu.memory_space<hbm>>
    tpu.enqueue_indirect_dma source(%dma_start3A_269 : memref<128xf32, #tpu.memory_space<vmem>>) target(%dma_start3A_274 : memref<20971520xf32, #tpu.memory_space<hbm>>) offsets(%dma_start3A_272 : memref<128xi32, #tpu.memory_space<vmem>>) semaphore(%arg9 : memref<!tpu.dma_semaphore, #tpu.memory_space<semaphore_mem>>)
    %dma_start3A_275 = arith.constant 3 : i32
    %dma_start3A_276 = arith.constant 3 : i32
    %dma_start3A_277 = arith.constant 0 : i32
    %dma_start3A_278 = tpu.memref_slice %arg7[%dma_start3A_275, %dma_start3A_277] : memref<36x128xf32, #tpu.memory_space<vmem>> -> memref<1x128xf32, #tpu.memory_space<vmem>>
    %dma_start3A_279 = tpu.memref_squeeze %dma_start3A_278 : memref<1x128xf32, #tpu.memory_space<vmem>> -> memref<128xf32, #tpu.memory_space<vmem>>
    %dma_start3A_280 = arith.constant 0 : i32
    %dma_start3A_281 = tpu.memref_slice %arg6[%dma_start3A_276, %dma_start3A_280] : memref<36x128xi32, #tpu.memory_space<vmem>> -> memref<1x128xi32, #tpu.memory_space<vmem>>
    %dma_start3A_282 = tpu.memref_squeeze %dma_start3A_281 : memref<1x128xi32, #tpu.memory_space<vmem>> -> memref<128xi32, #tpu.memory_space<vmem>>
    %dma_start3A_283 = arith.constant 0 : i32
    %dma_start3A_284 = tpu.memref_slice %arg4[%dma_start3A_283] : memref<20971520xf32, #tpu.memory_space<hbm>> -> memref<20971520xf32, #tpu.memory_space<hbm>>
    tpu.enqueue_indirect_dma source(%dma_start3A_279 : memref<128xf32, #tpu.memory_space<vmem>>) target(%dma_start3A_284 : memref<20971520xf32, #tpu.memory_space<hbm>>) offsets(%dma_start3A_282 : memref<128xi32, #tpu.memory_space<vmem>>) semaphore(%arg9 : memref<!tpu.dma_semaphore, #tpu.memory_space<semaphore_mem>>)
    %dma_start3A_285 = arith.constant 4 : i32
    %dma_start3A_286 = arith.constant 4 : i32
    %dma_start3A_287 = arith.constant 0 : i32
    %dma_start3A_288 = tpu.memref_slice %arg7[%dma_start3A_285, %dma_start3A_287] : memref<36x128xf32, #tpu.memory_space<vmem>> -> memref<1x128xf32, #tpu.memory_space<vmem>>
    %dma_start3A_289 = tpu.memref_squeeze %dma_start3A_288 : memref<1x128xf32, #tpu.memory_space<vmem>> -> memref<128xf32, #tpu.memory_space<vmem>>
    %dma_start3A_290 = arith.constant 0 : i32
    %dma_start3A_291 = tpu.memref_slice %arg6[%dma_start3A_286, %dma_start3A_290] : memref<36x128xi32, #tpu.memory_space<vmem>> -> memref<1x128xi32, #tpu.memory_space<vmem>>
    %dma_start3A_292 = tpu.memref_squeeze %dma_start3A_291 : memref<1x128xi32, #tpu.memory_space<vmem>> -> memref<128xi32, #tpu.memory_space<vmem>>
    %dma_start3A_293 = arith.constant 0 : i32
    %dma_start3A_294 = tpu.memref_slice %arg4[%dma_start3A_293] : memref<20971520xf32, #tpu.memory_space<hbm>> -> memref<20971520xf32, #tpu.memory_space<hbm>>
    tpu.enqueue_indirect_dma source(%dma_start3A_289 : memref<128xf32, #tpu.memory_space<vmem>>) target(%dma_start3A_294 : memref<20971520xf32, #tpu.memory_space<hbm>>) offsets(%dma_start3A_292 : memref<128xi32, #tpu.memory_space<vmem>>) semaphore(%arg9 : memref<!tpu.dma_semaphore, #tpu.memory_space<semaphore_mem>>)
    %dma_start3A_295 = arith.constant 5 : i32
    %dma_start3A_296 = arith.constant 5 : i32
    %dma_start3A_297 = arith.constant 0 : i32
    %dma_start3A_298 = tpu.memref_slice %arg7[%dma_start3A_295, %dma_start3A_297] : memref<36x128xf32, #tpu.memory_space<vmem>> -> memref<1x128xf32, #tpu.memory_space<vmem>>
    %dma_start3A_299 = tpu.memref_squeeze %dma_start3A_298 : memref<1x128xf32, #tpu.memory_space<vmem>> -> memref<128xf32, #tpu.memory_space<vmem>>
    %dma_start3A_300 = arith.constant 0 : i32
    %dma_start3A_301 = tpu.memref_slice %arg6[%dma_start3A_296, %dma_start3A_300] : memref<36x128xi32, #tpu.memory_space<vmem>> -> memref<1x128xi32, #tpu.memory_space<vmem>>
    %dma_start3A_302 = tpu.memref_squeeze %dma_start3A_301 : memref<1x128xi32, #tpu.memory_space<vmem>> -> memref<128xi32, #tpu.memory_space<vmem>>
    %dma_start3A_303 = arith.constant 0 : i32
    %dma_start3A_304 = tpu.memref_slice %arg4[%dma_start3A_303] : memref<20971520xf32, #tpu.memory_space<hbm>> -> memref<20971520xf32, #tpu.memory_space<hbm>>
    tpu.enqueue_indirect_dma source(%dma_start3A_299 : memref<128xf32, #tpu.memory_space<vmem>>) target(%dma_start3A_304 : memref<20971520xf32, #tpu.memory_space<hbm>>) offsets(%dma_start3A_302 : memref<128xi32, #tpu.memory_space<vmem>>) semaphore(%arg9 : memref<!tpu.dma_semaphore, #tpu.memory_space<semaphore_mem>>)
    %dma_start3A_305 = arith.constant 6 : i32
    %dma_start3A_306 = arith.constant 6 : i32
    %dma_start3A_307 = arith.constant 0 : i32
    %dma_start3A_308 = tpu.memref_slice %arg7[%dma_start3A_305, %dma_start3A_307] : memref<36x128xf32, #tpu.memory_space<vmem>> -> memref<1x128xf32, #tpu.memory_space<vmem>>
    %dma_start3A_309 = tpu.memref_squeeze %dma_start3A_308 : memref<1x128xf32, #tpu.memory_space<vmem>> -> memref<128xf32, #tpu.memory_space<vmem>>
    %dma_start3A_310 = arith.constant 0 : i32
    %dma_start3A_311 = tpu.memref_slice %arg6[%dma_start3A_306, %dma_start3A_310] : memref<36x128xi32, #tpu.memory_space<vmem>> -> memref<1x128xi32, #tpu.memory_space<vmem>>
    %dma_start3A_312 = tpu.memref_squeeze %dma_start3A_311 : memref<1x128xi32, #tpu.memory_space<vmem>> -> memref<128xi32, #tpu.memory_space<vmem>>
    %dma_start3A_313 = arith.constant 0 : i32
    %dma_start3A_314 = tpu.memref_slice %arg4[%dma_start3A_313] : memref<20971520xf32, #tpu.memory_space<hbm>> -> memref<20971520xf32, #tpu.memory_space<hbm>>
    tpu.enqueue_indirect_dma source(%dma_start3A_309 : memref<128xf32, #tpu.memory_space<vmem>>) target(%dma_start3A_314 : memref<20971520xf32, #tpu.memory_space<hbm>>) offsets(%dma_start3A_312 : memref<128xi32, #tpu.memory_space<vmem>>) semaphore(%arg9 : memref<!tpu.dma_semaphore, #tpu.memory_space<semaphore_mem>>)
    %dma_start3A_315 = arith.constant 7 : i32
    %dma_start3A_316 = arith.constant 7 : i32
    %dma_start3A_317 = arith.constant 0 : i32
    %dma_start3A_318 = tpu.memref_slice %arg7[%dma_start3A_315, %dma_start3A_317] : memref<36x128xf32, #tpu.memory_space<vmem>> -> memref<1x128xf32, #tpu.memory_space<vmem>>
    %dma_start3A_319 = tpu.memref_squeeze %dma_start3A_318 : memref<1x128xf32, #tpu.memory_space<vmem>> -> memref<128xf32, #tpu.memory_space<vmem>>
    %dma_start3A_320 = arith.constant 0 : i32
    %dma_start3A_321 = tpu.memref_slice %arg6[%dma_start3A_316, %dma_start3A_320] : memref<36x128xi32, #tpu.memory_space<vmem>> -> memref<1x128xi32, #tpu.memory_space<vmem>>
    %dma_start3A_322 = tpu.memref_squeeze %dma_start3A_321 : memref<1x128xi32, #tpu.memory_space<vmem>> -> memref<128xi32, #tpu.memory_space<vmem>>
    %dma_start3A_323 = arith.constant 0 : i32
    %dma_start3A_324 = tpu.memref_slice %arg4[%dma_start3A_323] : memref<20971520xf32, #tpu.memory_space<hbm>> -> memref<20971520xf32, #tpu.memory_space<hbm>>
    tpu.enqueue_indirect_dma source(%dma_start3A_319 : memref<128xf32, #tpu.memory_space<vmem>>) target(%dma_start3A_324 : memref<20971520xf32, #tpu.memory_space<hbm>>) offsets(%dma_start3A_322 : memref<128xi32, #tpu.memory_space<vmem>>) semaphore(%arg9 : memref<!tpu.dma_semaphore, #tpu.memory_space<semaphore_mem>>)
    %dma_start3A_325 = arith.constant 8 : i32
    %dma_start3A_326 = arith.constant 8 : i32
    %dma_start3A_327 = arith.constant 0 : i32
    %dma_start3A_328 = tpu.memref_slice %arg7[%dma_start3A_325, %dma_start3A_327] : memref<36x128xf32, #tpu.memory_space<vmem>> -> memref<1x128xf32, #tpu.memory_space<vmem>>
    %dma_start3A_329 = tpu.memref_squeeze %dma_start3A_328 : memref<1x128xf32, #tpu.memory_space<vmem>> -> memref<128xf32, #tpu.memory_space<vmem>>
    %dma_start3A_330 = arith.constant 0 : i32
    %dma_start3A_331 = tpu.memref_slice %arg6[%dma_start3A_326, %dma_start3A_330] : memref<36x128xi32, #tpu.memory_space<vmem>> -> memref<1x128xi32, #tpu.memory_space<vmem>>
    %dma_start3A_332 = tpu.memref_squeeze %dma_start3A_331 : memref<1x128xi32, #tpu.memory_space<vmem>> -> memref<128xi32, #tpu.memory_space<vmem>>
    %dma_start3A_333 = arith.constant 0 : i32
    %dma_start3A_334 = tpu.memref_slice %arg4[%dma_start3A_333] : memref<20971520xf32, #tpu.memory_space<hbm>> -> memref<20971520xf32, #tpu.memory_space<hbm>>
    tpu.enqueue_indirect_dma source(%dma_start3A_329 : memref<128xf32, #tpu.memory_space<vmem>>) target(%dma_start3A_334 : memref<20971520xf32, #tpu.memory_space<hbm>>) offsets(%dma_start3A_332 : memref<128xi32, #tpu.memory_space<vmem>>) semaphore(%arg9 : memref<!tpu.dma_semaphore, #tpu.memory_space<semaphore_mem>>)
    %dma_start3A_335 = arith.constant 9 : i32
    %dma_start3A_336 = arith.constant 9 : i32
    %dma_start3A_337 = arith.constant 0 : i32
    %dma_start3A_338 = tpu.memref_slice %arg7[%dma_start3A_335, %dma_start3A_337] : memref<36x128xf32, #tpu.memory_space<vmem>> -> memref<1x128xf32, #tpu.memory_space<vmem>>
    %dma_start3A_339 = tpu.memref_squeeze %dma_start3A_338 : memref<1x128xf32, #tpu.memory_space<vmem>> -> memref<128xf32, #tpu.memory_space<vmem>>
    %dma_start3A_340 = arith.constant 0 : i32
    %dma_start3A_341 = tpu.memref_slice %arg6[%dma_start3A_336, %dma_start3A_340] : memref<36x128xi32, #tpu.memory_space<vmem>> -> memref<1x128xi32, #tpu.memory_space<vmem>>
    %dma_start3A_342 = tpu.memref_squeeze %dma_start3A_341 : memref<1x128xi32, #tpu.memory_space<vmem>> -> memref<128xi32, #tpu.memory_space<vmem>>
    %dma_start3A_343 = arith.constant 0 : i32
    %dma_start3A_344 = tpu.memref_slice %arg4[%dma_start3A_343] : memref<20971520xf32, #tpu.memory_space<hbm>> -> memref<20971520xf32, #tpu.memory_space<hbm>>
    tpu.enqueue_indirect_dma source(%dma_start3A_339 : memref<128xf32, #tpu.memory_space<vmem>>) target(%dma_start3A_344 : memref<20971520xf32, #tpu.memory_space<hbm>>) offsets(%dma_start3A_342 : memref<128xi32, #tpu.memory_space<vmem>>) semaphore(%arg9 : memref<!tpu.dma_semaphore, #tpu.memory_space<semaphore_mem>>)
    %dma_start3A_345 = arith.constant 10 : i32
    %dma_start3A_346 = arith.constant 10 : i32
    %dma_start3A_347 = arith.constant 0 : i32
    %dma_start3A_348 = tpu.memref_slice %arg7[%dma_start3A_345, %dma_start3A_347] : memref<36x128xf32, #tpu.memory_space<vmem>> -> memref<1x128xf32, #tpu.memory_space<vmem>>
    %dma_start3A_349 = tpu.memref_squeeze %dma_start3A_348 : memref<1x128xf32, #tpu.memory_space<vmem>> -> memref<128xf32, #tpu.memory_space<vmem>>
    %dma_start3A_350 = arith.constant 0 : i32
    %dma_start3A_351 = tpu.memref_slice %arg6[%dma_start3A_346, %dma_start3A_350] : memref<36x128xi32, #tpu.memory_space<vmem>> -> memref<1x128xi32, #tpu.memory_space<vmem>>
    %dma_start3A_352 = tpu.memref_squeeze %dma_start3A_351 : memref<1x128xi32, #tpu.memory_space<vmem>> -> memref<128xi32, #tpu.memory_space<vmem>>
    %dma_start3A_353 = arith.constant 0 : i32
    %dma_start3A_354 = tpu.memref_slice %arg4[%dma_start3A_353] : memref<20971520xf32, #tpu.memory_space<hbm>> -> memref<20971520xf32, #tpu.memory_space<hbm>>
    tpu.enqueue_indirect_dma source(%dma_start3A_349 : memref<128xf32, #tpu.memory_space<vmem>>) target(%dma_start3A_354 : memref<20971520xf32, #tpu.memory_space<hbm>>) offsets(%dma_start3A_352 : memref<128xi32, #tpu.memory_space<vmem>>) semaphore(%arg9 : memref<!tpu.dma_semaphore, #tpu.memory_space<semaphore_mem>>)
    %dma_start3A_355 = arith.constant 11 : i32
    %dma_start3A_356 = arith.constant 11 : i32
    %dma_start3A_357 = arith.constant 0 : i32
    %dma_start3A_358 = tpu.memref_slice %arg7[%dma_start3A_355, %dma_start3A_357] : memref<36x128xf32, #tpu.memory_space<vmem>> -> memref<1x128xf32, #tpu.memory_space<vmem>>
    %dma_start3A_359 = tpu.memref_squeeze %dma_start3A_358 : memref<1x128xf32, #tpu.memory_space<vmem>> -> memref<128xf32, #tpu.memory_space<vmem>>
    %dma_start3A_360 = arith.constant 0 : i32
    %dma_start3A_361 = tpu.memref_slice %arg6[%dma_start3A_356, %dma_start3A_360] : memref<36x128xi32, #tpu.memory_space<vmem>> -> memref<1x128xi32, #tpu.memory_space<vmem>>
    %dma_start3A_362 = tpu.memref_squeeze %dma_start3A_361 : memref<1x128xi32, #tpu.memory_space<vmem>> -> memref<128xi32, #tpu.memory_space<vmem>>
    %dma_start3A_363 = arith.constant 0 : i32
    %dma_start3A_364 = tpu.memref_slice %arg4[%dma_start3A_363] : memref<20971520xf32, #tpu.memory_space<hbm>> -> memref<20971520xf32, #tpu.memory_space<hbm>>
    tpu.enqueue_indirect_dma source(%dma_start3A_359 : memref<128xf32, #tpu.memory_space<vmem>>) target(%dma_start3A_364 : memref<20971520xf32, #tpu.memory_space<hbm>>) offsets(%dma_start3A_362 : memref<128xi32, #tpu.memory_space<vmem>>) semaphore(%arg9 : memref<!tpu.dma_semaphore, #tpu.memory_space<semaphore_mem>>)
    %dma_start3A_365 = arith.constant 12 : i32
    %dma_start3A_366 = arith.constant 12 : i32
    %dma_start3A_367 = arith.constant 0 : i32
    %dma_start3A_368 = tpu.memref_slice %arg7[%dma_start3A_365, %dma_start3A_367] : memref<36x128xf32, #tpu.memory_space<vmem>> -> memref<1x128xf32, #tpu.memory_space<vmem>>
    %dma_start3A_369 = tpu.memref_squeeze %dma_start3A_368 : memref<1x128xf32, #tpu.memory_space<vmem>> -> memref<128xf32, #tpu.memory_space<vmem>>
    %dma_start3A_370 = arith.constant 0 : i32
    %dma_start3A_371 = tpu.memref_slice %arg6[%dma_start3A_366, %dma_start3A_370] : memref<36x128xi32, #tpu.memory_space<vmem>> -> memref<1x128xi32, #tpu.memory_space<vmem>>
    %dma_start3A_372 = tpu.memref_squeeze %dma_start3A_371 : memref<1x128xi32, #tpu.memory_space<vmem>> -> memref<128xi32, #tpu.memory_space<vmem>>
    %dma_start3A_373 = arith.constant 0 : i32
    %dma_start3A_374 = tpu.memref_slice %arg4[%dma_start3A_373] : memref<20971520xf32, #tpu.memory_space<hbm>> -> memref<20971520xf32, #tpu.memory_space<hbm>>
    tpu.enqueue_indirect_dma source(%dma_start3A_369 : memref<128xf32, #tpu.memory_space<vmem>>) target(%dma_start3A_374 : memref<20971520xf32, #tpu.memory_space<hbm>>) offsets(%dma_start3A_372 : memref<128xi32, #tpu.memory_space<vmem>>) semaphore(%arg9 : memref<!tpu.dma_semaphore, #tpu.memory_space<semaphore_mem>>)
    %dma_start3A_375 = arith.constant 13 : i32
    %dma_start3A_376 = arith.constant 13 : i32
    %dma_start3A_377 = arith.constant 0 : i32
    %dma_start3A_378 = tpu.memref_slice %arg7[%dma_start3A_375, %dma_start3A_377] : memref<36x128xf32, #tpu.memory_space<vmem>> -> memref<1x128xf32, #tpu.memory_space<vmem>>
    %dma_start3A_379 = tpu.memref_squeeze %dma_start3A_378 : memref<1x128xf32, #tpu.memory_space<vmem>> -> memref<128xf32, #tpu.memory_space<vmem>>
    %dma_start3A_380 = arith.constant 0 : i32
    %dma_start3A_381 = tpu.memref_slice %arg6[%dma_start3A_376, %dma_start3A_380] : memref<36x128xi32, #tpu.memory_space<vmem>> -> memref<1x128xi32, #tpu.memory_space<vmem>>
    %dma_start3A_382 = tpu.memref_squeeze %dma_start3A_381 : memref<1x128xi32, #tpu.memory_space<vmem>> -> memref<128xi32, #tpu.memory_space<vmem>>
    %dma_start3A_383 = arith.constant 0 : i32
    %dma_start3A_384 = tpu.memref_slice %arg4[%dma_start3A_383] : memref<20971520xf32, #tpu.memory_space<hbm>> -> memref<20971520xf32, #tpu.memory_space<hbm>>
    tpu.enqueue_indirect_dma source(%dma_start3A_379 : memref<128xf32, #tpu.memory_space<vmem>>) target(%dma_start3A_384 : memref<20971520xf32, #tpu.memory_space<hbm>>) offsets(%dma_start3A_382 : memref<128xi32, #tpu.memory_space<vmem>>) semaphore(%arg9 : memref<!tpu.dma_semaphore, #tpu.memory_space<semaphore_mem>>)
    %dma_start3A_385 = arith.constant 14 : i32
    %dma_start3A_386 = arith.constant 14 : i32
    %dma_start3A_387 = arith.constant 0 : i32
    %dma_start3A_388 = tpu.memref_slice %arg7[%dma_start3A_385, %dma_start3A_387] : memref<36x128xf32, #tpu.memory_space<vmem>> -> memref<1x128xf32, #tpu.memory_space<vmem>>
    %dma_start3A_389 = tpu.memref_squeeze %dma_start3A_388 : memref<1x128xf32, #tpu.memory_space<vmem>> -> memref<128xf32, #tpu.memory_space<vmem>>
    %dma_start3A_390 = arith.constant 0 : i32
    %dma_start3A_391 = tpu.memref_slice %arg6[%dma_start3A_386, %dma_start3A_390] : memref<36x128xi32, #tpu.memory_space<vmem>> -> memref<1x128xi32, #tpu.memory_space<vmem>>
    %dma_start3A_392 = tpu.memref_squeeze %dma_start3A_391 : memref<1x128xi32, #tpu.memory_space<vmem>> -> memref<128xi32, #tpu.memory_space<vmem>>
    %dma_start3A_393 = arith.constant 0 : i32
    %dma_start3A_394 = tpu.memref_slice %arg4[%dma_start3A_393] : memref<20971520xf32, #tpu.memory_space<hbm>> -> memref<20971520xf32, #tpu.memory_space<hbm>>
    tpu.enqueue_indirect_dma source(%dma_start3A_389 : memref<128xf32, #tpu.memory_space<vmem>>) target(%dma_start3A_394 : memref<20971520xf32, #tpu.memory_space<hbm>>) offsets(%dma_start3A_392 : memref<128xi32, #tpu.memory_space<vmem>>) semaphore(%arg9 : memref<!tpu.dma_semaphore, #tpu.memory_space<semaphore_mem>>)
    %dma_start3A_395 = arith.constant 15 : i32
    %dma_start3A_396 = arith.constant 15 : i32
    %dma_start3A_397 = arith.constant 0 : i32
    %dma_start3A_398 = tpu.memref_slice %arg7[%dma_start3A_395, %dma_start3A_397] : memref<36x128xf32, #tpu.memory_space<vmem>> -> memref<1x128xf32, #tpu.memory_space<vmem>>
    %dma_start3A_399 = tpu.memref_squeeze %dma_start3A_398 : memref<1x128xf32, #tpu.memory_space<vmem>> -> memref<128xf32, #tpu.memory_space<vmem>>
    %dma_start3A_400 = arith.constant 0 : i32
    %dma_start3A_401 = tpu.memref_slice %arg6[%dma_start3A_396, %dma_start3A_400] : memref<36x128xi32, #tpu.memory_space<vmem>> -> memref<1x128xi32, #tpu.memory_space<vmem>>
    %dma_start3A_402 = tpu.memref_squeeze %dma_start3A_401 : memref<1x128xi32, #tpu.memory_space<vmem>> -> memref<128xi32, #tpu.memory_space<vmem>>
    %dma_start3A_403 = arith.constant 0 : i32
    %dma_start3A_404 = tpu.memref_slice %arg4[%dma_start3A_403] : memref<20971520xf32, #tpu.memory_space<hbm>> -> memref<20971520xf32, #tpu.memory_space<hbm>>
    tpu.enqueue_indirect_dma source(%dma_start3A_399 : memref<128xf32, #tpu.memory_space<vmem>>) target(%dma_start3A_404 : memref<20971520xf32, #tpu.memory_space<hbm>>) offsets(%dma_start3A_402 : memref<128xi32, #tpu.memory_space<vmem>>) semaphore(%arg9 : memref<!tpu.dma_semaphore, #tpu.memory_space<semaphore_mem>>)
    %dma_start3A_405 = arith.constant 16 : i32
    %dma_start3A_406 = arith.constant 16 : i32
    %dma_start3A_407 = arith.constant 0 : i32
    %dma_start3A_408 = tpu.memref_slice %arg7[%dma_start3A_405, %dma_start3A_407] : memref<36x128xf32, #tpu.memory_space<vmem>> -> memref<1x128xf32, #tpu.memory_space<vmem>>
    %dma_start3A_409 = tpu.memref_squeeze %dma_start3A_408 : memref<1x128xf32, #tpu.memory_space<vmem>> -> memref<128xf32, #tpu.memory_space<vmem>>
    %dma_start3A_410 = arith.constant 0 : i32
    %dma_start3A_411 = tpu.memref_slice %arg6[%dma_start3A_406, %dma_start3A_410] : memref<36x128xi32, #tpu.memory_space<vmem>> -> memref<1x128xi32, #tpu.memory_space<vmem>>
    %dma_start3A_412 = tpu.memref_squeeze %dma_start3A_411 : memref<1x128xi32, #tpu.memory_space<vmem>> -> memref<128xi32, #tpu.memory_space<vmem>>
    %dma_start3A_413 = arith.constant 0 : i32
    %dma_start3A_414 = tpu.memref_slice %arg4[%dma_start3A_413] : memref<20971520xf32, #tpu.memory_space<hbm>> -> memref<20971520xf32, #tpu.memory_space<hbm>>
    tpu.enqueue_indirect_dma source(%dma_start3A_409 : memref<128xf32, #tpu.memory_space<vmem>>) target(%dma_start3A_414 : memref<20971520xf32, #tpu.memory_space<hbm>>) offsets(%dma_start3A_412 : memref<128xi32, #tpu.memory_space<vmem>>) semaphore(%arg9 : memref<!tpu.dma_semaphore, #tpu.memory_space<semaphore_mem>>)
    %dma_start3A_415 = arith.constant 17 : i32
    %dma_start3A_416 = arith.constant 17 : i32
    %dma_start3A_417 = arith.constant 0 : i32
    %dma_start3A_418 = tpu.memref_slice %arg7[%dma_start3A_415, %dma_start3A_417] : memref<36x128xf32, #tpu.memory_space<vmem>> -> memref<1x128xf32, #tpu.memory_space<vmem>>
    %dma_start3A_419 = tpu.memref_squeeze %dma_start3A_418 : memref<1x128xf32, #tpu.memory_space<vmem>> -> memref<128xf32, #tpu.memory_space<vmem>>
    %dma_start3A_420 = arith.constant 0 : i32
    %dma_start3A_421 = tpu.memref_slice %arg6[%dma_start3A_416, %dma_start3A_420] : memref<36x128xi32, #tpu.memory_space<vmem>> -> memref<1x128xi32, #tpu.memory_space<vmem>>
    %dma_start3A_422 = tpu.memref_squeeze %dma_start3A_421 : memref<1x128xi32, #tpu.memory_space<vmem>> -> memref<128xi32, #tpu.memory_space<vmem>>
    %dma_start3A_423 = arith.constant 0 : i32
    %dma_start3A_424 = tpu.memref_slice %arg4[%dma_start3A_423] : memref<20971520xf32, #tpu.memory_space<hbm>> -> memref<20971520xf32, #tpu.memory_space<hbm>>
    tpu.enqueue_indirect_dma source(%dma_start3A_419 : memref<128xf32, #tpu.memory_space<vmem>>) target(%dma_start3A_424 : memref<20971520xf32, #tpu.memory_space<hbm>>) offsets(%dma_start3A_422 : memref<128xi32, #tpu.memory_space<vmem>>) semaphore(%arg9 : memref<!tpu.dma_semaphore, #tpu.memory_space<semaphore_mem>>)
    %dma_start3A_425 = arith.constant 18 : i32
    %dma_start3A_426 = arith.constant 18 : i32
    %dma_start3A_427 = arith.constant 0 : i32
    %dma_start3A_428 = tpu.memref_slice %arg7[%dma_start3A_425, %dma_start3A_427] : memref<36x128xf32, #tpu.memory_space<vmem>> -> memref<1x128xf32, #tpu.memory_space<vmem>>
    %dma_start3A_429 = tpu.memref_squeeze %dma_start3A_428 : memref<1x128xf32, #tpu.memory_space<vmem>> -> memref<128xf32, #tpu.memory_space<vmem>>
    %dma_start3A_430 = arith.constant 0 : i32
    %dma_start3A_431 = tpu.memref_slice %arg6[%dma_start3A_426, %dma_start3A_430] : memref<36x128xi32, #tpu.memory_space<vmem>> -> memref<1x128xi32, #tpu.memory_space<vmem>>
    %dma_start3A_432 = tpu.memref_squeeze %dma_start3A_431 : memref<1x128xi32, #tpu.memory_space<vmem>> -> memref<128xi32, #tpu.memory_space<vmem>>
    %dma_start3A_433 = arith.constant 0 : i32
    %dma_start3A_434 = tpu.memref_slice %arg4[%dma_start3A_433] : memref<20971520xf32, #tpu.memory_space<hbm>> -> memref<20971520xf32, #tpu.memory_space<hbm>>
    tpu.enqueue_indirect_dma source(%dma_start3A_429 : memref<128xf32, #tpu.memory_space<vmem>>) target(%dma_start3A_434 : memref<20971520xf32, #tpu.memory_space<hbm>>) offsets(%dma_start3A_432 : memref<128xi32, #tpu.memory_space<vmem>>) semaphore(%arg9 : memref<!tpu.dma_semaphore, #tpu.memory_space<semaphore_mem>>)
    %dma_start3A_435 = arith.constant 19 : i32
    %dma_start3A_436 = arith.constant 19 : i32
    %dma_start3A_437 = arith.constant 0 : i32
    %dma_start3A_438 = tpu.memref_slice %arg7[%dma_start3A_435, %dma_start3A_437] : memref<36x128xf32, #tpu.memory_space<vmem>> -> memref<1x128xf32, #tpu.memory_space<vmem>>
    %dma_start3A_439 = tpu.memref_squeeze %dma_start3A_438 : memref<1x128xf32, #tpu.memory_space<vmem>> -> memref<128xf32, #tpu.memory_space<vmem>>
    %dma_start3A_440 = arith.constant 0 : i32
    %dma_start3A_441 = tpu.memref_slice %arg6[%dma_start3A_436, %dma_start3A_440] : memref<36x128xi32, #tpu.memory_space<vmem>> -> memref<1x128xi32, #tpu.memory_space<vmem>>
    %dma_start3A_442 = tpu.memref_squeeze %dma_start3A_441 : memref<1x128xi32, #tpu.memory_space<vmem>> -> memref<128xi32, #tpu.memory_space<vmem>>
    %dma_start3A_443 = arith.constant 0 : i32
    %dma_start3A_444 = tpu.memref_slice %arg4[%dma_start3A_443] : memref<20971520xf32, #tpu.memory_space<hbm>> -> memref<20971520xf32, #tpu.memory_space<hbm>>
    tpu.enqueue_indirect_dma source(%dma_start3A_439 : memref<128xf32, #tpu.memory_space<vmem>>) target(%dma_start3A_444 : memref<20971520xf32, #tpu.memory_space<hbm>>) offsets(%dma_start3A_442 : memref<128xi32, #tpu.memory_space<vmem>>) semaphore(%arg9 : memref<!tpu.dma_semaphore, #tpu.memory_space<semaphore_mem>>)
    %dma_start3A_445 = arith.constant 20 : i32
    %dma_start3A_446 = arith.constant 20 : i32
    %dma_start3A_447 = arith.constant 0 : i32
    %dma_start3A_448 = tpu.memref_slice %arg7[%dma_start3A_445, %dma_start3A_447] : memref<36x128xf32, #tpu.memory_space<vmem>> -> memref<1x128xf32, #tpu.memory_space<vmem>>
    %dma_start3A_449 = tpu.memref_squeeze %dma_start3A_448 : memref<1x128xf32, #tpu.memory_space<vmem>> -> memref<128xf32, #tpu.memory_space<vmem>>
    %dma_start3A_450 = arith.constant 0 : i32
    %dma_start3A_451 = tpu.memref_slice %arg6[%dma_start3A_446, %dma_start3A_450] : memref<36x128xi32, #tpu.memory_space<vmem>> -> memref<1x128xi32, #tpu.memory_space<vmem>>
    %dma_start3A_452 = tpu.memref_squeeze %dma_start3A_451 : memref<1x128xi32, #tpu.memory_space<vmem>> -> memref<128xi32, #tpu.memory_space<vmem>>
    %dma_start3A_453 = arith.constant 0 : i32
    %dma_start3A_454 = tpu.memref_slice %arg4[%dma_start3A_453] : memref<20971520xf32, #tpu.memory_space<hbm>> -> memref<20971520xf32, #tpu.memory_space<hbm>>
    tpu.enqueue_indirect_dma source(%dma_start3A_449 : memref<128xf32, #tpu.memory_space<vmem>>) target(%dma_start3A_454 : memref<20971520xf32, #tpu.memory_space<hbm>>) offsets(%dma_start3A_452 : memref<128xi32, #tpu.memory_space<vmem>>) semaphore(%arg9 : memref<!tpu.dma_semaphore, #tpu.memory_space<semaphore_mem>>)
    %dma_start3A_455 = arith.constant 21 : i32
    %dma_start3A_456 = arith.constant 21 : i32
    %dma_start3A_457 = arith.constant 0 : i32
    %dma_start3A_458 = tpu.memref_slice %arg7[%dma_start3A_455, %dma_start3A_457] : memref<36x128xf32, #tpu.memory_space<vmem>> -> memref<1x128xf32, #tpu.memory_space<vmem>>
    %dma_start3A_459 = tpu.memref_squeeze %dma_start3A_458 : memref<1x128xf32, #tpu.memory_space<vmem>> -> memref<128xf32, #tpu.memory_space<vmem>>
    %dma_start3A_460 = arith.constant 0 : i32
    %dma_start3A_461 = tpu.memref_slice %arg6[%dma_start3A_456, %dma_start3A_460] : memref<36x128xi32, #tpu.memory_space<vmem>> -> memref<1x128xi32, #tpu.memory_space<vmem>>
    %dma_start3A_462 = tpu.memref_squeeze %dma_start3A_461 : memref<1x128xi32, #tpu.memory_space<vmem>> -> memref<128xi32, #tpu.memory_space<vmem>>
    %dma_start3A_463 = arith.constant 0 : i32
    %dma_start3A_464 = tpu.memref_slice %arg4[%dma_start3A_463] : memref<20971520xf32, #tpu.memory_space<hbm>> -> memref<20971520xf32, #tpu.memory_space<hbm>>
    tpu.enqueue_indirect_dma source(%dma_start3A_459 : memref<128xf32, #tpu.memory_space<vmem>>) target(%dma_start3A_464 : memref<20971520xf32, #tpu.memory_space<hbm>>) offsets(%dma_start3A_462 : memref<128xi32, #tpu.memory_space<vmem>>) semaphore(%arg9 : memref<!tpu.dma_semaphore, #tpu.memory_space<semaphore_mem>>)
    %dma_start3A_465 = arith.constant 22 : i32
    %dma_start3A_466 = arith.constant 22 : i32
    %dma_start3A_467 = arith.constant 0 : i32
    %dma_start3A_468 = tpu.memref_slice %arg7[%dma_start3A_465, %dma_start3A_467] : memref<36x128xf32, #tpu.memory_space<vmem>> -> memref<1x128xf32, #tpu.memory_space<vmem>>
    %dma_start3A_469 = tpu.memref_squeeze %dma_start3A_468 : memref<1x128xf32, #tpu.memory_space<vmem>> -> memref<128xf32, #tpu.memory_space<vmem>>
    %dma_start3A_470 = arith.constant 0 : i32
    %dma_start3A_471 = tpu.memref_slice %arg6[%dma_start3A_466, %dma_start3A_470] : memref<36x128xi32, #tpu.memory_space<vmem>> -> memref<1x128xi32, #tpu.memory_space<vmem>>
    %dma_start3A_472 = tpu.memref_squeeze %dma_start3A_471 : memref<1x128xi32, #tpu.memory_space<vmem>> -> memref<128xi32, #tpu.memory_space<vmem>>
    %dma_start3A_473 = arith.constant 0 : i32
    %dma_start3A_474 = tpu.memref_slice %arg4[%dma_start3A_473] : memref<20971520xf32, #tpu.memory_space<hbm>> -> memref<20971520xf32, #tpu.memory_space<hbm>>
    tpu.enqueue_indirect_dma source(%dma_start3A_469 : memref<128xf32, #tpu.memory_space<vmem>>) target(%dma_start3A_474 : memref<20971520xf32, #tpu.memory_space<hbm>>) offsets(%dma_start3A_472 : memref<128xi32, #tpu.memory_space<vmem>>) semaphore(%arg9 : memref<!tpu.dma_semaphore, #tpu.memory_space<semaphore_mem>>)
    %dma_start3A_475 = arith.constant 23 : i32
    %dma_start3A_476 = arith.constant 23 : i32
    %dma_start3A_477 = arith.constant 0 : i32
    %dma_start3A_478 = tpu.memref_slice %arg7[%dma_start3A_475, %dma_start3A_477] : memref<36x128xf32, #tpu.memory_space<vmem>> -> memref<1x128xf32, #tpu.memory_space<vmem>>
    %dma_start3A_479 = tpu.memref_squeeze %dma_start3A_478 : memref<1x128xf32, #tpu.memory_space<vmem>> -> memref<128xf32, #tpu.memory_space<vmem>>
    %dma_start3A_480 = arith.constant 0 : i32
    %dma_start3A_481 = tpu.memref_slice %arg6[%dma_start3A_476, %dma_start3A_480] : memref<36x128xi32, #tpu.memory_space<vmem>> -> memref<1x128xi32, #tpu.memory_space<vmem>>
    %dma_start3A_482 = tpu.memref_squeeze %dma_start3A_481 : memref<1x128xi32, #tpu.memory_space<vmem>> -> memref<128xi32, #tpu.memory_space<vmem>>
    %dma_start3A_483 = arith.constant 0 : i32
    %dma_start3A_484 = tpu.memref_slice %arg4[%dma_start3A_483] : memref<20971520xf32, #tpu.memory_space<hbm>> -> memref<20971520xf32, #tpu.memory_space<hbm>>
    tpu.enqueue_indirect_dma source(%dma_start3A_479 : memref<128xf32, #tpu.memory_space<vmem>>) target(%dma_start3A_484 : memref<20971520xf32, #tpu.memory_space<hbm>>) offsets(%dma_start3A_482 : memref<128xi32, #tpu.memory_space<vmem>>) semaphore(%arg9 : memref<!tpu.dma_semaphore, #tpu.memory_space<semaphore_mem>>)
    %dma_start3A_485 = arith.constant 24 : i32
    %dma_start3A_486 = arith.constant 24 : i32
    %dma_start3A_487 = arith.constant 0 : i32
    %dma_start3A_488 = tpu.memref_slice %arg7[%dma_start3A_485, %dma_start3A_487] : memref<36x128xf32, #tpu.memory_space<vmem>> -> memref<1x128xf32, #tpu.memory_space<vmem>>
    %dma_start3A_489 = tpu.memref_squeeze %dma_start3A_488 : memref<1x128xf32, #tpu.memory_space<vmem>> -> memref<128xf32, #tpu.memory_space<vmem>>
    %dma_start3A_490 = arith.constant 0 : i32
    %dma_start3A_491 = tpu.memref_slice %arg6[%dma_start3A_486, %dma_start3A_490] : memref<36x128xi32, #tpu.memory_space<vmem>> -> memref<1x128xi32, #tpu.memory_space<vmem>>
    %dma_start3A_492 = tpu.memref_squeeze %dma_start3A_491 : memref<1x128xi32, #tpu.memory_space<vmem>> -> memref<128xi32, #tpu.memory_space<vmem>>
    %dma_start3A_493 = arith.constant 0 : i32
    %dma_start3A_494 = tpu.memref_slice %arg4[%dma_start3A_493] : memref<20971520xf32, #tpu.memory_space<hbm>> -> memref<20971520xf32, #tpu.memory_space<hbm>>
    tpu.enqueue_indirect_dma source(%dma_start3A_489 : memref<128xf32, #tpu.memory_space<vmem>>) target(%dma_start3A_494 : memref<20971520xf32, #tpu.memory_space<hbm>>) offsets(%dma_start3A_492 : memref<128xi32, #tpu.memory_space<vmem>>) semaphore(%arg9 : memref<!tpu.dma_semaphore, #tpu.memory_space<semaphore_mem>>)
    %dma_start3A_495 = arith.constant 25 : i32
    %dma_start3A_496 = arith.constant 25 : i32
    %dma_start3A_497 = arith.constant 0 : i32
    %dma_start3A_498 = tpu.memref_slice %arg7[%dma_start3A_495, %dma_start3A_497] : memref<36x128xf32, #tpu.memory_space<vmem>> -> memref<1x128xf32, #tpu.memory_space<vmem>>
    %dma_start3A_499 = tpu.memref_squeeze %dma_start3A_498 : memref<1x128xf32, #tpu.memory_space<vmem>> -> memref<128xf32, #tpu.memory_space<vmem>>
    %dma_start3A_500 = arith.constant 0 : i32
    %dma_start3A_501 = tpu.memref_slice %arg6[%dma_start3A_496, %dma_start3A_500] : memref<36x128xi32, #tpu.memory_space<vmem>> -> memref<1x128xi32, #tpu.memory_space<vmem>>
    %dma_start3A_502 = tpu.memref_squeeze %dma_start3A_501 : memref<1x128xi32, #tpu.memory_space<vmem>> -> memref<128xi32, #tpu.memory_space<vmem>>
    %dma_start3A_503 = arith.constant 0 : i32
    %dma_start3A_504 = tpu.memref_slice %arg4[%dma_start3A_503] : memref<20971520xf32, #tpu.memory_space<hbm>> -> memref<20971520xf32, #tpu.memory_space<hbm>>
    tpu.enqueue_indirect_dma source(%dma_start3A_499 : memref<128xf32, #tpu.memory_space<vmem>>) target(%dma_start3A_504 : memref<20971520xf32, #tpu.memory_space<hbm>>) offsets(%dma_start3A_502 : memref<128xi32, #tpu.memory_space<vmem>>) semaphore(%arg9 : memref<!tpu.dma_semaphore, #tpu.memory_space<semaphore_mem>>)
    %dma_start3A_505 = arith.constant 26 : i32
    %dma_start3A_506 = arith.constant 26 : i32
    %dma_start3A_507 = arith.constant 0 : i32
    %dma_start3A_508 = tpu.memref_slice %arg7[%dma_start3A_505, %dma_start3A_507] : memref<36x128xf32, #tpu.memory_space<vmem>> -> memref<1x128xf32, #tpu.memory_space<vmem>>
    %dma_start3A_509 = tpu.memref_squeeze %dma_start3A_508 : memref<1x128xf32, #tpu.memory_space<vmem>> -> memref<128xf32, #tpu.memory_space<vmem>>
    %dma_start3A_510 = arith.constant 0 : i32
    %dma_start3A_511 = tpu.memref_slice %arg6[%dma_start3A_506, %dma_start3A_510] : memref<36x128xi32, #tpu.memory_space<vmem>> -> memref<1x128xi32, #tpu.memory_space<vmem>>
    %dma_start3A_512 = tpu.memref_squeeze %dma_start3A_511 : memref<1x128xi32, #tpu.memory_space<vmem>> -> memref<128xi32, #tpu.memory_space<vmem>>
    %dma_start3A_513 = arith.constant 0 : i32
    %dma_start3A_514 = tpu.memref_slice %arg4[%dma_start3A_513] : memref<20971520xf32, #tpu.memory_space<hbm>> -> memref<20971520xf32, #tpu.memory_space<hbm>>
    tpu.enqueue_indirect_dma source(%dma_start3A_509 : memref<128xf32, #tpu.memory_space<vmem>>) target(%dma_start3A_514 : memref<20971520xf32, #tpu.memory_space<hbm>>) offsets(%dma_start3A_512 : memref<128xi32, #tpu.memory_space<vmem>>) semaphore(%arg9 : memref<!tpu.dma_semaphore, #tpu.memory_space<semaphore_mem>>)
    %dma_start3A_515 = arith.constant 27 : i32
    %dma_start3A_516 = arith.constant 27 : i32
    %dma_start3A_517 = arith.constant 0 : i32
    %dma_start3A_518 = tpu.memref_slice %arg7[%dma_start3A_515, %dma_start3A_517] : memref<36x128xf32, #tpu.memory_space<vmem>> -> memref<1x128xf32, #tpu.memory_space<vmem>>
    %dma_start3A_519 = tpu.memref_squeeze %dma_start3A_518 : memref<1x128xf32, #tpu.memory_space<vmem>> -> memref<128xf32, #tpu.memory_space<vmem>>
    %dma_start3A_520 = arith.constant 0 : i32
    %dma_start3A_521 = tpu.memref_slice %arg6[%dma_start3A_516, %dma_start3A_520] : memref<36x128xi32, #tpu.memory_space<vmem>> -> memref<1x128xi32, #tpu.memory_space<vmem>>
    %dma_start3A_522 = tpu.memref_squeeze %dma_start3A_521 : memref<1x128xi32, #tpu.memory_space<vmem>> -> memref<128xi32, #tpu.memory_space<vmem>>
    %dma_start3A_523 = arith.constant 0 : i32
    %dma_start3A_524 = tpu.memref_slice %arg4[%dma_start3A_523] : memref<20971520xf32, #tpu.memory_space<hbm>> -> memref<20971520xf32, #tpu.memory_space<hbm>>
    tpu.enqueue_indirect_dma source(%dma_start3A_519 : memref<128xf32, #tpu.memory_space<vmem>>) target(%dma_start3A_524 : memref<20971520xf32, #tpu.memory_space<hbm>>) offsets(%dma_start3A_522 : memref<128xi32, #tpu.memory_space<vmem>>) semaphore(%arg9 : memref<!tpu.dma_semaphore, #tpu.memory_space<semaphore_mem>>)
    %dma_start3A_525 = arith.constant 28 : i32
    %dma_start3A_526 = arith.constant 28 : i32
    %dma_start3A_527 = arith.constant 0 : i32
    %dma_start3A_528 = tpu.memref_slice %arg7[%dma_start3A_525, %dma_start3A_527] : memref<36x128xf32, #tpu.memory_space<vmem>> -> memref<1x128xf32, #tpu.memory_space<vmem>>
    %dma_start3A_529 = tpu.memref_squeeze %dma_start3A_528 : memref<1x128xf32, #tpu.memory_space<vmem>> -> memref<128xf32, #tpu.memory_space<vmem>>
    %dma_start3A_530 = arith.constant 0 : i32
    %dma_start3A_531 = tpu.memref_slice %arg6[%dma_start3A_526, %dma_start3A_530] : memref<36x128xi32, #tpu.memory_space<vmem>> -> memref<1x128xi32, #tpu.memory_space<vmem>>
    %dma_start3A_532 = tpu.memref_squeeze %dma_start3A_531 : memref<1x128xi32, #tpu.memory_space<vmem>> -> memref<128xi32, #tpu.memory_space<vmem>>
    %dma_start3A_533 = arith.constant 0 : i32
    %dma_start3A_534 = tpu.memref_slice %arg4[%dma_start3A_533] : memref<20971520xf32, #tpu.memory_space<hbm>> -> memref<20971520xf32, #tpu.memory_space<hbm>>
    tpu.enqueue_indirect_dma source(%dma_start3A_529 : memref<128xf32, #tpu.memory_space<vmem>>) target(%dma_start3A_534 : memref<20971520xf32, #tpu.memory_space<hbm>>) offsets(%dma_start3A_532 : memref<128xi32, #tpu.memory_space<vmem>>) semaphore(%arg9 : memref<!tpu.dma_semaphore, #tpu.memory_space<semaphore_mem>>)
    %dma_start3A_535 = arith.constant 29 : i32
    %dma_start3A_536 = arith.constant 29 : i32
    %dma_start3A_537 = arith.constant 0 : i32
    %dma_start3A_538 = tpu.memref_slice %arg7[%dma_start3A_535, %dma_start3A_537] : memref<36x128xf32, #tpu.memory_space<vmem>> -> memref<1x128xf32, #tpu.memory_space<vmem>>
    %dma_start3A_539 = tpu.memref_squeeze %dma_start3A_538 : memref<1x128xf32, #tpu.memory_space<vmem>> -> memref<128xf32, #tpu.memory_space<vmem>>
    %dma_start3A_540 = arith.constant 0 : i32
    %dma_start3A_541 = tpu.memref_slice %arg6[%dma_start3A_536, %dma_start3A_540] : memref<36x128xi32, #tpu.memory_space<vmem>> -> memref<1x128xi32, #tpu.memory_space<vmem>>
    %dma_start3A_542 = tpu.memref_squeeze %dma_start3A_541 : memref<1x128xi32, #tpu.memory_space<vmem>> -> memref<128xi32, #tpu.memory_space<vmem>>
    %dma_start3A_543 = arith.constant 0 : i32
    %dma_start3A_544 = tpu.memref_slice %arg4[%dma_start3A_543] : memref<20971520xf32, #tpu.memory_space<hbm>> -> memref<20971520xf32, #tpu.memory_space<hbm>>
    tpu.enqueue_indirect_dma source(%dma_start3A_539 : memref<128xf32, #tpu.memory_space<vmem>>) target(%dma_start3A_544 : memref<20971520xf32, #tpu.memory_space<hbm>>) offsets(%dma_start3A_542 : memref<128xi32, #tpu.memory_space<vmem>>) semaphore(%arg9 : memref<!tpu.dma_semaphore, #tpu.memory_space<semaphore_mem>>)
    %dma_start3A_545 = arith.constant 30 : i32
    %dma_start3A_546 = arith.constant 30 : i32
    %dma_start3A_547 = arith.constant 0 : i32
    %dma_start3A_548 = tpu.memref_slice %arg7[%dma_start3A_545, %dma_start3A_547] : memref<36x128xf32, #tpu.memory_space<vmem>> -> memref<1x128xf32, #tpu.memory_space<vmem>>
    %dma_start3A_549 = tpu.memref_squeeze %dma_start3A_548 : memref<1x128xf32, #tpu.memory_space<vmem>> -> memref<128xf32, #tpu.memory_space<vmem>>
    %dma_start3A_550 = arith.constant 0 : i32
    %dma_start3A_551 = tpu.memref_slice %arg6[%dma_start3A_546, %dma_start3A_550] : memref<36x128xi32, #tpu.memory_space<vmem>> -> memref<1x128xi32, #tpu.memory_space<vmem>>
    %dma_start3A_552 = tpu.memref_squeeze %dma_start3A_551 : memref<1x128xi32, #tpu.memory_space<vmem>> -> memref<128xi32, #tpu.memory_space<vmem>>
    %dma_start3A_553 = arith.constant 0 : i32
    %dma_start3A_554 = tpu.memref_slice %arg4[%dma_start3A_553] : memref<20971520xf32, #tpu.memory_space<hbm>> -> memref<20971520xf32, #tpu.memory_space<hbm>>
    tpu.enqueue_indirect_dma source(%dma_start3A_549 : memref<128xf32, #tpu.memory_space<vmem>>) target(%dma_start3A_554 : memref<20971520xf32, #tpu.memory_space<hbm>>) offsets(%dma_start3A_552 : memref<128xi32, #tpu.memory_space<vmem>>) semaphore(%arg9 : memref<!tpu.dma_semaphore, #tpu.memory_space<semaphore_mem>>)
    %dma_start3A_555 = arith.constant 31 : i32
    %dma_start3A_556 = arith.constant 31 : i32
    %dma_start3A_557 = arith.constant 0 : i32
    %dma_start3A_558 = tpu.memref_slice %arg7[%dma_start3A_555, %dma_start3A_557] : memref<36x128xf32, #tpu.memory_space<vmem>> -> memref<1x128xf32, #tpu.memory_space<vmem>>
    %dma_start3A_559 = tpu.memref_squeeze %dma_start3A_558 : memref<1x128xf32, #tpu.memory_space<vmem>> -> memref<128xf32, #tpu.memory_space<vmem>>
    %dma_start3A_560 = arith.constant 0 : i32
    %dma_start3A_561 = tpu.memref_slice %arg6[%dma_start3A_556, %dma_start3A_560] : memref<36x128xi32, #tpu.memory_space<vmem>> -> memref<1x128xi32, #tpu.memory_space<vmem>>
    %dma_start3A_562 = tpu.memref_squeeze %dma_start3A_561 : memref<1x128xi32, #tpu.memory_space<vmem>> -> memref<128xi32, #tpu.memory_space<vmem>>
    %dma_start3A_563 = arith.constant 0 : i32
    %dma_start3A_564 = tpu.memref_slice %arg4[%dma_start3A_563] : memref<20971520xf32, #tpu.memory_space<hbm>> -> memref<20971520xf32, #tpu.memory_space<hbm>>
    tpu.enqueue_indirect_dma source(%dma_start3A_559 : memref<128xf32, #tpu.memory_space<vmem>>) target(%dma_start3A_564 : memref<20971520xf32, #tpu.memory_space<hbm>>) offsets(%dma_start3A_562 : memref<128xi32, #tpu.memory_space<vmem>>) semaphore(%arg9 : memref<!tpu.dma_semaphore, #tpu.memory_space<semaphore_mem>>)
    %dma_start3A_565 = arith.constant 32 : i32
    %dma_start3A_566 = arith.constant 32 : i32
    %dma_start3A_567 = arith.constant 0 : i32
    %dma_start3A_568 = tpu.memref_slice %arg7[%dma_start3A_565, %dma_start3A_567] : memref<36x128xf32, #tpu.memory_space<vmem>> -> memref<1x128xf32, #tpu.memory_space<vmem>>
    %dma_start3A_569 = tpu.memref_squeeze %dma_start3A_568 : memref<1x128xf32, #tpu.memory_space<vmem>> -> memref<128xf32, #tpu.memory_space<vmem>>
    %dma_start3A_570 = arith.constant 0 : i32
    %dma_start3A_571 = tpu.memref_slice %arg6[%dma_start3A_566, %dma_start3A_570] : memref<36x128xi32, #tpu.memory_space<vmem>> -> memref<1x128xi32, #tpu.memory_space<vmem>>
    %dma_start3A_572 = tpu.memref_squeeze %dma_start3A_571 : memref<1x128xi32, #tpu.memory_space<vmem>> -> memref<128xi32, #tpu.memory_space<vmem>>
    %dma_start3A_573 = arith.constant 0 : i32
    %dma_start3A_574 = tpu.memref_slice %arg4[%dma_start3A_573] : memref<20971520xf32, #tpu.memory_space<hbm>> -> memref<20971520xf32, #tpu.memory_space<hbm>>
    tpu.enqueue_indirect_dma source(%dma_start3A_569 : memref<128xf32, #tpu.memory_space<vmem>>) target(%dma_start3A_574 : memref<20971520xf32, #tpu.memory_space<hbm>>) offsets(%dma_start3A_572 : memref<128xi32, #tpu.memory_space<vmem>>) semaphore(%arg9 : memref<!tpu.dma_semaphore, #tpu.memory_space<semaphore_mem>>)
    %dma_start3A_575 = arith.constant 33 : i32
    %dma_start3A_576 = arith.constant 33 : i32
    %dma_start3A_577 = arith.constant 0 : i32
    %dma_start3A_578 = tpu.memref_slice %arg7[%dma_start3A_575, %dma_start3A_577] : memref<36x128xf32, #tpu.memory_space<vmem>> -> memref<1x128xf32, #tpu.memory_space<vmem>>
    %dma_start3A_579 = tpu.memref_squeeze %dma_start3A_578 : memref<1x128xf32, #tpu.memory_space<vmem>> -> memref<128xf32, #tpu.memory_space<vmem>>
    %dma_start3A_580 = arith.constant 0 : i32
    %dma_start3A_581 = tpu.memref_slice %arg6[%dma_start3A_576, %dma_start3A_580] : memref<36x128xi32, #tpu.memory_space<vmem>> -> memref<1x128xi32, #tpu.memory_space<vmem>>
    %dma_start3A_582 = tpu.memref_squeeze %dma_start3A_581 : memref<1x128xi32, #tpu.memory_space<vmem>> -> memref<128xi32, #tpu.memory_space<vmem>>
    %dma_start3A_583 = arith.constant 0 : i32
    %dma_start3A_584 = tpu.memref_slice %arg4[%dma_start3A_583] : memref<20971520xf32, #tpu.memory_space<hbm>> -> memref<20971520xf32, #tpu.memory_space<hbm>>
    tpu.enqueue_indirect_dma source(%dma_start3A_579 : memref<128xf32, #tpu.memory_space<vmem>>) target(%dma_start3A_584 : memref<20971520xf32, #tpu.memory_space<hbm>>) offsets(%dma_start3A_582 : memref<128xi32, #tpu.memory_space<vmem>>) semaphore(%arg9 : memref<!tpu.dma_semaphore, #tpu.memory_space<semaphore_mem>>)
    %dma_start3A_585 = arith.constant 34 : i32
    %dma_start3A_586 = arith.constant 34 : i32
    %dma_start3A_587 = arith.constant 0 : i32
    %dma_start3A_588 = tpu.memref_slice %arg7[%dma_start3A_585, %dma_start3A_587] : memref<36x128xf32, #tpu.memory_space<vmem>> -> memref<1x128xf32, #tpu.memory_space<vmem>>
    %dma_start3A_589 = tpu.memref_squeeze %dma_start3A_588 : memref<1x128xf32, #tpu.memory_space<vmem>> -> memref<128xf32, #tpu.memory_space<vmem>>
    %dma_start3A_590 = arith.constant 0 : i32
    %dma_start3A_591 = tpu.memref_slice %arg6[%dma_start3A_586, %dma_start3A_590] : memref<36x128xi32, #tpu.memory_space<vmem>> -> memref<1x128xi32, #tpu.memory_space<vmem>>
    %dma_start3A_592 = tpu.memref_squeeze %dma_start3A_591 : memref<1x128xi32, #tpu.memory_space<vmem>> -> memref<128xi32, #tpu.memory_space<vmem>>
    %dma_start3A_593 = arith.constant 0 : i32
    %dma_start3A_594 = tpu.memref_slice %arg4[%dma_start3A_593] : memref<20971520xf32, #tpu.memory_space<hbm>> -> memref<20971520xf32, #tpu.memory_space<hbm>>
    tpu.enqueue_indirect_dma source(%dma_start3A_589 : memref<128xf32, #tpu.memory_space<vmem>>) target(%dma_start3A_594 : memref<20971520xf32, #tpu.memory_space<hbm>>) offsets(%dma_start3A_592 : memref<128xi32, #tpu.memory_space<vmem>>) semaphore(%arg9 : memref<!tpu.dma_semaphore, #tpu.memory_space<semaphore_mem>>)
    %dma_start3A_595 = arith.constant 35 : i32
    %dma_start3A_596 = arith.constant 35 : i32
    %dma_start3A_597 = arith.constant 0 : i32
    %dma_start3A_598 = tpu.memref_slice %arg7[%dma_start3A_595, %dma_start3A_597] : memref<36x128xf32, #tpu.memory_space<vmem>> -> memref<1x128xf32, #tpu.memory_space<vmem>>
    %dma_start3A_599 = tpu.memref_squeeze %dma_start3A_598 : memref<1x128xf32, #tpu.memory_space<vmem>> -> memref<128xf32, #tpu.memory_space<vmem>>
    %dma_start3A_600 = arith.constant 0 : i32
    %dma_start3A_601 = tpu.memref_slice %arg6[%dma_start3A_596, %dma_start3A_600] : memref<36x128xi32, #tpu.memory_space<vmem>> -> memref<1x128xi32, #tpu.memory_space<vmem>>
    %dma_start3A_602 = tpu.memref_squeeze %dma_start3A_601 : memref<1x128xi32, #tpu.memory_space<vmem>> -> memref<128xi32, #tpu.memory_space<vmem>>
    %dma_start3A_603 = arith.constant 0 : i32
    %dma_start3A_604 = tpu.memref_slice %arg4[%dma_start3A_603] : memref<20971520xf32, #tpu.memory_space<hbm>> -> memref<20971520xf32, #tpu.memory_space<hbm>>
    tpu.enqueue_indirect_dma source(%dma_start3A_599 : memref<128xf32, #tpu.memory_space<vmem>>) target(%dma_start3A_604 : memref<20971520xf32, #tpu.memory_space<hbm>>) offsets(%dma_start3A_602 : memref<128xi32, #tpu.memory_space<vmem>>) semaphore(%arg9 : memref<!tpu.dma_semaphore, #tpu.memory_space<semaphore_mem>>)
    %dma_wait3A_605 = arith.constant 0 : i32
    %dma_wait3A_606 = arith.constant 0 : i32
    %dma_wait3A_607 = arith.constant 0 : i32
    %dma_wait3A_608 = tpu.memref_slice %arg7[%dma_wait3A_605, %dma_wait3A_607] : memref<36x128xf32, #tpu.memory_space<vmem>> -> memref<1x128xf32, #tpu.memory_space<vmem>>
    %dma_wait3A_609 = tpu.memref_squeeze %dma_wait3A_608 : memref<1x128xf32, #tpu.memory_space<vmem>> -> memref<128xf32, #tpu.memory_space<vmem>>
    %dma_wait3A_610 = arith.constant 0 : i32
    %dma_wait3A_611 = tpu.memref_slice %arg6[%dma_wait3A_606, %dma_wait3A_610] : memref<36x128xi32, #tpu.memory_space<vmem>> -> memref<1x128xi32, #tpu.memory_space<vmem>>
    %dma_wait3A_612 = tpu.memref_squeeze %dma_wait3A_611 : memref<1x128xi32, #tpu.memory_space<vmem>> -> memref<128xi32, #tpu.memory_space<vmem>>
    %dma_wait3A_613 = arith.constant 0 : i32
    %dma_wait3A_614 = tpu.memref_slice %arg4[%dma_wait3A_613] : memref<20971520xf32, #tpu.memory_space<hbm>> -> memref<20971520xf32, #tpu.memory_space<hbm>>
    tpu.wait_indirect_dma semaphore(%arg9 : memref<!tpu.dma_semaphore, #tpu.memory_space<semaphore_mem>>) src(%dma_wait3A_609 : memref<128xf32, #tpu.memory_space<vmem>>) dst(%dma_wait3A_614 : memref<20971520xf32, #tpu.memory_space<hbm>>)
    %dma_wait3A_615 = arith.constant 1 : i32
    %dma_wait3A_616 = arith.constant 1 : i32
    %dma_wait3A_617 = arith.constant 0 : i32
    %dma_wait3A_618 = tpu.memref_slice %arg7[%dma_wait3A_615, %dma_wait3A_617] : memref<36x128xf32, #tpu.memory_space<vmem>> -> memref<1x128xf32, #tpu.memory_space<vmem>>
    %dma_wait3A_619 = tpu.memref_squeeze %dma_wait3A_618 : memref<1x128xf32, #tpu.memory_space<vmem>> -> memref<128xf32, #tpu.memory_space<vmem>>
    %dma_wait3A_620 = arith.constant 0 : i32
    %dma_wait3A_621 = tpu.memref_slice %arg6[%dma_wait3A_616, %dma_wait3A_620] : memref<36x128xi32, #tpu.memory_space<vmem>> -> memref<1x128xi32, #tpu.memory_space<vmem>>
    %dma_wait3A_622 = tpu.memref_squeeze %dma_wait3A_621 : memref<1x128xi32, #tpu.memory_space<vmem>> -> memref<128xi32, #tpu.memory_space<vmem>>
    %dma_wait3A_623 = arith.constant 0 : i32
    %dma_wait3A_624 = tpu.memref_slice %arg4[%dma_wait3A_623] : memref<20971520xf32, #tpu.memory_space<hbm>> -> memref<20971520xf32, #tpu.memory_space<hbm>>
    tpu.wait_indirect_dma semaphore(%arg9 : memref<!tpu.dma_semaphore, #tpu.memory_space<semaphore_mem>>) src(%dma_wait3A_619 : memref<128xf32, #tpu.memory_space<vmem>>) dst(%dma_wait3A_624 : memref<20971520xf32, #tpu.memory_space<hbm>>)
    %dma_wait3A_625 = arith.constant 2 : i32
    %dma_wait3A_626 = arith.constant 2 : i32
    %dma_wait3A_627 = arith.constant 0 : i32
    %dma_wait3A_628 = tpu.memref_slice %arg7[%dma_wait3A_625, %dma_wait3A_627] : memref<36x128xf32, #tpu.memory_space<vmem>> -> memref<1x128xf32, #tpu.memory_space<vmem>>
    %dma_wait3A_629 = tpu.memref_squeeze %dma_wait3A_628 : memref<1x128xf32, #tpu.memory_space<vmem>> -> memref<128xf32, #tpu.memory_space<vmem>>
    %dma_wait3A_630 = arith.constant 0 : i32
    %dma_wait3A_631 = tpu.memref_slice %arg6[%dma_wait3A_626, %dma_wait3A_630] : memref<36x128xi32, #tpu.memory_space<vmem>> -> memref<1x128xi32, #tpu.memory_space<vmem>>
    %dma_wait3A_632 = tpu.memref_squeeze %dma_wait3A_631 : memref<1x128xi32, #tpu.memory_space<vmem>> -> memref<128xi32, #tpu.memory_space<vmem>>
    %dma_wait3A_633 = arith.constant 0 : i32
    %dma_wait3A_634 = tpu.memref_slice %arg4[%dma_wait3A_633] : memref<20971520xf32, #tpu.memory_space<hbm>> -> memref<20971520xf32, #tpu.memory_space<hbm>>
    tpu.wait_indirect_dma semaphore(%arg9 : memref<!tpu.dma_semaphore, #tpu.memory_space<semaphore_mem>>) src(%dma_wait3A_629 : memref<128xf32, #tpu.memory_space<vmem>>) dst(%dma_wait3A_634 : memref<20971520xf32, #tpu.memory_space<hbm>>)
    %dma_wait3A_635 = arith.constant 3 : i32
    %dma_wait3A_636 = arith.constant 3 : i32
    %dma_wait3A_637 = arith.constant 0 : i32
    %dma_wait3A_638 = tpu.memref_slice %arg7[%dma_wait3A_635, %dma_wait3A_637] : memref<36x128xf32, #tpu.memory_space<vmem>> -> memref<1x128xf32, #tpu.memory_space<vmem>>
    %dma_wait3A_639 = tpu.memref_squeeze %dma_wait3A_638 : memref<1x128xf32, #tpu.memory_space<vmem>> -> memref<128xf32, #tpu.memory_space<vmem>>
    %dma_wait3A_640 = arith.constant 0 : i32
    %dma_wait3A_641 = tpu.memref_slice %arg6[%dma_wait3A_636, %dma_wait3A_640] : memref<36x128xi32, #tpu.memory_space<vmem>> -> memref<1x128xi32, #tpu.memory_space<vmem>>
    %dma_wait3A_642 = tpu.memref_squeeze %dma_wait3A_641 : memref<1x128xi32, #tpu.memory_space<vmem>> -> memref<128xi32, #tpu.memory_space<vmem>>
    %dma_wait3A_643 = arith.constant 0 : i32
    %dma_wait3A_644 = tpu.memref_slice %arg4[%dma_wait3A_643] : memref<20971520xf32, #tpu.memory_space<hbm>> -> memref<20971520xf32, #tpu.memory_space<hbm>>
    tpu.wait_indirect_dma semaphore(%arg9 : memref<!tpu.dma_semaphore, #tpu.memory_space<semaphore_mem>>) src(%dma_wait3A_639 : memref<128xf32, #tpu.memory_space<vmem>>) dst(%dma_wait3A_644 : memref<20971520xf32, #tpu.memory_space<hbm>>)
    %dma_wait3A_645 = arith.constant 4 : i32
    %dma_wait3A_646 = arith.constant 4 : i32
    %dma_wait3A_647 = arith.constant 0 : i32
    %dma_wait3A_648 = tpu.memref_slice %arg7[%dma_wait3A_645, %dma_wait3A_647] : memref<36x128xf32, #tpu.memory_space<vmem>> -> memref<1x128xf32, #tpu.memory_space<vmem>>
    %dma_wait3A_649 = tpu.memref_squeeze %dma_wait3A_648 : memref<1x128xf32, #tpu.memory_space<vmem>> -> memref<128xf32, #tpu.memory_space<vmem>>
    %dma_wait3A_650 = arith.constant 0 : i32
    %dma_wait3A_651 = tpu.memref_slice %arg6[%dma_wait3A_646, %dma_wait3A_650] : memref<36x128xi32, #tpu.memory_space<vmem>> -> memref<1x128xi32, #tpu.memory_space<vmem>>
    %dma_wait3A_652 = tpu.memref_squeeze %dma_wait3A_651 : memref<1x128xi32, #tpu.memory_space<vmem>> -> memref<128xi32, #tpu.memory_space<vmem>>
    %dma_wait3A_653 = arith.constant 0 : i32
    %dma_wait3A_654 = tpu.memref_slice %arg4[%dma_wait3A_653] : memref<20971520xf32, #tpu.memory_space<hbm>> -> memref<20971520xf32, #tpu.memory_space<hbm>>
    tpu.wait_indirect_dma semaphore(%arg9 : memref<!tpu.dma_semaphore, #tpu.memory_space<semaphore_mem>>) src(%dma_wait3A_649 : memref<128xf32, #tpu.memory_space<vmem>>) dst(%dma_wait3A_654 : memref<20971520xf32, #tpu.memory_space<hbm>>)
    %dma_wait3A_655 = arith.constant 5 : i32
    %dma_wait3A_656 = arith.constant 5 : i32
    %dma_wait3A_657 = arith.constant 0 : i32
    %dma_wait3A_658 = tpu.memref_slice %arg7[%dma_wait3A_655, %dma_wait3A_657] : memref<36x128xf32, #tpu.memory_space<vmem>> -> memref<1x128xf32, #tpu.memory_space<vmem>>
    %dma_wait3A_659 = tpu.memref_squeeze %dma_wait3A_658 : memref<1x128xf32, #tpu.memory_space<vmem>> -> memref<128xf32, #tpu.memory_space<vmem>>
    %dma_wait3A_660 = arith.constant 0 : i32
    %dma_wait3A_661 = tpu.memref_slice %arg6[%dma_wait3A_656, %dma_wait3A_660] : memref<36x128xi32, #tpu.memory_space<vmem>> -> memref<1x128xi32, #tpu.memory_space<vmem>>
    %dma_wait3A_662 = tpu.memref_squeeze %dma_wait3A_661 : memref<1x128xi32, #tpu.memory_space<vmem>> -> memref<128xi32, #tpu.memory_space<vmem>>
    %dma_wait3A_663 = arith.constant 0 : i32
    %dma_wait3A_664 = tpu.memref_slice %arg4[%dma_wait3A_663] : memref<20971520xf32, #tpu.memory_space<hbm>> -> memref<20971520xf32, #tpu.memory_space<hbm>>
    tpu.wait_indirect_dma semaphore(%arg9 : memref<!tpu.dma_semaphore, #tpu.memory_space<semaphore_mem>>) src(%dma_wait3A_659 : memref<128xf32, #tpu.memory_space<vmem>>) dst(%dma_wait3A_664 : memref<20971520xf32, #tpu.memory_space<hbm>>)
    %dma_wait3A_665 = arith.constant 6 : i32
    %dma_wait3A_666 = arith.constant 6 : i32
    %dma_wait3A_667 = arith.constant 0 : i32
    %dma_wait3A_668 = tpu.memref_slice %arg7[%dma_wait3A_665, %dma_wait3A_667] : memref<36x128xf32, #tpu.memory_space<vmem>> -> memref<1x128xf32, #tpu.memory_space<vmem>>
    %dma_wait3A_669 = tpu.memref_squeeze %dma_wait3A_668 : memref<1x128xf32, #tpu.memory_space<vmem>> -> memref<128xf32, #tpu.memory_space<vmem>>
    %dma_wait3A_670 = arith.constant 0 : i32
    %dma_wait3A_671 = tpu.memref_slice %arg6[%dma_wait3A_666, %dma_wait3A_670] : memref<36x128xi32, #tpu.memory_space<vmem>> -> memref<1x128xi32, #tpu.memory_space<vmem>>
    %dma_wait3A_672 = tpu.memref_squeeze %dma_wait3A_671 : memref<1x128xi32, #tpu.memory_space<vmem>> -> memref<128xi32, #tpu.memory_space<vmem>>
    %dma_wait3A_673 = arith.constant 0 : i32
    %dma_wait3A_674 = tpu.memref_slice %arg4[%dma_wait3A_673] : memref<20971520xf32, #tpu.memory_space<hbm>> -> memref<20971520xf32, #tpu.memory_space<hbm>>
    tpu.wait_indirect_dma semaphore(%arg9 : memref<!tpu.dma_semaphore, #tpu.memory_space<semaphore_mem>>) src(%dma_wait3A_669 : memref<128xf32, #tpu.memory_space<vmem>>) dst(%dma_wait3A_674 : memref<20971520xf32, #tpu.memory_space<hbm>>)
    %dma_wait3A_675 = arith.constant 7 : i32
    %dma_wait3A_676 = arith.constant 7 : i32
    %dma_wait3A_677 = arith.constant 0 : i32
    %dma_wait3A_678 = tpu.memref_slice %arg7[%dma_wait3A_675, %dma_wait3A_677] : memref<36x128xf32, #tpu.memory_space<vmem>> -> memref<1x128xf32, #tpu.memory_space<vmem>>
    %dma_wait3A_679 = tpu.memref_squeeze %dma_wait3A_678 : memref<1x128xf32, #tpu.memory_space<vmem>> -> memref<128xf32, #tpu.memory_space<vmem>>
    %dma_wait3A_680 = arith.constant 0 : i32
    %dma_wait3A_681 = tpu.memref_slice %arg6[%dma_wait3A_676, %dma_wait3A_680] : memref<36x128xi32, #tpu.memory_space<vmem>> -> memref<1x128xi32, #tpu.memory_space<vmem>>
    %dma_wait3A_682 = tpu.memref_squeeze %dma_wait3A_681 : memref<1x128xi32, #tpu.memory_space<vmem>> -> memref<128xi32, #tpu.memory_space<vmem>>
    %dma_wait3A_683 = arith.constant 0 : i32
    %dma_wait3A_684 = tpu.memref_slice %arg4[%dma_wait3A_683] : memref<20971520xf32, #tpu.memory_space<hbm>> -> memref<20971520xf32, #tpu.memory_space<hbm>>
    tpu.wait_indirect_dma semaphore(%arg9 : memref<!tpu.dma_semaphore, #tpu.memory_space<semaphore_mem>>) src(%dma_wait3A_679 : memref<128xf32, #tpu.memory_space<vmem>>) dst(%dma_wait3A_684 : memref<20971520xf32, #tpu.memory_space<hbm>>)
    %dma_wait3A_685 = arith.constant 8 : i32
    %dma_wait3A_686 = arith.constant 8 : i32
    %dma_wait3A_687 = arith.constant 0 : i32
    %dma_wait3A_688 = tpu.memref_slice %arg7[%dma_wait3A_685, %dma_wait3A_687] : memref<36x128xf32, #tpu.memory_space<vmem>> -> memref<1x128xf32, #tpu.memory_space<vmem>>
    %dma_wait3A_689 = tpu.memref_squeeze %dma_wait3A_688 : memref<1x128xf32, #tpu.memory_space<vmem>> -> memref<128xf32, #tpu.memory_space<vmem>>
    %dma_wait3A_690 = arith.constant 0 : i32
    %dma_wait3A_691 = tpu.memref_slice %arg6[%dma_wait3A_686, %dma_wait3A_690] : memref<36x128xi32, #tpu.memory_space<vmem>> -> memref<1x128xi32, #tpu.memory_space<vmem>>
    %dma_wait3A_692 = tpu.memref_squeeze %dma_wait3A_691 : memref<1x128xi32, #tpu.memory_space<vmem>> -> memref<128xi32, #tpu.memory_space<vmem>>
    %dma_wait3A_693 = arith.constant 0 : i32
    %dma_wait3A_694 = tpu.memref_slice %arg4[%dma_wait3A_693] : memref<20971520xf32, #tpu.memory_space<hbm>> -> memref<20971520xf32, #tpu.memory_space<hbm>>
    tpu.wait_indirect_dma semaphore(%arg9 : memref<!tpu.dma_semaphore, #tpu.memory_space<semaphore_mem>>) src(%dma_wait3A_689 : memref<128xf32, #tpu.memory_space<vmem>>) dst(%dma_wait3A_694 : memref<20971520xf32, #tpu.memory_space<hbm>>)
    %dma_wait3A_695 = arith.constant 9 : i32
    %dma_wait3A_696 = arith.constant 9 : i32
    %dma_wait3A_697 = arith.constant 0 : i32
    %dma_wait3A_698 = tpu.memref_slice %arg7[%dma_wait3A_695, %dma_wait3A_697] : memref<36x128xf32, #tpu.memory_space<vmem>> -> memref<1x128xf32, #tpu.memory_space<vmem>>
    %dma_wait3A_699 = tpu.memref_squeeze %dma_wait3A_698 : memref<1x128xf32, #tpu.memory_space<vmem>> -> memref<128xf32, #tpu.memory_space<vmem>>
    %dma_wait3A_700 = arith.constant 0 : i32
    %dma_wait3A_701 = tpu.memref_slice %arg6[%dma_wait3A_696, %dma_wait3A_700] : memref<36x128xi32, #tpu.memory_space<vmem>> -> memref<1x128xi32, #tpu.memory_space<vmem>>
    %dma_wait3A_702 = tpu.memref_squeeze %dma_wait3A_701 : memref<1x128xi32, #tpu.memory_space<vmem>> -> memref<128xi32, #tpu.memory_space<vmem>>
    %dma_wait3A_703 = arith.constant 0 : i32
    %dma_wait3A_704 = tpu.memref_slice %arg4[%dma_wait3A_703] : memref<20971520xf32, #tpu.memory_space<hbm>> -> memref<20971520xf32, #tpu.memory_space<hbm>>
    tpu.wait_indirect_dma semaphore(%arg9 : memref<!tpu.dma_semaphore, #tpu.memory_space<semaphore_mem>>) src(%dma_wait3A_699 : memref<128xf32, #tpu.memory_space<vmem>>) dst(%dma_wait3A_704 : memref<20971520xf32, #tpu.memory_space<hbm>>)
    %dma_wait3A_705 = arith.constant 10 : i32
    %dma_wait3A_706 = arith.constant 10 : i32
    %dma_wait3A_707 = arith.constant 0 : i32
    %dma_wait3A_708 = tpu.memref_slice %arg7[%dma_wait3A_705, %dma_wait3A_707] : memref<36x128xf32, #tpu.memory_space<vmem>> -> memref<1x128xf32, #tpu.memory_space<vmem>>
    %dma_wait3A_709 = tpu.memref_squeeze %dma_wait3A_708 : memref<1x128xf32, #tpu.memory_space<vmem>> -> memref<128xf32, #tpu.memory_space<vmem>>
    %dma_wait3A_710 = arith.constant 0 : i32
    %dma_wait3A_711 = tpu.memref_slice %arg6[%dma_wait3A_706, %dma_wait3A_710] : memref<36x128xi32, #tpu.memory_space<vmem>> -> memref<1x128xi32, #tpu.memory_space<vmem>>
    %dma_wait3A_712 = tpu.memref_squeeze %dma_wait3A_711 : memref<1x128xi32, #tpu.memory_space<vmem>> -> memref<128xi32, #tpu.memory_space<vmem>>
    %dma_wait3A_713 = arith.constant 0 : i32
    %dma_wait3A_714 = tpu.memref_slice %arg4[%dma_wait3A_713] : memref<20971520xf32, #tpu.memory_space<hbm>> -> memref<20971520xf32, #tpu.memory_space<hbm>>
    tpu.wait_indirect_dma semaphore(%arg9 : memref<!tpu.dma_semaphore, #tpu.memory_space<semaphore_mem>>) src(%dma_wait3A_709 : memref<128xf32, #tpu.memory_space<vmem>>) dst(%dma_wait3A_714 : memref<20971520xf32, #tpu.memory_space<hbm>>)
    %dma_wait3A_715 = arith.constant 11 : i32
    %dma_wait3A_716 = arith.constant 11 : i32
    %dma_wait3A_717 = arith.constant 0 : i32
    %dma_wait3A_718 = tpu.memref_slice %arg7[%dma_wait3A_715, %dma_wait3A_717] : memref<36x128xf32, #tpu.memory_space<vmem>> -> memref<1x128xf32, #tpu.memory_space<vmem>>
    %dma_wait3A_719 = tpu.memref_squeeze %dma_wait3A_718 : memref<1x128xf32, #tpu.memory_space<vmem>> -> memref<128xf32, #tpu.memory_space<vmem>>
    %dma_wait3A_720 = arith.constant 0 : i32
    %dma_wait3A_721 = tpu.memref_slice %arg6[%dma_wait3A_716, %dma_wait3A_720] : memref<36x128xi32, #tpu.memory_space<vmem>> -> memref<1x128xi32, #tpu.memory_space<vmem>>
    %dma_wait3A_722 = tpu.memref_squeeze %dma_wait3A_721 : memref<1x128xi32, #tpu.memory_space<vmem>> -> memref<128xi32, #tpu.memory_space<vmem>>
    %dma_wait3A_723 = arith.constant 0 : i32
    %dma_wait3A_724 = tpu.memref_slice %arg4[%dma_wait3A_723] : memref<20971520xf32, #tpu.memory_space<hbm>> -> memref<20971520xf32, #tpu.memory_space<hbm>>
    tpu.wait_indirect_dma semaphore(%arg9 : memref<!tpu.dma_semaphore, #tpu.memory_space<semaphore_mem>>) src(%dma_wait3A_719 : memref<128xf32, #tpu.memory_space<vmem>>) dst(%dma_wait3A_724 : memref<20971520xf32, #tpu.memory_space<hbm>>)
    %dma_wait3A_725 = arith.constant 12 : i32
    %dma_wait3A_726 = arith.constant 12 : i32
    %dma_wait3A_727 = arith.constant 0 : i32
    %dma_wait3A_728 = tpu.memref_slice %arg7[%dma_wait3A_725, %dma_wait3A_727] : memref<36x128xf32, #tpu.memory_space<vmem>> -> memref<1x128xf32, #tpu.memory_space<vmem>>
    %dma_wait3A_729 = tpu.memref_squeeze %dma_wait3A_728 : memref<1x128xf32, #tpu.memory_space<vmem>> -> memref<128xf32, #tpu.memory_space<vmem>>
    %dma_wait3A_730 = arith.constant 0 : i32
    %dma_wait3A_731 = tpu.memref_slice %arg6[%dma_wait3A_726, %dma_wait3A_730] : memref<36x128xi32, #tpu.memory_space<vmem>> -> memref<1x128xi32, #tpu.memory_space<vmem>>
    %dma_wait3A_732 = tpu.memref_squeeze %dma_wait3A_731 : memref<1x128xi32, #tpu.memory_space<vmem>> -> memref<128xi32, #tpu.memory_space<vmem>>
    %dma_wait3A_733 = arith.constant 0 : i32
    %dma_wait3A_734 = tpu.memref_slice %arg4[%dma_wait3A_733] : memref<20971520xf32, #tpu.memory_space<hbm>> -> memref<20971520xf32, #tpu.memory_space<hbm>>
    tpu.wait_indirect_dma semaphore(%arg9 : memref<!tpu.dma_semaphore, #tpu.memory_space<semaphore_mem>>) src(%dma_wait3A_729 : memref<128xf32, #tpu.memory_space<vmem>>) dst(%dma_wait3A_734 : memref<20971520xf32, #tpu.memory_space<hbm>>)
    %dma_wait3A_735 = arith.constant 13 : i32
    %dma_wait3A_736 = arith.constant 13 : i32
    %dma_wait3A_737 = arith.constant 0 : i32
    %dma_wait3A_738 = tpu.memref_slice %arg7[%dma_wait3A_735, %dma_wait3A_737] : memref<36x128xf32, #tpu.memory_space<vmem>> -> memref<1x128xf32, #tpu.memory_space<vmem>>
    %dma_wait3A_739 = tpu.memref_squeeze %dma_wait3A_738 : memref<1x128xf32, #tpu.memory_space<vmem>> -> memref<128xf32, #tpu.memory_space<vmem>>
    %dma_wait3A_740 = arith.constant 0 : i32
    %dma_wait3A_741 = tpu.memref_slice %arg6[%dma_wait3A_736, %dma_wait3A_740] : memref<36x128xi32, #tpu.memory_space<vmem>> -> memref<1x128xi32, #tpu.memory_space<vmem>>
    %dma_wait3A_742 = tpu.memref_squeeze %dma_wait3A_741 : memref<1x128xi32, #tpu.memory_space<vmem>> -> memref<128xi32, #tpu.memory_space<vmem>>
    %dma_wait3A_743 = arith.constant 0 : i32
    %dma_wait3A_744 = tpu.memref_slice %arg4[%dma_wait3A_743] : memref<20971520xf32, #tpu.memory_space<hbm>> -> memref<20971520xf32, #tpu.memory_space<hbm>>
    tpu.wait_indirect_dma semaphore(%arg9 : memref<!tpu.dma_semaphore, #tpu.memory_space<semaphore_mem>>) src(%dma_wait3A_739 : memref<128xf32, #tpu.memory_space<vmem>>) dst(%dma_wait3A_744 : memref<20971520xf32, #tpu.memory_space<hbm>>)
    %dma_wait3A_745 = arith.constant 14 : i32
    %dma_wait3A_746 = arith.constant 14 : i32
    %dma_wait3A_747 = arith.constant 0 : i32
    %dma_wait3A_748 = tpu.memref_slice %arg7[%dma_wait3A_745, %dma_wait3A_747] : memref<36x128xf32, #tpu.memory_space<vmem>> -> memref<1x128xf32, #tpu.memory_space<vmem>>
    %dma_wait3A_749 = tpu.memref_squeeze %dma_wait3A_748 : memref<1x128xf32, #tpu.memory_space<vmem>> -> memref<128xf32, #tpu.memory_space<vmem>>
    %dma_wait3A_750 = arith.constant 0 : i32
    %dma_wait3A_751 = tpu.memref_slice %arg6[%dma_wait3A_746, %dma_wait3A_750] : memref<36x128xi32, #tpu.memory_space<vmem>> -> memref<1x128xi32, #tpu.memory_space<vmem>>
    %dma_wait3A_752 = tpu.memref_squeeze %dma_wait3A_751 : memref<1x128xi32, #tpu.memory_space<vmem>> -> memref<128xi32, #tpu.memory_space<vmem>>
    %dma_wait3A_753 = arith.constant 0 : i32
    %dma_wait3A_754 = tpu.memref_slice %arg4[%dma_wait3A_753] : memref<20971520xf32, #tpu.memory_space<hbm>> -> memref<20971520xf32, #tpu.memory_space<hbm>>
    tpu.wait_indirect_dma semaphore(%arg9 : memref<!tpu.dma_semaphore, #tpu.memory_space<semaphore_mem>>) src(%dma_wait3A_749 : memref<128xf32, #tpu.memory_space<vmem>>) dst(%dma_wait3A_754 : memref<20971520xf32, #tpu.memory_space<hbm>>)
    %dma_wait3A_755 = arith.constant 15 : i32
    %dma_wait3A_756 = arith.constant 15 : i32
    %dma_wait3A_757 = arith.constant 0 : i32
    %dma_wait3A_758 = tpu.memref_slice %arg7[%dma_wait3A_755, %dma_wait3A_757] : memref<36x128xf32, #tpu.memory_space<vmem>> -> memref<1x128xf32, #tpu.memory_space<vmem>>
    %dma_wait3A_759 = tpu.memref_squeeze %dma_wait3A_758 : memref<1x128xf32, #tpu.memory_space<vmem>> -> memref<128xf32, #tpu.memory_space<vmem>>
    %dma_wait3A_760 = arith.constant 0 : i32
    %dma_wait3A_761 = tpu.memref_slice %arg6[%dma_wait3A_756, %dma_wait3A_760] : memref<36x128xi32, #tpu.memory_space<vmem>> -> memref<1x128xi32, #tpu.memory_space<vmem>>
    %dma_wait3A_762 = tpu.memref_squeeze %dma_wait3A_761 : memref<1x128xi32, #tpu.memory_space<vmem>> -> memref<128xi32, #tpu.memory_space<vmem>>
    %dma_wait3A_763 = arith.constant 0 : i32
    %dma_wait3A_764 = tpu.memref_slice %arg4[%dma_wait3A_763] : memref<20971520xf32, #tpu.memory_space<hbm>> -> memref<20971520xf32, #tpu.memory_space<hbm>>
    tpu.wait_indirect_dma semaphore(%arg9 : memref<!tpu.dma_semaphore, #tpu.memory_space<semaphore_mem>>) src(%dma_wait3A_759 : memref<128xf32, #tpu.memory_space<vmem>>) dst(%dma_wait3A_764 : memref<20971520xf32, #tpu.memory_space<hbm>>)
    %dma_wait3A_765 = arith.constant 16 : i32
    %dma_wait3A_766 = arith.constant 16 : i32
    %dma_wait3A_767 = arith.constant 0 : i32
    %dma_wait3A_768 = tpu.memref_slice %arg7[%dma_wait3A_765, %dma_wait3A_767] : memref<36x128xf32, #tpu.memory_space<vmem>> -> memref<1x128xf32, #tpu.memory_space<vmem>>
    %dma_wait3A_769 = tpu.memref_squeeze %dma_wait3A_768 : memref<1x128xf32, #tpu.memory_space<vmem>> -> memref<128xf32, #tpu.memory_space<vmem>>
    %dma_wait3A_770 = arith.constant 0 : i32
    %dma_wait3A_771 = tpu.memref_slice %arg6[%dma_wait3A_766, %dma_wait3A_770] : memref<36x128xi32, #tpu.memory_space<vmem>> -> memref<1x128xi32, #tpu.memory_space<vmem>>
    %dma_wait3A_772 = tpu.memref_squeeze %dma_wait3A_771 : memref<1x128xi32, #tpu.memory_space<vmem>> -> memref<128xi32, #tpu.memory_space<vmem>>
    %dma_wait3A_773 = arith.constant 0 : i32
    %dma_wait3A_774 = tpu.memref_slice %arg4[%dma_wait3A_773] : memref<20971520xf32, #tpu.memory_space<hbm>> -> memref<20971520xf32, #tpu.memory_space<hbm>>
    tpu.wait_indirect_dma semaphore(%arg9 : memref<!tpu.dma_semaphore, #tpu.memory_space<semaphore_mem>>) src(%dma_wait3A_769 : memref<128xf32, #tpu.memory_space<vmem>>) dst(%dma_wait3A_774 : memref<20971520xf32, #tpu.memory_space<hbm>>)
    %dma_wait3A_775 = arith.constant 17 : i32
    %dma_wait3A_776 = arith.constant 17 : i32
    %dma_wait3A_777 = arith.constant 0 : i32
    %dma_wait3A_778 = tpu.memref_slice %arg7[%dma_wait3A_775, %dma_wait3A_777] : memref<36x128xf32, #tpu.memory_space<vmem>> -> memref<1x128xf32, #tpu.memory_space<vmem>>
    %dma_wait3A_779 = tpu.memref_squeeze %dma_wait3A_778 : memref<1x128xf32, #tpu.memory_space<vmem>> -> memref<128xf32, #tpu.memory_space<vmem>>
    %dma_wait3A_780 = arith.constant 0 : i32
    %dma_wait3A_781 = tpu.memref_slice %arg6[%dma_wait3A_776, %dma_wait3A_780] : memref<36x128xi32, #tpu.memory_space<vmem>> -> memref<1x128xi32, #tpu.memory_space<vmem>>
    %dma_wait3A_782 = tpu.memref_squeeze %dma_wait3A_781 : memref<1x128xi32, #tpu.memory_space<vmem>> -> memref<128xi32, #tpu.memory_space<vmem>>
    %dma_wait3A_783 = arith.constant 0 : i32
    %dma_wait3A_784 = tpu.memref_slice %arg4[%dma_wait3A_783] : memref<20971520xf32, #tpu.memory_space<hbm>> -> memref<20971520xf32, #tpu.memory_space<hbm>>
    tpu.wait_indirect_dma semaphore(%arg9 : memref<!tpu.dma_semaphore, #tpu.memory_space<semaphore_mem>>) src(%dma_wait3A_779 : memref<128xf32, #tpu.memory_space<vmem>>) dst(%dma_wait3A_784 : memref<20971520xf32, #tpu.memory_space<hbm>>)
    %dma_wait3A_785 = arith.constant 18 : i32
    %dma_wait3A_786 = arith.constant 18 : i32
    %dma_wait3A_787 = arith.constant 0 : i32
    %dma_wait3A_788 = tpu.memref_slice %arg7[%dma_wait3A_785, %dma_wait3A_787] : memref<36x128xf32, #tpu.memory_space<vmem>> -> memref<1x128xf32, #tpu.memory_space<vmem>>
    %dma_wait3A_789 = tpu.memref_squeeze %dma_wait3A_788 : memref<1x128xf32, #tpu.memory_space<vmem>> -> memref<128xf32, #tpu.memory_space<vmem>>
    %dma_wait3A_790 = arith.constant 0 : i32
    %dma_wait3A_791 = tpu.memref_slice %arg6[%dma_wait3A_786, %dma_wait3A_790] : memref<36x128xi32, #tpu.memory_space<vmem>> -> memref<1x128xi32, #tpu.memory_space<vmem>>
    %dma_wait3A_792 = tpu.memref_squeeze %dma_wait3A_791 : memref<1x128xi32, #tpu.memory_space<vmem>> -> memref<128xi32, #tpu.memory_space<vmem>>
    %dma_wait3A_793 = arith.constant 0 : i32
    %dma_wait3A_794 = tpu.memref_slice %arg4[%dma_wait3A_793] : memref<20971520xf32, #tpu.memory_space<hbm>> -> memref<20971520xf32, #tpu.memory_space<hbm>>
    tpu.wait_indirect_dma semaphore(%arg9 : memref<!tpu.dma_semaphore, #tpu.memory_space<semaphore_mem>>) src(%dma_wait3A_789 : memref<128xf32, #tpu.memory_space<vmem>>) dst(%dma_wait3A_794 : memref<20971520xf32, #tpu.memory_space<hbm>>)
    %dma_wait3A_795 = arith.constant 19 : i32
    %dma_wait3A_796 = arith.constant 19 : i32
    %dma_wait3A_797 = arith.constant 0 : i32
    %dma_wait3A_798 = tpu.memref_slice %arg7[%dma_wait3A_795, %dma_wait3A_797] : memref<36x128xf32, #tpu.memory_space<vmem>> -> memref<1x128xf32, #tpu.memory_space<vmem>>
    %dma_wait3A_799 = tpu.memref_squeeze %dma_wait3A_798 : memref<1x128xf32, #tpu.memory_space<vmem>> -> memref<128xf32, #tpu.memory_space<vmem>>
    %dma_wait3A_800 = arith.constant 0 : i32
    %dma_wait3A_801 = tpu.memref_slice %arg6[%dma_wait3A_796, %dma_wait3A_800] : memref<36x128xi32, #tpu.memory_space<vmem>> -> memref<1x128xi32, #tpu.memory_space<vmem>>
    %dma_wait3A_802 = tpu.memref_squeeze %dma_wait3A_801 : memref<1x128xi32, #tpu.memory_space<vmem>> -> memref<128xi32, #tpu.memory_space<vmem>>
    %dma_wait3A_803 = arith.constant 0 : i32
    %dma_wait3A_804 = tpu.memref_slice %arg4[%dma_wait3A_803] : memref<20971520xf32, #tpu.memory_space<hbm>> -> memref<20971520xf32, #tpu.memory_space<hbm>>
    tpu.wait_indirect_dma semaphore(%arg9 : memref<!tpu.dma_semaphore, #tpu.memory_space<semaphore_mem>>) src(%dma_wait3A_799 : memref<128xf32, #tpu.memory_space<vmem>>) dst(%dma_wait3A_804 : memref<20971520xf32, #tpu.memory_space<hbm>>)
    %dma_wait3A_805 = arith.constant 20 : i32
    %dma_wait3A_806 = arith.constant 20 : i32
    %dma_wait3A_807 = arith.constant 0 : i32
    %dma_wait3A_808 = tpu.memref_slice %arg7[%dma_wait3A_805, %dma_wait3A_807] : memref<36x128xf32, #tpu.memory_space<vmem>> -> memref<1x128xf32, #tpu.memory_space<vmem>>
    %dma_wait3A_809 = tpu.memref_squeeze %dma_wait3A_808 : memref<1x128xf32, #tpu.memory_space<vmem>> -> memref<128xf32, #tpu.memory_space<vmem>>
    %dma_wait3A_810 = arith.constant 0 : i32
    %dma_wait3A_811 = tpu.memref_slice %arg6[%dma_wait3A_806, %dma_wait3A_810] : memref<36x128xi32, #tpu.memory_space<vmem>> -> memref<1x128xi32, #tpu.memory_space<vmem>>
    %dma_wait3A_812 = tpu.memref_squeeze %dma_wait3A_811 : memref<1x128xi32, #tpu.memory_space<vmem>> -> memref<128xi32, #tpu.memory_space<vmem>>
    %dma_wait3A_813 = arith.constant 0 : i32
    %dma_wait3A_814 = tpu.memref_slice %arg4[%dma_wait3A_813] : memref<20971520xf32, #tpu.memory_space<hbm>> -> memref<20971520xf32, #tpu.memory_space<hbm>>
    tpu.wait_indirect_dma semaphore(%arg9 : memref<!tpu.dma_semaphore, #tpu.memory_space<semaphore_mem>>) src(%dma_wait3A_809 : memref<128xf32, #tpu.memory_space<vmem>>) dst(%dma_wait3A_814 : memref<20971520xf32, #tpu.memory_space<hbm>>)
    %dma_wait3A_815 = arith.constant 21 : i32
    %dma_wait3A_816 = arith.constant 21 : i32
    %dma_wait3A_817 = arith.constant 0 : i32
    %dma_wait3A_818 = tpu.memref_slice %arg7[%dma_wait3A_815, %dma_wait3A_817] : memref<36x128xf32, #tpu.memory_space<vmem>> -> memref<1x128xf32, #tpu.memory_space<vmem>>
    %dma_wait3A_819 = tpu.memref_squeeze %dma_wait3A_818 : memref<1x128xf32, #tpu.memory_space<vmem>> -> memref<128xf32, #tpu.memory_space<vmem>>
    %dma_wait3A_820 = arith.constant 0 : i32
    %dma_wait3A_821 = tpu.memref_slice %arg6[%dma_wait3A_816, %dma_wait3A_820] : memref<36x128xi32, #tpu.memory_space<vmem>> -> memref<1x128xi32, #tpu.memory_space<vmem>>
    %dma_wait3A_822 = tpu.memref_squeeze %dma_wait3A_821 : memref<1x128xi32, #tpu.memory_space<vmem>> -> memref<128xi32, #tpu.memory_space<vmem>>
    %dma_wait3A_823 = arith.constant 0 : i32
    %dma_wait3A_824 = tpu.memref_slice %arg4[%dma_wait3A_823] : memref<20971520xf32, #tpu.memory_space<hbm>> -> memref<20971520xf32, #tpu.memory_space<hbm>>
    tpu.wait_indirect_dma semaphore(%arg9 : memref<!tpu.dma_semaphore, #tpu.memory_space<semaphore_mem>>) src(%dma_wait3A_819 : memref<128xf32, #tpu.memory_space<vmem>>) dst(%dma_wait3A_824 : memref<20971520xf32, #tpu.memory_space<hbm>>)
    %dma_wait3A_825 = arith.constant 22 : i32
    %dma_wait3A_826 = arith.constant 22 : i32
    %dma_wait3A_827 = arith.constant 0 : i32
    %dma_wait3A_828 = tpu.memref_slice %arg7[%dma_wait3A_825, %dma_wait3A_827] : memref<36x128xf32, #tpu.memory_space<vmem>> -> memref<1x128xf32, #tpu.memory_space<vmem>>
    %dma_wait3A_829 = tpu.memref_squeeze %dma_wait3A_828 : memref<1x128xf32, #tpu.memory_space<vmem>> -> memref<128xf32, #tpu.memory_space<vmem>>
    %dma_wait3A_830 = arith.constant 0 : i32
    %dma_wait3A_831 = tpu.memref_slice %arg6[%dma_wait3A_826, %dma_wait3A_830] : memref<36x128xi32, #tpu.memory_space<vmem>> -> memref<1x128xi32, #tpu.memory_space<vmem>>
    %dma_wait3A_832 = tpu.memref_squeeze %dma_wait3A_831 : memref<1x128xi32, #tpu.memory_space<vmem>> -> memref<128xi32, #tpu.memory_space<vmem>>
    %dma_wait3A_833 = arith.constant 0 : i32
    %dma_wait3A_834 = tpu.memref_slice %arg4[%dma_wait3A_833] : memref<20971520xf32, #tpu.memory_space<hbm>> -> memref<20971520xf32, #tpu.memory_space<hbm>>
    tpu.wait_indirect_dma semaphore(%arg9 : memref<!tpu.dma_semaphore, #tpu.memory_space<semaphore_mem>>) src(%dma_wait3A_829 : memref<128xf32, #tpu.memory_space<vmem>>) dst(%dma_wait3A_834 : memref<20971520xf32, #tpu.memory_space<hbm>>)
    %dma_wait3A_835 = arith.constant 23 : i32
    %dma_wait3A_836 = arith.constant 23 : i32
    %dma_wait3A_837 = arith.constant 0 : i32
    %dma_wait3A_838 = tpu.memref_slice %arg7[%dma_wait3A_835, %dma_wait3A_837] : memref<36x128xf32, #tpu.memory_space<vmem>> -> memref<1x128xf32, #tpu.memory_space<vmem>>
    %dma_wait3A_839 = tpu.memref_squeeze %dma_wait3A_838 : memref<1x128xf32, #tpu.memory_space<vmem>> -> memref<128xf32, #tpu.memory_space<vmem>>
    %dma_wait3A_840 = arith.constant 0 : i32
    %dma_wait3A_841 = tpu.memref_slice %arg6[%dma_wait3A_836, %dma_wait3A_840] : memref<36x128xi32, #tpu.memory_space<vmem>> -> memref<1x128xi32, #tpu.memory_space<vmem>>
    %dma_wait3A_842 = tpu.memref_squeeze %dma_wait3A_841 : memref<1x128xi32, #tpu.memory_space<vmem>> -> memref<128xi32, #tpu.memory_space<vmem>>
    %dma_wait3A_843 = arith.constant 0 : i32
    %dma_wait3A_844 = tpu.memref_slice %arg4[%dma_wait3A_843] : memref<20971520xf32, #tpu.memory_space<hbm>> -> memref<20971520xf32, #tpu.memory_space<hbm>>
    tpu.wait_indirect_dma semaphore(%arg9 : memref<!tpu.dma_semaphore, #tpu.memory_space<semaphore_mem>>) src(%dma_wait3A_839 : memref<128xf32, #tpu.memory_space<vmem>>) dst(%dma_wait3A_844 : memref<20971520xf32, #tpu.memory_space<hbm>>)
    %dma_wait3A_845 = arith.constant 24 : i32
    %dma_wait3A_846 = arith.constant 24 : i32
    %dma_wait3A_847 = arith.constant 0 : i32
    %dma_wait3A_848 = tpu.memref_slice %arg7[%dma_wait3A_845, %dma_wait3A_847] : memref<36x128xf32, #tpu.memory_space<vmem>> -> memref<1x128xf32, #tpu.memory_space<vmem>>
    %dma_wait3A_849 = tpu.memref_squeeze %dma_wait3A_848 : memref<1x128xf32, #tpu.memory_space<vmem>> -> memref<128xf32, #tpu.memory_space<vmem>>
    %dma_wait3A_850 = arith.constant 0 : i32
    %dma_wait3A_851 = tpu.memref_slice %arg6[%dma_wait3A_846, %dma_wait3A_850] : memref<36x128xi32, #tpu.memory_space<vmem>> -> memref<1x128xi32, #tpu.memory_space<vmem>>
    %dma_wait3A_852 = tpu.memref_squeeze %dma_wait3A_851 : memref<1x128xi32, #tpu.memory_space<vmem>> -> memref<128xi32, #tpu.memory_space<vmem>>
    %dma_wait3A_853 = arith.constant 0 : i32
    %dma_wait3A_854 = tpu.memref_slice %arg4[%dma_wait3A_853] : memref<20971520xf32, #tpu.memory_space<hbm>> -> memref<20971520xf32, #tpu.memory_space<hbm>>
    tpu.wait_indirect_dma semaphore(%arg9 : memref<!tpu.dma_semaphore, #tpu.memory_space<semaphore_mem>>) src(%dma_wait3A_849 : memref<128xf32, #tpu.memory_space<vmem>>) dst(%dma_wait3A_854 : memref<20971520xf32, #tpu.memory_space<hbm>>)
    %dma_wait3A_855 = arith.constant 25 : i32
    %dma_wait3A_856 = arith.constant 25 : i32
    %dma_wait3A_857 = arith.constant 0 : i32
    %dma_wait3A_858 = tpu.memref_slice %arg7[%dma_wait3A_855, %dma_wait3A_857] : memref<36x128xf32, #tpu.memory_space<vmem>> -> memref<1x128xf32, #tpu.memory_space<vmem>>
    %dma_wait3A_859 = tpu.memref_squeeze %dma_wait3A_858 : memref<1x128xf32, #tpu.memory_space<vmem>> -> memref<128xf32, #tpu.memory_space<vmem>>
    %dma_wait3A_860 = arith.constant 0 : i32
    %dma_wait3A_861 = tpu.memref_slice %arg6[%dma_wait3A_856, %dma_wait3A_860] : memref<36x128xi32, #tpu.memory_space<vmem>> -> memref<1x128xi32, #tpu.memory_space<vmem>>
    %dma_wait3A_862 = tpu.memref_squeeze %dma_wait3A_861 : memref<1x128xi32, #tpu.memory_space<vmem>> -> memref<128xi32, #tpu.memory_space<vmem>>
    %dma_wait3A_863 = arith.constant 0 : i32
    %dma_wait3A_864 = tpu.memref_slice %arg4[%dma_wait3A_863] : memref<20971520xf32, #tpu.memory_space<hbm>> -> memref<20971520xf32, #tpu.memory_space<hbm>>
    tpu.wait_indirect_dma semaphore(%arg9 : memref<!tpu.dma_semaphore, #tpu.memory_space<semaphore_mem>>) src(%dma_wait3A_859 : memref<128xf32, #tpu.memory_space<vmem>>) dst(%dma_wait3A_864 : memref<20971520xf32, #tpu.memory_space<hbm>>)
    %dma_wait3A_865 = arith.constant 26 : i32
    %dma_wait3A_866 = arith.constant 26 : i32
    %dma_wait3A_867 = arith.constant 0 : i32
    %dma_wait3A_868 = tpu.memref_slice %arg7[%dma_wait3A_865, %dma_wait3A_867] : memref<36x128xf32, #tpu.memory_space<vmem>> -> memref<1x128xf32, #tpu.memory_space<vmem>>
    %dma_wait3A_869 = tpu.memref_squeeze %dma_wait3A_868 : memref<1x128xf32, #tpu.memory_space<vmem>> -> memref<128xf32, #tpu.memory_space<vmem>>
    %dma_wait3A_870 = arith.constant 0 : i32
    %dma_wait3A_871 = tpu.memref_slice %arg6[%dma_wait3A_866, %dma_wait3A_870] : memref<36x128xi32, #tpu.memory_space<vmem>> -> memref<1x128xi32, #tpu.memory_space<vmem>>
    %dma_wait3A_872 = tpu.memref_squeeze %dma_wait3A_871 : memref<1x128xi32, #tpu.memory_space<vmem>> -> memref<128xi32, #tpu.memory_space<vmem>>
    %dma_wait3A_873 = arith.constant 0 : i32
    %dma_wait3A_874 = tpu.memref_slice %arg4[%dma_wait3A_873] : memref<20971520xf32, #tpu.memory_space<hbm>> -> memref<20971520xf32, #tpu.memory_space<hbm>>
    tpu.wait_indirect_dma semaphore(%arg9 : memref<!tpu.dma_semaphore, #tpu.memory_space<semaphore_mem>>) src(%dma_wait3A_869 : memref<128xf32, #tpu.memory_space<vmem>>) dst(%dma_wait3A_874 : memref<20971520xf32, #tpu.memory_space<hbm>>)
    %dma_wait3A_875 = arith.constant 27 : i32
    %dma_wait3A_876 = arith.constant 27 : i32
    %dma_wait3A_877 = arith.constant 0 : i32
    %dma_wait3A_878 = tpu.memref_slice %arg7[%dma_wait3A_875, %dma_wait3A_877] : memref<36x128xf32, #tpu.memory_space<vmem>> -> memref<1x128xf32, #tpu.memory_space<vmem>>
    %dma_wait3A_879 = tpu.memref_squeeze %dma_wait3A_878 : memref<1x128xf32, #tpu.memory_space<vmem>> -> memref<128xf32, #tpu.memory_space<vmem>>
    %dma_wait3A_880 = arith.constant 0 : i32
    %dma_wait3A_881 = tpu.memref_slice %arg6[%dma_wait3A_876, %dma_wait3A_880] : memref<36x128xi32, #tpu.memory_space<vmem>> -> memref<1x128xi32, #tpu.memory_space<vmem>>
    %dma_wait3A_882 = tpu.memref_squeeze %dma_wait3A_881 : memref<1x128xi32, #tpu.memory_space<vmem>> -> memref<128xi32, #tpu.memory_space<vmem>>
    %dma_wait3A_883 = arith.constant 0 : i32
    %dma_wait3A_884 = tpu.memref_slice %arg4[%dma_wait3A_883] : memref<20971520xf32, #tpu.memory_space<hbm>> -> memref<20971520xf32, #tpu.memory_space<hbm>>
    tpu.wait_indirect_dma semaphore(%arg9 : memref<!tpu.dma_semaphore, #tpu.memory_space<semaphore_mem>>) src(%dma_wait3A_879 : memref<128xf32, #tpu.memory_space<vmem>>) dst(%dma_wait3A_884 : memref<20971520xf32, #tpu.memory_space<hbm>>)
    %dma_wait3A_885 = arith.constant 28 : i32
    %dma_wait3A_886 = arith.constant 28 : i32
    %dma_wait3A_887 = arith.constant 0 : i32
    %dma_wait3A_888 = tpu.memref_slice %arg7[%dma_wait3A_885, %dma_wait3A_887] : memref<36x128xf32, #tpu.memory_space<vmem>> -> memref<1x128xf32, #tpu.memory_space<vmem>>
    %dma_wait3A_889 = tpu.memref_squeeze %dma_wait3A_888 : memref<1x128xf32, #tpu.memory_space<vmem>> -> memref<128xf32, #tpu.memory_space<vmem>>
    %dma_wait3A_890 = arith.constant 0 : i32
    %dma_wait3A_891 = tpu.memref_slice %arg6[%dma_wait3A_886, %dma_wait3A_890] : memref<36x128xi32, #tpu.memory_space<vmem>> -> memref<1x128xi32, #tpu.memory_space<vmem>>
    %dma_wait3A_892 = tpu.memref_squeeze %dma_wait3A_891 : memref<1x128xi32, #tpu.memory_space<vmem>> -> memref<128xi32, #tpu.memory_space<vmem>>
    %dma_wait3A_893 = arith.constant 0 : i32
    %dma_wait3A_894 = tpu.memref_slice %arg4[%dma_wait3A_893] : memref<20971520xf32, #tpu.memory_space<hbm>> -> memref<20971520xf32, #tpu.memory_space<hbm>>
    tpu.wait_indirect_dma semaphore(%arg9 : memref<!tpu.dma_semaphore, #tpu.memory_space<semaphore_mem>>) src(%dma_wait3A_889 : memref<128xf32, #tpu.memory_space<vmem>>) dst(%dma_wait3A_894 : memref<20971520xf32, #tpu.memory_space<hbm>>)
    %dma_wait3A_895 = arith.constant 29 : i32
    %dma_wait3A_896 = arith.constant 29 : i32
    %dma_wait3A_897 = arith.constant 0 : i32
    %dma_wait3A_898 = tpu.memref_slice %arg7[%dma_wait3A_895, %dma_wait3A_897] : memref<36x128xf32, #tpu.memory_space<vmem>> -> memref<1x128xf32, #tpu.memory_space<vmem>>
    %dma_wait3A_899 = tpu.memref_squeeze %dma_wait3A_898 : memref<1x128xf32, #tpu.memory_space<vmem>> -> memref<128xf32, #tpu.memory_space<vmem>>
    %dma_wait3A_900 = arith.constant 0 : i32
    %dma_wait3A_901 = tpu.memref_slice %arg6[%dma_wait3A_896, %dma_wait3A_900] : memref<36x128xi32, #tpu.memory_space<vmem>> -> memref<1x128xi32, #tpu.memory_space<vmem>>
    %dma_wait3A_902 = tpu.memref_squeeze %dma_wait3A_901 : memref<1x128xi32, #tpu.memory_space<vmem>> -> memref<128xi32, #tpu.memory_space<vmem>>
    %dma_wait3A_903 = arith.constant 0 : i32
    %dma_wait3A_904 = tpu.memref_slice %arg4[%dma_wait3A_903] : memref<20971520xf32, #tpu.memory_space<hbm>> -> memref<20971520xf32, #tpu.memory_space<hbm>>
    tpu.wait_indirect_dma semaphore(%arg9 : memref<!tpu.dma_semaphore, #tpu.memory_space<semaphore_mem>>) src(%dma_wait3A_899 : memref<128xf32, #tpu.memory_space<vmem>>) dst(%dma_wait3A_904 : memref<20971520xf32, #tpu.memory_space<hbm>>)
    %dma_wait3A_905 = arith.constant 30 : i32
    %dma_wait3A_906 = arith.constant 30 : i32
    %dma_wait3A_907 = arith.constant 0 : i32
    %dma_wait3A_908 = tpu.memref_slice %arg7[%dma_wait3A_905, %dma_wait3A_907] : memref<36x128xf32, #tpu.memory_space<vmem>> -> memref<1x128xf32, #tpu.memory_space<vmem>>
    %dma_wait3A_909 = tpu.memref_squeeze %dma_wait3A_908 : memref<1x128xf32, #tpu.memory_space<vmem>> -> memref<128xf32, #tpu.memory_space<vmem>>
    %dma_wait3A_910 = arith.constant 0 : i32
    %dma_wait3A_911 = tpu.memref_slice %arg6[%dma_wait3A_906, %dma_wait3A_910] : memref<36x128xi32, #tpu.memory_space<vmem>> -> memref<1x128xi32, #tpu.memory_space<vmem>>
    %dma_wait3A_912 = tpu.memref_squeeze %dma_wait3A_911 : memref<1x128xi32, #tpu.memory_space<vmem>> -> memref<128xi32, #tpu.memory_space<vmem>>
    %dma_wait3A_913 = arith.constant 0 : i32
    %dma_wait3A_914 = tpu.memref_slice %arg4[%dma_wait3A_913] : memref<20971520xf32, #tpu.memory_space<hbm>> -> memref<20971520xf32, #tpu.memory_space<hbm>>
    tpu.wait_indirect_dma semaphore(%arg9 : memref<!tpu.dma_semaphore, #tpu.memory_space<semaphore_mem>>) src(%dma_wait3A_909 : memref<128xf32, #tpu.memory_space<vmem>>) dst(%dma_wait3A_914 : memref<20971520xf32, #tpu.memory_space<hbm>>)
    %dma_wait3A_915 = arith.constant 31 : i32
    %dma_wait3A_916 = arith.constant 31 : i32
    %dma_wait3A_917 = arith.constant 0 : i32
    %dma_wait3A_918 = tpu.memref_slice %arg7[%dma_wait3A_915, %dma_wait3A_917] : memref<36x128xf32, #tpu.memory_space<vmem>> -> memref<1x128xf32, #tpu.memory_space<vmem>>
    %dma_wait3A_919 = tpu.memref_squeeze %dma_wait3A_918 : memref<1x128xf32, #tpu.memory_space<vmem>> -> memref<128xf32, #tpu.memory_space<vmem>>
    %dma_wait3A_920 = arith.constant 0 : i32
    %dma_wait3A_921 = tpu.memref_slice %arg6[%dma_wait3A_916, %dma_wait3A_920] : memref<36x128xi32, #tpu.memory_space<vmem>> -> memref<1x128xi32, #tpu.memory_space<vmem>>
    %dma_wait3A_922 = tpu.memref_squeeze %dma_wait3A_921 : memref<1x128xi32, #tpu.memory_space<vmem>> -> memref<128xi32, #tpu.memory_space<vmem>>
    %dma_wait3A_923 = arith.constant 0 : i32
    %dma_wait3A_924 = tpu.memref_slice %arg4[%dma_wait3A_923] : memref<20971520xf32, #tpu.memory_space<hbm>> -> memref<20971520xf32, #tpu.memory_space<hbm>>
    tpu.wait_indirect_dma semaphore(%arg9 : memref<!tpu.dma_semaphore, #tpu.memory_space<semaphore_mem>>) src(%dma_wait3A_919 : memref<128xf32, #tpu.memory_space<vmem>>) dst(%dma_wait3A_924 : memref<20971520xf32, #tpu.memory_space<hbm>>)
    %dma_wait3A_925 = arith.constant 32 : i32
    %dma_wait3A_926 = arith.constant 32 : i32
    %dma_wait3A_927 = arith.constant 0 : i32
    %dma_wait3A_928 = tpu.memref_slice %arg7[%dma_wait3A_925, %dma_wait3A_927] : memref<36x128xf32, #tpu.memory_space<vmem>> -> memref<1x128xf32, #tpu.memory_space<vmem>>
    %dma_wait3A_929 = tpu.memref_squeeze %dma_wait3A_928 : memref<1x128xf32, #tpu.memory_space<vmem>> -> memref<128xf32, #tpu.memory_space<vmem>>
    %dma_wait3A_930 = arith.constant 0 : i32
    %dma_wait3A_931 = tpu.memref_slice %arg6[%dma_wait3A_926, %dma_wait3A_930] : memref<36x128xi32, #tpu.memory_space<vmem>> -> memref<1x128xi32, #tpu.memory_space<vmem>>
    %dma_wait3A_932 = tpu.memref_squeeze %dma_wait3A_931 : memref<1x128xi32, #tpu.memory_space<vmem>> -> memref<128xi32, #tpu.memory_space<vmem>>
    %dma_wait3A_933 = arith.constant 0 : i32
    %dma_wait3A_934 = tpu.memref_slice %arg4[%dma_wait3A_933] : memref<20971520xf32, #tpu.memory_space<hbm>> -> memref<20971520xf32, #tpu.memory_space<hbm>>
    tpu.wait_indirect_dma semaphore(%arg9 : memref<!tpu.dma_semaphore, #tpu.memory_space<semaphore_mem>>) src(%dma_wait3A_929 : memref<128xf32, #tpu.memory_space<vmem>>) dst(%dma_wait3A_934 : memref<20971520xf32, #tpu.memory_space<hbm>>)
    %dma_wait3A_935 = arith.constant 33 : i32
    %dma_wait3A_936 = arith.constant 33 : i32
    %dma_wait3A_937 = arith.constant 0 : i32
    %dma_wait3A_938 = tpu.memref_slice %arg7[%dma_wait3A_935, %dma_wait3A_937] : memref<36x128xf32, #tpu.memory_space<vmem>> -> memref<1x128xf32, #tpu.memory_space<vmem>>
    %dma_wait3A_939 = tpu.memref_squeeze %dma_wait3A_938 : memref<1x128xf32, #tpu.memory_space<vmem>> -> memref<128xf32, #tpu.memory_space<vmem>>
    %dma_wait3A_940 = arith.constant 0 : i32
    %dma_wait3A_941 = tpu.memref_slice %arg6[%dma_wait3A_936, %dma_wait3A_940] : memref<36x128xi32, #tpu.memory_space<vmem>> -> memref<1x128xi32, #tpu.memory_space<vmem>>
    %dma_wait3A_942 = tpu.memref_squeeze %dma_wait3A_941 : memref<1x128xi32, #tpu.memory_space<vmem>> -> memref<128xi32, #tpu.memory_space<vmem>>
    %dma_wait3A_943 = arith.constant 0 : i32
    %dma_wait3A_944 = tpu.memref_slice %arg4[%dma_wait3A_943] : memref<20971520xf32, #tpu.memory_space<hbm>> -> memref<20971520xf32, #tpu.memory_space<hbm>>
    tpu.wait_indirect_dma semaphore(%arg9 : memref<!tpu.dma_semaphore, #tpu.memory_space<semaphore_mem>>) src(%dma_wait3A_939 : memref<128xf32, #tpu.memory_space<vmem>>) dst(%dma_wait3A_944 : memref<20971520xf32, #tpu.memory_space<hbm>>)
    %dma_wait3A_945 = arith.constant 34 : i32
    %dma_wait3A_946 = arith.constant 34 : i32
    %dma_wait3A_947 = arith.constant 0 : i32
    %dma_wait3A_948 = tpu.memref_slice %arg7[%dma_wait3A_945, %dma_wait3A_947] : memref<36x128xf32, #tpu.memory_space<vmem>> -> memref<1x128xf32, #tpu.memory_space<vmem>>
    %dma_wait3A_949 = tpu.memref_squeeze %dma_wait3A_948 : memref<1x128xf32, #tpu.memory_space<vmem>> -> memref<128xf32, #tpu.memory_space<vmem>>
    %dma_wait3A_950 = arith.constant 0 : i32
    %dma_wait3A_951 = tpu.memref_slice %arg6[%dma_wait3A_946, %dma_wait3A_950] : memref<36x128xi32, #tpu.memory_space<vmem>> -> memref<1x128xi32, #tpu.memory_space<vmem>>
    %dma_wait3A_952 = tpu.memref_squeeze %dma_wait3A_951 : memref<1x128xi32, #tpu.memory_space<vmem>> -> memref<128xi32, #tpu.memory_space<vmem>>
    %dma_wait3A_953 = arith.constant 0 : i32
    %dma_wait3A_954 = tpu.memref_slice %arg4[%dma_wait3A_953] : memref<20971520xf32, #tpu.memory_space<hbm>> -> memref<20971520xf32, #tpu.memory_space<hbm>>
    tpu.wait_indirect_dma semaphore(%arg9 : memref<!tpu.dma_semaphore, #tpu.memory_space<semaphore_mem>>) src(%dma_wait3A_949 : memref<128xf32, #tpu.memory_space<vmem>>) dst(%dma_wait3A_954 : memref<20971520xf32, #tpu.memory_space<hbm>>)
    %dma_wait3A_955 = arith.constant 35 : i32
    %dma_wait3A_956 = arith.constant 35 : i32
    %dma_wait3A_957 = arith.constant 0 : i32
    %dma_wait3A_958 = tpu.memref_slice %arg7[%dma_wait3A_955, %dma_wait3A_957] : memref<36x128xf32, #tpu.memory_space<vmem>> -> memref<1x128xf32, #tpu.memory_space<vmem>>
    %dma_wait3A_959 = tpu.memref_squeeze %dma_wait3A_958 : memref<1x128xf32, #tpu.memory_space<vmem>> -> memref<128xf32, #tpu.memory_space<vmem>>
    %dma_wait3A_960 = arith.constant 0 : i32
    %dma_wait3A_961 = tpu.memref_slice %arg6[%dma_wait3A_956, %dma_wait3A_960] : memref<36x128xi32, #tpu.memory_space<vmem>> -> memref<1x128xi32, #tpu.memory_space<vmem>>
    %dma_wait3A_962 = tpu.memref_squeeze %dma_wait3A_961 : memref<1x128xi32, #tpu.memory_space<vmem>> -> memref<128xi32, #tpu.memory_space<vmem>>
    %dma_wait3A_963 = arith.constant 0 : i32
    %dma_wait3A_964 = tpu.memref_slice %arg4[%dma_wait3A_963] : memref<20971520xf32, #tpu.memory_space<hbm>> -> memref<20971520xf32, #tpu.memory_space<hbm>>
    tpu.wait_indirect_dma semaphore(%arg9 : memref<!tpu.dma_semaphore, #tpu.memory_space<semaphore_mem>>) src(%dma_wait3A_959 : memref<128xf32, #tpu.memory_space<vmem>>) dst(%dma_wait3A_964 : memref<20971520xf32, #tpu.memory_space<hbm>>)
    return
  }
}

module attributes {stable_mosaic.version = 14 : i64} {
  func.func @_warm_kernel(%arg0: memref<64x2048xf32, #tpu.memory_space<vmem>>, %arg1: memref<5x64x2048xf32, #tpu.memory_space<vmem>>, %arg2: memref<5x64x2048xf32, #tpu.memory_space<vmem>>, %arg3: memref<64x2048xf32, #tpu.memory_space<vmem>>, %arg4: memref<64x2048xf32, #tpu.memory_space<vmem>>) attributes {dimension_semantics = [], scalar_prefetch = 0 : i64, scratch_operands = 0 : i64, tpu.core_type = #tpu.core_type<tc>} {
    %broadcast_in_dim3A = arith.constant 0.000000e+00 : f32
    %broadcast_in_dim3A_0 = vector.broadcast %broadcast_in_dim3A : f32 to vector<5x64x2048xf32>
    %broadcast_in_dim3A_1 = arith.constant 0.000000e+00 : f32
    %broadcast_in_dim3A_2 = vector.broadcast %broadcast_in_dim3A_1 : f32 to vector<64x2048xf32>
    %scan3A = arith.constant 0 : i32
    %scan3A_3 = arith.constant 5 : i32
    %scan3A_4 = arith.addi %scan3A, %scan3A_3 : i32
    %scan3A_5 = arith.constant 1 : i32
    %scan3A_6:4 = scf.for %scan3A_21 = %scan3A to %scan3A_4 step %scan3A_5 iter_args(%scan3A_22 = %broadcast_in_dim3A_0, %scan3A_23 = %broadcast_in_dim3A_0, %scan3A_24 = %broadcast_in_dim3A_2, %scan3A_25 = %broadcast_in_dim3A_2) -> (vector<5x64x2048xf32>, vector<5x64x2048xf32>, vector<64x2048xf32>, vector<64x2048xf32>)  : i32 {
      %jit3A = arith.constant 3 : i32
      %eq3A = arith.constant 0 : i32
      %eq3A_26 = arith.cmpi eq, %jit3A, %eq3A : i32
      %jit3A_27 = arith.constant 1 : i32
      %select_n3A = arith.select %eq3A_26, %jit3A_27, %jit3A : i32
      %rem3A = arith.remsi %scan3A_21, %select_n3A : i32
      %ne3A = arith.constant 0 : i32
      %ne3A_28 = arith.cmpi ne, %rem3A, %ne3A : i32
      %lt3A = arith.constant 0 : i32
      %lt3A_29 = arith.cmpi slt, %rem3A, %lt3A : i32
      %lt3A_30 = arith.constant 0 : i32
      %lt3A_31 = arith.cmpi slt, %select_n3A, %lt3A_30 : i32
      %ne3A_32 = arith.xori %lt3A_29, %lt3A_31 : i1
      %and3A = arith.andi %ne3A_32, %ne3A_28 : i1
      %add3A = arith.addi %rem3A, %select_n3A : i32
      %select_n3A_33 = arith.select %and3A, %add3A, %rem3A : i32
      %eq3A_34 = arith.constant 2 : i32
      %eq3A_35 = arith.cmpi eq, %select_n3A_33, %eq3A_34 : i32
      %get3A = arith.constant 0 : index
      %get3A_36 = arith.constant 0 : index
      %get3A_37 = vector.load %arg0[%get3A, %get3A_36] : memref<64x2048xf32, #tpu.memory_space<vmem>>, vector<64x2048xf32>
      %jit3A_38 = arith.constant 0.000000e+00 : f32
      %broadcast_in_dim3A_39 = vector.broadcast %jit3A_38 : f32 to vector<64x2048xf32>
      %select_n3A_40 = arith.select %eq3A_35, %get3A_37, %broadcast_in_dim3A_39 : vector<64x2048xf32>
      %neg3A = arith.constant 0.000000e+00 : f32
      %neg3A_41 = vector.broadcast %neg3A : f32 to vector<64x2048xf32>
      %neg3A_42 = arith.subf %neg3A_41, %scan3A_24 : vector<64x2048xf32>
      %add3A_43 = arith.addf %neg3A_42, %select_n3A_40 : vector<64x2048xf32>
      %mul3A = arith.constant 1.000000e-01 : f32
      %mul3A_44 = vector.broadcast %mul3A : f32 to vector<64x2048xf32>
      %mul3A_45 = arith.mulf %add3A_43, %mul3A_44 : vector<64x2048xf32>
      %add3A_46 = arith.addf %scan3A_24, %mul3A_45 : vector<64x2048xf32>
      %sub3A = arith.constant 5.000000e-01 : f32
      %sub3A_47 = vector.broadcast %sub3A : f32 to vector<64x2048xf32>
      %sub3A_48 = arith.subf %add3A_46, %sub3A_47 : vector<64x2048xf32>
      %max3A = arith.constant 0.000000e+00 : f32
      %max3A_49 = vector.broadcast %max3A : f32 to vector<64x2048xf32>
      %max3A_50 = arith.maximumf %max3A_49, %sub3A_48 : vector<64x2048xf32>
      %iota3A = tpu.iota {dimensions = array<i32: 1>} : vector<64x2048xi32>
      %gt3A = arith.constant 0.000000e+00 : f32
      %gt3A_51 = vector.broadcast %gt3A : f32 to vector<64x2048xf32>
      %gt3A_52 = arith.cmpf ogt, %max3A_50, %gt3A_51 : vector<64x2048xf32>
      %lt3A_53 = arith.constant 2000 : i32
      %lt3A_54 = vector.broadcast %lt3A_53 : i32 to vector<64x2048xi32>
      %lt3A_55 = arith.cmpi slt, %iota3A, %lt3A_54 : vector<64x2048xi32>
      %and3A_56 = arith.andi %gt3A_52, %lt3A_55 : vector<64x2048xi1>
      %iota3A_57 = tpu.iota {dimensions = array<i32: 0>} : vector<5x64x2048xi32>
      %add3A_58 = arith.constant 3 : i32
      %add3A_59 = vector.broadcast %add3A_58 : i32 to vector<5x64x2048xi32>
      %add3A_60 = arith.addi %iota3A_57, %add3A_59 : vector<5x64x2048xi32>
      %convert_element_type3A = arith.sitofp %add3A_60 : vector<5x64x2048xi32> to vector<5x64x2048xf32>
      %eq3A_61 = arith.cmpf oeq, %scan3A_22, %convert_element_type3A : vector<5x64x2048xf32>
      %eq3A_62 = arith.constant 0.000000e+00 : f32
      %eq3A_63 = vector.broadcast %eq3A_62 : f32 to vector<5x64x2048xf32>
      %eq3A_64 = arith.cmpf oeq, %scan3A_22, %eq3A_63 : vector<5x64x2048xf32>
      %broadcast_in_dim3A_65 = vector.shape_cast %and3A_56 : vector<64x2048xi1> to vector<1x64x2048xi1>
      %and3A_66 = vector.broadcast %broadcast_in_dim3A_65 : vector<1x64x2048xi1> to vector<5x64x2048xi1>
      %and3A_67 = arith.andi %and3A_66, %eq3A_64 : vector<5x64x2048xi1>
      %not3A = arith.constant dense<true> : vector<5x64x2048xi1>
      %not3A_68 = arith.xori %eq3A_61, %not3A : vector<5x64x2048xi1>
      %convert_element_type3A_69 = arith.extui %not3A_68 : vector<5x64x2048xi1> to vector<5x64x2048xi32>
      %convert_element_type3A_70 = arith.sitofp %convert_element_type3A_69 : vector<5x64x2048xi32> to vector<5x64x2048xf32>
      %mul3A_71 = arith.mulf %scan3A_22, %convert_element_type3A_70 : vector<5x64x2048xf32>
      %mul3A_72 = arith.mulf %scan3A_23, %convert_element_type3A_70 : vector<5x64x2048xf32>
      %ge3A = arith.constant 2000 : i32
      %ge3A_73 = vector.broadcast %ge3A : i32 to vector<64x2048xi32>
      %ge3A_74 = arith.cmpi sge, %iota3A, %ge3A_73 : vector<64x2048xi32>
      %lt3A_75 = arith.constant 2010 : i32
      %lt3A_76 = vector.broadcast %lt3A_75 : i32 to vector<64x2048xi32>
      %lt3A_77 = arith.cmpi slt, %iota3A, %lt3A_76 : vector<64x2048xi32>
      %and3A_78 = arith.andi %ge3A_74, %lt3A_77 : vector<64x2048xi1>
      %convert_element_type3A_79 = arith.extui %and3A_78 : vector<64x2048xi1> to vector<64x2048xi32>
      %convert_element_type3A_80 = arith.sitofp %convert_element_type3A_79 : vector<64x2048xi32> to vector<64x2048xf32>
      %mul3A_81 = arith.mulf %add3A_46, %convert_element_type3A_80 : vector<64x2048xf32>
      %add3A_82 = arith.addf %scan3A_25, %mul3A_81 : vector<64x2048xf32>
      %convert_element_type3A_83 = arith.extui %and3A_56 : vector<64x2048xi1> to vector<64x2048xi32>
      %convert_element_type3A_84 = arith.sitofp %convert_element_type3A_83 : vector<64x2048xi32> to vector<64x2048xf32>
      %mul3A_85 = arith.mulf %add3A_46, %convert_element_type3A_84 : vector<64x2048xf32>
      %mul3A_86 = arith.constant 2.000000e-01 : f32
      %mul3A_87 = vector.broadcast %mul3A_86 : f32 to vector<64x2048xf32>
      %mul3A_88 = arith.mulf %mul3A_87, %convert_element_type3A_84 : vector<64x2048xf32>
      %add3A_89 = arith.addf %mul3A_85, %mul3A_88 : vector<64x2048xf32>
      %sub3A_90 = arith.subf %add3A_46, %add3A_89 : vector<64x2048xf32>
      %convert_element_type3A_91 = arith.extui %and3A_67 : vector<5x64x2048xi1> to vector<5x64x2048xi32>
      %convert_element_type3A_92 = arith.sitofp %convert_element_type3A_91 : vector<5x64x2048xi32> to vector<5x64x2048xf32>
      %gt3A_93 = arith.constant 0.000000e+00 : f32
      %gt3A_94 = vector.broadcast %gt3A_93 : f32 to vector<5x64x2048xf32>
      %gt3A_95 = arith.cmpf ogt, %mul3A_71, %gt3A_94 : vector<5x64x2048xf32>
      %convert_element_type3A_96 = arith.extui %gt3A_95 : vector<5x64x2048xi1> to vector<5x64x2048xi32>
      %convert_element_type3A_97 = arith.sitofp %convert_element_type3A_96 : vector<5x64x2048xi32> to vector<5x64x2048xf32>
      %mul3A_98 = arith.constant 1.000000e+00 : f32
      %mul3A_99 = vector.broadcast %mul3A_98 : f32 to vector<5x64x2048xf32>
      %mul3A_100 = arith.mulf %convert_element_type3A_97, %mul3A_99 : vector<5x64x2048xf32>
      %add3A_101 = arith.addf %mul3A_71, %mul3A_100 : vector<5x64x2048xf32>
      %mul3A_102 = arith.constant 1.000000e+00 : f32
      %mul3A_103 = vector.broadcast %mul3A_102 : f32 to vector<5x64x2048xf32>
      %mul3A_104 = arith.mulf %convert_element_type3A_92, %mul3A_103 : vector<5x64x2048xf32>
      %add3A_105 = arith.addf %add3A_101, %mul3A_104 : vector<5x64x2048xf32>
      %broadcast_in_dim3A_106 = vector.shape_cast %max3A_50 : vector<64x2048xf32> to vector<1x64x2048xf32>
      %mul3A_107 = vector.broadcast %broadcast_in_dim3A_106 : vector<1x64x2048xf32> to vector<5x64x2048xf32>
      %mul3A_108 = arith.mulf %convert_element_type3A_92, %mul3A_107 : vector<5x64x2048xf32>
      %add3A_109 = arith.addf %mul3A_72, %mul3A_108 : vector<5x64x2048xf32>
      scf.yield %add3A_105, %add3A_109, %sub3A_90, %add3A_82 : vector<5x64x2048xf32>, vector<5x64x2048xf32>, vector<64x2048xf32>, vector<64x2048xf32>
    }
    %scan3A_7 = arith.constant 5 : i32
    %swap3A = arith.constant 0 : index
    %swap3A_8 = arith.constant 0 : index
    %swap3A_9 = arith.constant 0 : index
    %swap3A_10 = vector.load %arg1[%swap3A, %swap3A_8, %swap3A_9] : memref<5x64x2048xf32, #tpu.memory_space<vmem>>, vector<5x64x2048xf32>
    tpu.vector_store %arg1[%swap3A, %swap3A_8, %swap3A_9], %scan3A_6#0 {strides = array<i32>} : memref<5x64x2048xf32, #tpu.memory_space<vmem>>, vector<5x64x2048xf32>,
    %swap3A_11 = arith.constant 0 : index
    %swap3A_12 = arith.constant 0 : index
    %swap3A_13 = arith.constant 0 : index
    %swap3A_14 = vector.load %arg2[%swap3A_11, %swap3A_12, %swap3A_13] : memref<5x64x2048xf32, #tpu.memory_space<vmem>>, vector<5x64x2048xf32>
    tpu.vector_store %arg2[%swap3A_11, %swap3A_12, %swap3A_13], %scan3A_6#1 {strides = array<i32>} : memref<5x64x2048xf32, #tpu.memory_space<vmem>>, vector<5x64x2048xf32>,
    %swap3A_15 = arith.constant 0 : index
    %swap3A_16 = arith.constant 0 : index
    %swap3A_17 = vector.load %arg3[%swap3A_15, %swap3A_16] : memref<64x2048xf32, #tpu.memory_space<vmem>>, vector<64x2048xf32>
    tpu.vector_store %arg3[%swap3A_15, %swap3A_16], %scan3A_6#2 {strides = array<i32>} : memref<64x2048xf32, #tpu.memory_space<vmem>>, vector<64x2048xf32>,
    %swap3A_18 = arith.constant 0 : index
    %swap3A_19 = arith.constant 0 : index
    %swap3A_20 = vector.load %arg4[%swap3A_18, %swap3A_19] : memref<64x2048xf32, #tpu.memory_space<vmem>>, vector<64x2048xf32>
    tpu.vector_store %arg4[%swap3A_18, %swap3A_19], %scan3A_6#3 {strides = array<i32>} : memref<64x2048xf32, #tpu.memory_space<vmem>>, vector<64x2048xf32>,
    return
  }
}

module attributes {stable_mosaic.version = 14 : i64} {
  func.func @_snn_kernel(%arg0: i32, %arg1: i32, %arg2: memref<64x2048xf32, #tpu.memory_space<vmem>>, %arg3: memref<1x2048x2048xf32, #tpu.memory_space<vmem>>, %arg4: memref<5x64x2048xf32, #tpu.memory_space<vmem>>, %arg5: memref<5x64x2048xf32, #tpu.memory_space<vmem>>, %arg6: memref<64x2048xf32, #tpu.memory_space<vmem>>, %arg7: memref<64x2048xf32, #tpu.memory_space<vmem>>, %arg8: memref<64x2048xf32, #tpu.memory_space<vmem>>, %arg9: memref<5x64x2048xf32, #tpu.memory_space<vmem>>, %arg10: memref<5x64x2048xf32, #tpu.memory_space<vmem>>, %arg11: memref<64x2048xf32, #tpu.memory_space<vmem>>, %arg12: memref<64x2048xf32, #tpu.memory_space<vmem>>) attributes {dimension_semantics = [#tpu.dimension_semantics<arbitrary>, #tpu.dimension_semantics<arbitrary>], iteration_bounds = array<i64: 7, 5>, scalar_prefetch = 0 : i64, scratch_operands = 4 : i64, tpu.core_type = #tpu.core_type<tc>, window_params = [{pipeline_mode = #tpu.pipeline_mode<synchronous>, transform_indices = @transform_0, window_bounds = array<i64: 64, 2048>}, {transform_indices = @transform_1, window_bounds = array<i64: 1, 2048, 2048>}, {pipeline_mode = #tpu.pipeline_mode<synchronous>, transform_indices = @transform_2, window_bounds = array<i64: 5, 64, 2048>}, {pipeline_mode = #tpu.pipeline_mode<synchronous>, transform_indices = @transform_3, window_bounds = array<i64: 5, 64, 2048>}, {pipeline_mode = #tpu.pipeline_mode<synchronous>, transform_indices = @transform_4, window_bounds = array<i64: 64, 2048>}, {pipeline_mode = #tpu.pipeline_mode<synchronous>, transform_indices = @transform_5, window_bounds = array<i64: 64, 2048>}, {pipeline_mode = #tpu.pipeline_mode<synchronous>, transform_indices = @transform_6, window_bounds = array<i64: 64, 2048>}]} {
    %add3A = arith.constant 5 : i32
    %add3A_0 = arith.addi %arg0, %add3A : i32
    %eq3A = arith.constant 5 : i32
    %eq3A_1 = arith.cmpi eq, %add3A_0, %eq3A : i32
    %eq3A_2 = arith.constant 0 : i32
    %eq3A_3 = arith.cmpi eq, %arg1, %eq3A_2 : i32
    %and3A = arith.andi %eq3A_1, %eq3A_3 : i1
    %convert_element_type3A = arith.extui %and3A : i1 to i32
    %cond3A = arith.constant 0 : i32
    %cond3A_4 = arith.cmpi ne, %convert_element_type3A, %cond3A : i32
    scf.if %cond3A_4 {
      %get3A_38 = arith.constant 0 : index
      %get3A_39 = arith.constant 0 : index
      %get3A_40 = arith.constant 0 : index
      %get3A_41 = vector.load %arg4[%get3A_38, %get3A_39, %get3A_40] : memref<5x64x2048xf32, #tpu.memory_space<vmem>>, vector<5x64x2048xf32>
      %swap3A = arith.constant 0 : index
      %swap3A_42 = arith.constant 0 : index
      %swap3A_43 = arith.constant 0 : index
      %swap3A_44 = vector.load %arg9[%swap3A, %swap3A_42, %swap3A_43] : memref<5x64x2048xf32, #tpu.memory_space<vmem>>, vector<5x64x2048xf32>
      tpu.vector_store %arg9[%swap3A, %swap3A_42, %swap3A_43], %get3A_41 {strides = array<i32>} : memref<5x64x2048xf32, #tpu.memory_space<vmem>>, vector<5x64x2048xf32>,
      %get3A_45 = arith.constant 0 : index
      %get3A_46 = arith.constant 0 : index
      %get3A_47 = arith.constant 0 : index
      %get3A_48 = vector.load %arg5[%get3A_45, %get3A_46, %get3A_47] : memref<5x64x2048xf32, #tpu.memory_space<vmem>>, vector<5x64x2048xf32>
      %swap3A_49 = arith.constant 0 : index
      %swap3A_50 = arith.constant 0 : index
      %swap3A_51 = arith.constant 0 : index
      %swap3A_52 = vector.load %arg10[%swap3A_49, %swap3A_50, %swap3A_51] : memref<5x64x2048xf32, #tpu.memory_space<vmem>>, vector<5x64x2048xf32>
      tpu.vector_store %arg10[%swap3A_49, %swap3A_50, %swap3A_51], %get3A_48 {strides = array<i32>} : memref<5x64x2048xf32, #tpu.memory_space<vmem>>, vector<5x64x2048xf32>,
      %get3A_53 = arith.constant 0 : index
      %get3A_54 = arith.constant 0 : index
      %get3A_55 = vector.load %arg6[%get3A_53, %get3A_54] : memref<64x2048xf32, #tpu.memory_space<vmem>>, vector<64x2048xf32>
      %swap3A_56 = arith.constant 0 : index
      %swap3A_57 = arith.constant 0 : index
      %swap3A_58 = vector.load %arg11[%swap3A_56, %swap3A_57] : memref<64x2048xf32, #tpu.memory_space<vmem>>, vector<64x2048xf32>
      tpu.vector_store %arg11[%swap3A_56, %swap3A_57], %get3A_55 {strides = array<i32>} : memref<64x2048xf32, #tpu.memory_space<vmem>>, vector<64x2048xf32>,
      %get3A_59 = arith.constant 0 : index
      %get3A_60 = arith.constant 0 : index
      %get3A_61 = vector.load %arg7[%get3A_59, %get3A_60] : memref<64x2048xf32, #tpu.memory_space<vmem>>, vector<64x2048xf32>
      %swap3A_62 = arith.constant 0 : index
      %swap3A_63 = arith.constant 0 : index
      %swap3A_64 = vector.load %arg8[%swap3A_62, %swap3A_63] : memref<64x2048xf32, #tpu.memory_space<vmem>>, vector<64x2048xf32>
      tpu.vector_store %arg8[%swap3A_62, %swap3A_63], %get3A_61 {strides = array<i32>} : memref<64x2048xf32, #tpu.memory_space<vmem>>, vector<64x2048xf32>,
    } else {
    }
    %eq3A_5 = arith.constant 0 : i32
    %eq3A_6 = arith.cmpi eq, %arg1, %eq3A_5 : i32
    %convert_element_type3A_7 = arith.extui %eq3A_6 : i1 to i32
    %cond3A_8 = arith.constant 0 : i32
    %cond3A_9 = arith.cmpi ne, %convert_element_type3A_7, %cond3A_8 : i32
    scf.if %cond3A_9 {
      %broadcast_in_dim3A = arith.constant 0.000000e+00 : f32
      %broadcast_in_dim3A_38 = vector.broadcast %broadcast_in_dim3A : f32 to vector<64x2048xf32>
      %swap3A = arith.constant 0 : index
      %swap3A_39 = arith.constant 0 : index
      %swap3A_40 = vector.load %arg12[%swap3A, %swap3A_39] : memref<64x2048xf32, #tpu.memory_space<vmem>>, vector<64x2048xf32>
      tpu.vector_store %arg12[%swap3A, %swap3A_39], %broadcast_in_dim3A_38 {strides = array<i32>} : memref<64x2048xf32, #tpu.memory_space<vmem>>, vector<64x2048xf32>,
    } else {
    }
    %add3A_10 = arith.constant 3 : i32
    %add3A_11 = arith.addi %add3A_10, %arg1 : i32
    %convert_element_type3A_12 = arith.sitofp %add3A_11 : i32 to f32
    %get3A = arith.index_cast %arg1 : i32 to index
    %get3A_13 = arith.constant 0 : index
    %get3A_14 = arith.constant 0 : index
    %get3A_15 = vector.load %arg9[%get3A, %get3A_13, %get3A_14] : memref<5x64x2048xf32, #tpu.memory_space<vmem>>, vector<1x64x2048xf32>
    %get3A_16 = vector.shape_cast %get3A_15 : vector<1x64x2048xf32> to vector<64x2048xf32>
    %eq3A_17 = vector.broadcast %convert_element_type3A_12 : f32 to vector<64x2048xf32>
    %eq3A_18 = arith.cmpf oeq, %get3A_16, %eq3A_17 : vector<64x2048xf32>
    %reduce_or3A = arith.constant 1.000000e+00 : f32
    %reduce_or3A_19 = arith.constant 0.000000e+00 : f32
    %reduce_or3A_20 = vector.broadcast %reduce_or3A : f32 to vector<64x2048xf32>
    %reduce_or3A_21 = vector.broadcast %reduce_or3A_19 : f32 to vector<64x2048xf32>
    %reduce_or3A_22 = arith.select %eq3A_18, %reduce_or3A_20, %reduce_or3A_21 : vector<64x2048xi1>, vector<64x2048xf32>
    %reduce_or3A_23 = vector.shape_cast %reduce_or3A_22 : vector<64x2048xf32> to vector<1x64x2048xf32>
    %reduce_or3A_24 = arith.constant dense<0xFF800000> : vector<1xf32>
    %reduce_or3A_25 = vector.multi_reduction <maximumf>, %reduce_or3A_23, %reduce_or3A_24 [1, 2] : vector<1x64x2048xf32> to vector<1xf32>
    %reduce_or3A_26 = vector.shape_cast %reduce_or3A_25 : vector<1xf32> to vector<1x1x1xf32>
    %reduce_or3A_27 = vector.extract %reduce_or3A_26[0, 0, 0] : f32 from vector<1x1x1xf32>
    %reduce_or3A_28 = arith.constant 0.000000e+00 : f32
    %reduce_or3A_29 = arith.cmpf ogt, %reduce_or3A_27, %reduce_or3A_28 : f32
    %convert_element_type3A_30 = arith.extui %reduce_or3A_29 : i1 to i32
    %cond3A_31 = arith.constant 0 : i32
    %cond3A_32 = arith.cmpi ne, %convert_element_type3A_30, %cond3A_31 : i32
    scf.if %cond3A_32 {
      %get3A_38 = arith.index_cast %arg1 : i32 to index
      %get3A_39 = arith.constant 0 : index
      %get3A_40 = arith.constant 0 : index
      %get3A_41 = vector.load %arg10[%get3A_38, %get3A_39, %get3A_40] : memref<5x64x2048xf32, #tpu.memory_space<vmem>>, vector<1x64x2048xf32>
      %get3A_42 = vector.shape_cast %get3A_41 : vector<1x64x2048xf32> to vector<64x2048xf32>
      %convert_element_type3A_43 = arith.extui %eq3A_18 : vector<64x2048xi1> to vector<64x2048xi32>
      %convert_element_type3A_44 = arith.sitofp %convert_element_type3A_43 : vector<64x2048xi32> to vector<64x2048xf32>
      %mul3A = arith.mulf %get3A_42, %convert_element_type3A_44 : vector<64x2048xf32>
      %get3A_45 = arith.constant 0 : index
      %get3A_46 = arith.constant 0 : index
      %get3A_47 = vector.load %arg12[%get3A_45, %get3A_46] : memref<64x2048xf32, #tpu.memory_space<vmem>>, vector<64x2048xf32>
      %get3A_48 = arith.constant 0 : index
      %get3A_49 = arith.constant 0 : index
      %get3A_50 = arith.constant 0 : index
      %get3A_51 = vector.load %arg3[%get3A_48, %get3A_49, %get3A_50] : memref<1x2048x2048xf32, #tpu.memory_space<vmem>>, vector<1x2048x2048xf32>
      %get3A_52 = vector.shape_cast %get3A_51 : vector<1x2048x2048xf32> to vector<2048x2048xf32>
      %dot_general3A = arith.constant dense<0.000000e+00> : vector<64x2048xf32>
      %dot_general3A_53 = tpu.matmul %mul3A, %get3A_52, %dot_general3A {dimension_numbers = #tpu.dot_dimension_numbers<[1], [0], [0], [1], [0, 0, 1, 1], [], []>, precision = #tpu.contract_precision<fp32>, transpose_lhs_hint = false} : vector<64x2048xf32>, vector<2048x2048xf32>, vector<64x2048xf32> -> vector<64x2048xf32>
      %add3A_54 = arith.addf %get3A_47, %dot_general3A_53 : vector<64x2048xf32>
      %swap3A = arith.constant 0 : index
      %swap3A_55 = arith.constant 0 : index
      %swap3A_56 = vector.load %arg12[%swap3A, %swap3A_55] : memref<64x2048xf32, #tpu.memory_space<vmem>>, vector<64x2048xf32>
      tpu.vector_store %arg12[%swap3A, %swap3A_55], %add3A_54 {strides = array<i32>} : memref<64x2048xf32, #tpu.memory_space<vmem>>, vector<64x2048xf32>,
    } else {
    }
    %eq3A_33 = arith.constant 4 : i32
    %eq3A_34 = arith.cmpi eq, %arg1, %eq3A_33 : i32
    %convert_element_type3A_35 = arith.extui %eq3A_34 : i1 to i32
    %cond3A_36 = arith.constant 0 : i32
    %cond3A_37 = arith.cmpi ne, %convert_element_type3A_35, %cond3A_36 : i32
    scf.if %cond3A_37 {
      %get3A_38 = arith.constant 0 : index
      %get3A_39 = arith.constant 0 : index
      %get3A_40 = vector.load %arg12[%get3A_38, %get3A_39] : memref<64x2048xf32, #tpu.memory_space<vmem>>, vector<64x2048xf32>
      %jit3A = arith.constant 3 : i32
      %eq3A_41 = arith.constant 0 : i32
      %eq3A_42 = arith.cmpi eq, %jit3A, %eq3A_41 : i32
      %jit3A_43 = arith.constant 1 : i32
      %select_n3A = arith.select %eq3A_42, %jit3A_43, %jit3A : i32
      %rem3A = arith.remsi %add3A_0, %select_n3A : i32
      %ne3A = arith.constant 0 : i32
      %ne3A_44 = arith.cmpi ne, %rem3A, %ne3A : i32
      %lt3A = arith.constant 0 : i32
      %lt3A_45 = arith.cmpi slt, %rem3A, %lt3A : i32
      %lt3A_46 = arith.constant 0 : i32
      %lt3A_47 = arith.cmpi slt, %select_n3A, %lt3A_46 : i32
      %ne3A_48 = arith.xori %lt3A_45, %lt3A_47 : i1
      %and3A_49 = arith.andi %ne3A_48, %ne3A_44 : i1
      %add3A_50 = arith.addi %rem3A, %select_n3A : i32
      %select_n3A_51 = arith.select %and3A_49, %add3A_50, %rem3A : i32
      %eq3A_52 = arith.constant 2 : i32
      %eq3A_53 = arith.cmpi eq, %select_n3A_51, %eq3A_52 : i32
      %get3A_54 = arith.constant 0 : index
      %get3A_55 = arith.constant 0 : index
      %get3A_56 = vector.load %arg2[%get3A_54, %get3A_55] : memref<64x2048xf32, #tpu.memory_space<vmem>>, vector<64x2048xf32>
      %jit3A_57 = arith.constant 0.000000e+00 : f32
      %broadcast_in_dim3A = vector.broadcast %jit3A_57 : f32 to vector<64x2048xf32>
      %select_n3A_58 = arith.select %eq3A_53, %get3A_56, %broadcast_in_dim3A : vector<64x2048xf32>
      %add3A_59 = arith.addf %get3A_40, %select_n3A_58 : vector<64x2048xf32>
      %get3A_60 = arith.constant 0 : index
      %get3A_61 = arith.constant 0 : index
      %get3A_62 = vector.load %arg11[%get3A_60, %get3A_61] : memref<64x2048xf32, #tpu.memory_space<vmem>>, vector<64x2048xf32>
      %neg3A = arith.constant 0.000000e+00 : f32
      %neg3A_63 = vector.broadcast %neg3A : f32 to vector<64x2048xf32>
      %neg3A_64 = arith.subf %neg3A_63, %get3A_62 : vector<64x2048xf32>
      %add3A_65 = arith.addf %neg3A_64, %add3A_59 : vector<64x2048xf32>
      %mul3A = arith.constant 1.000000e-01 : f32
      %mul3A_66 = vector.broadcast %mul3A : f32 to vector<64x2048xf32>
      %mul3A_67 = arith.mulf %add3A_65, %mul3A_66 : vector<64x2048xf32>
      %add3A_68 = arith.addf %get3A_62, %mul3A_67 : vector<64x2048xf32>
      %sub3A = arith.constant 5.000000e-01 : f32
      %sub3A_69 = vector.broadcast %sub3A : f32 to vector<64x2048xf32>
      %sub3A_70 = arith.subf %add3A_68, %sub3A_69 : vector<64x2048xf32>
      %max3A = arith.constant 0.000000e+00 : f32
      %max3A_71 = vector.broadcast %max3A : f32 to vector<64x2048xf32>
      %max3A_72 = arith.maximumf %max3A_71, %sub3A_70 : vector<64x2048xf32>
      %iota3A = tpu.iota {dimensions = array<i32: 1>} : vector<64x2048xi32>
      %gt3A = arith.constant 0.000000e+00 : f32
      %gt3A_73 = vector.broadcast %gt3A : f32 to vector<64x2048xf32>
      %gt3A_74 = arith.cmpf ogt, %max3A_72, %gt3A_73 : vector<64x2048xf32>
      %lt3A_75 = arith.constant 2000 : i32
      %lt3A_76 = vector.broadcast %lt3A_75 : i32 to vector<64x2048xi32>
      %lt3A_77 = arith.cmpi slt, %iota3A, %lt3A_76 : vector<64x2048xi32>
      %and3A_78 = arith.andi %gt3A_74, %lt3A_77 : vector<64x2048xi1>
      %get3A_79 = arith.constant 0 : index
      %get3A_80 = arith.constant 0 : index
      %get3A_81 = arith.constant 0 : index
      %get3A_82 = vector.load %arg9[%get3A_79, %get3A_80, %get3A_81] : memref<5x64x2048xf32, #tpu.memory_space<vmem>>, vector<5x64x2048xf32>
      %get3A_83 = arith.constant 0 : index
      %get3A_84 = arith.constant 0 : index
      %get3A_85 = arith.constant 0 : index
      %get3A_86 = vector.load %arg10[%get3A_83, %get3A_84, %get3A_85] : memref<5x64x2048xf32, #tpu.memory_space<vmem>>, vector<5x64x2048xf32>
      %iota3A_87 = tpu.iota {dimensions = array<i32: 0>} : vector<5x64x2048xi32>
      %add3A_88 = arith.constant 3 : i32
      %add3A_89 = vector.broadcast %add3A_88 : i32 to vector<5x64x2048xi32>
      %add3A_90 = arith.addi %iota3A_87, %add3A_89 : vector<5x64x2048xi32>
      %convert_element_type3A_91 = arith.sitofp %add3A_90 : vector<5x64x2048xi32> to vector<5x64x2048xf32>
      %eq3A_92 = arith.cmpf oeq, %get3A_82, %convert_element_type3A_91 : vector<5x64x2048xf32>
      %eq3A_93 = arith.constant 0.000000e+00 : f32
      %eq3A_94 = vector.broadcast %eq3A_93 : f32 to vector<5x64x2048xf32>
      %eq3A_95 = arith.cmpf oeq, %get3A_82, %eq3A_94 : vector<5x64x2048xf32>
      %broadcast_in_dim3A_96 = vector.shape_cast %and3A_78 : vector<64x2048xi1> to vector<1x64x2048xi1>
      %and3A_97 = vector.broadcast %broadcast_in_dim3A_96 : vector<1x64x2048xi1> to vector<5x64x2048xi1>
      %and3A_98 = arith.andi %and3A_97, %eq3A_95 : vector<5x64x2048xi1>
      %not3A = arith.constant dense<true> : vector<5x64x2048xi1>
      %not3A_99 = arith.xori %eq3A_92, %not3A : vector<5x64x2048xi1>
      %convert_element_type3A_100 = arith.extui %not3A_99 : vector<5x64x2048xi1> to vector<5x64x2048xi32>
      %convert_element_type3A_101 = arith.sitofp %convert_element_type3A_100 : vector<5x64x2048xi32> to vector<5x64x2048xf32>
      %mul3A_102 = arith.mulf %get3A_82, %convert_element_type3A_101 : vector<5x64x2048xf32>
      %mul3A_103 = arith.mulf %get3A_86, %convert_element_type3A_101 : vector<5x64x2048xf32>
      %ge3A = arith.constant 2000 : i32
      %ge3A_104 = vector.broadcast %ge3A : i32 to vector<64x2048xi32>
      %ge3A_105 = arith.cmpi sge, %iota3A, %ge3A_104 : vector<64x2048xi32>
      %lt3A_106 = arith.constant 2010 : i32
      %lt3A_107 = vector.broadcast %lt3A_106 : i32 to vector<64x2048xi32>
      %lt3A_108 = arith.cmpi slt, %iota3A, %lt3A_107 : vector<64x2048xi32>
      %and3A_109 = arith.andi %ge3A_105, %lt3A_108 : vector<64x2048xi1>
      %convert_element_type3A_110 = arith.extui %and3A_109 : vector<64x2048xi1> to vector<64x2048xi32>
      %convert_element_type3A_111 = arith.sitofp %convert_element_type3A_110 : vector<64x2048xi32> to vector<64x2048xf32>
      %get3A_112 = arith.constant 0 : index
      %get3A_113 = arith.constant 0 : index
      %get3A_114 = vector.load %arg8[%get3A_112, %get3A_113] : memref<64x2048xf32, #tpu.memory_space<vmem>>, vector<64x2048xf32>
      %mul3A_115 = arith.mulf %add3A_68, %convert_element_type3A_111 : vector<64x2048xf32>
      %add3A_116 = arith.addf %get3A_114, %mul3A_115 : vector<64x2048xf32>
      %swap3A = arith.constant 0 : index
      %swap3A_117 = arith.constant 0 : index
      %swap3A_118 = vector.load %arg8[%swap3A, %swap3A_117] : memref<64x2048xf32, #tpu.memory_space<vmem>>, vector<64x2048xf32>
      tpu.vector_store %arg8[%swap3A, %swap3A_117], %add3A_116 {strides = array<i32>} : memref<64x2048xf32, #tpu.memory_space<vmem>>, vector<64x2048xf32>,
      %convert_element_type3A_119 = arith.extui %and3A_78 : vector<64x2048xi1> to vector<64x2048xi32>
      %convert_element_type3A_120 = arith.sitofp %convert_element_type3A_119 : vector<64x2048xi32> to vector<64x2048xf32>
      %mul3A_121 = arith.mulf %add3A_68, %convert_element_type3A_120 : vector<64x2048xf32>
      %mul3A_122 = arith.constant 2.000000e-01 : f32
      %mul3A_123 = vector.broadcast %mul3A_122 : f32 to vector<64x2048xf32>
      %mul3A_124 = arith.mulf %mul3A_123, %convert_element_type3A_120 : vector<64x2048xf32>
      %add3A_125 = arith.addf %mul3A_121, %mul3A_124 : vector<64x2048xf32>
      %sub3A_126 = arith.subf %add3A_68, %add3A_125 : vector<64x2048xf32>
      %convert_element_type3A_127 = arith.extui %and3A_98 : vector<5x64x2048xi1> to vector<5x64x2048xi32>
      %convert_element_type3A_128 = arith.sitofp %convert_element_type3A_127 : vector<5x64x2048xi32> to vector<5x64x2048xf32>
      %gt3A_129 = arith.constant 0.000000e+00 : f32
      %gt3A_130 = vector.broadcast %gt3A_129 : f32 to vector<5x64x2048xf32>
      %gt3A_131 = arith.cmpf ogt, %mul3A_102, %gt3A_130 : vector<5x64x2048xf32>
      %convert_element_type3A_132 = arith.extui %gt3A_131 : vector<5x64x2048xi1> to vector<5x64x2048xi32>
      %convert_element_type3A_133 = arith.sitofp %convert_element_type3A_132 : vector<5x64x2048xi32> to vector<5x64x2048xf32>
      %mul3A_134 = arith.constant 1.000000e+00 : f32
      %mul3A_135 = vector.broadcast %mul3A_134 : f32 to vector<5x64x2048xf32>
      %mul3A_136 = arith.mulf %convert_element_type3A_133, %mul3A_135 : vector<5x64x2048xf32>
      %add3A_137 = arith.addf %mul3A_102, %mul3A_136 : vector<5x64x2048xf32>
      %mul3A_138 = arith.constant 1.000000e+00 : f32
      %mul3A_139 = vector.broadcast %mul3A_138 : f32 to vector<5x64x2048xf32>
      %mul3A_140 = arith.mulf %convert_element_type3A_128, %mul3A_139 : vector<5x64x2048xf32>
      %add3A_141 = arith.addf %add3A_137, %mul3A_140 : vector<5x64x2048xf32>
      %broadcast_in_dim3A_142 = vector.shape_cast %max3A_72 : vector<64x2048xf32> to vector<1x64x2048xf32>
      %mul3A_143 = vector.broadcast %broadcast_in_dim3A_142 : vector<1x64x2048xf32> to vector<5x64x2048xf32>
      %mul3A_144 = arith.mulf %convert_element_type3A_128, %mul3A_143 : vector<5x64x2048xf32>
      %add3A_145 = arith.addf %mul3A_103, %mul3A_144 : vector<5x64x2048xf32>
      %swap3A_146 = arith.constant 0 : index
      %swap3A_147 = arith.constant 0 : index
      %swap3A_148 = arith.constant 0 : index
      %swap3A_149 = vector.load %arg9[%swap3A_146, %swap3A_147, %swap3A_148] : memref<5x64x2048xf32, #tpu.memory_space<vmem>>, vector<5x64x2048xf32>
      tpu.vector_store %arg9[%swap3A_146, %swap3A_147, %swap3A_148], %add3A_141 {strides = array<i32>} : memref<5x64x2048xf32, #tpu.memory_space<vmem>>, vector<5x64x2048xf32>,
      %swap3A_150 = arith.constant 0 : index
      %swap3A_151 = arith.constant 0 : index
      %swap3A_152 = arith.constant 0 : index
      %swap3A_153 = vector.load %arg10[%swap3A_150, %swap3A_151, %swap3A_152] : memref<5x64x2048xf32, #tpu.memory_space<vmem>>, vector<5x64x2048xf32>
      tpu.vector_store %arg10[%swap3A_150, %swap3A_151, %swap3A_152], %add3A_145 {strides = array<i32>} : memref<5x64x2048xf32, #tpu.memory_space<vmem>>, vector<5x64x2048xf32>,
      %swap3A_154 = arith.constant 0 : index
      %swap3A_155 = arith.constant 0 : index
      %swap3A_156 = vector.load %arg11[%swap3A_154, %swap3A_155] : memref<64x2048xf32, #tpu.memory_space<vmem>>, vector<64x2048xf32>
      tpu.vector_store %arg11[%swap3A_154, %swap3A_155], %sub3A_126 {strides = array<i32>} : memref<64x2048xf32, #tpu.memory_space<vmem>>, vector<64x2048xf32>,
      %eq3A_157 = arith.constant 11 : i32
      %eq3A_158 = arith.cmpi eq, %add3A_0, %eq3A_157 : i32
      %convert_element_type3A_159 = arith.extui %eq3A_158 : i1 to i32
      %cond3A_160 = arith.constant 0 : i32
      %cond3A_161 = arith.cmpi ne, %convert_element_type3A_159, %cond3A_160 : i32
      scf.if %cond3A_161 {
        %get3A_162 = arith.constant 0 : index
        %get3A_163 = arith.constant 0 : index
        %get3A_164 = vector.load %arg8[%get3A_162, %get3A_163] : memref<64x2048xf32, #tpu.memory_space<vmem>>, vector<64x2048xf32>
        %div3A = arith.constant 1.200000e+01 : f32
        %div3A_165 = vector.broadcast %div3A : f32 to vector<64x2048xf32>
        %div3A_166 = arith.divf %get3A_164, %div3A_165 : vector<64x2048xf32>
        %swap3A_167 = arith.constant 0 : index
        %swap3A_168 = arith.constant 0 : index
        %swap3A_169 = vector.load %arg8[%swap3A_167, %swap3A_168] : memref<64x2048xf32, #tpu.memory_space<vmem>>, vector<64x2048xf32>
        tpu.vector_store %arg8[%swap3A_167, %swap3A_168], %div3A_166 {strides = array<i32>} : memref<64x2048xf32, #tpu.memory_space<vmem>>, vector<64x2048xf32>,
      } else {
      }
    } else {
    }
    return
  }
  func.func @transform_0(%arg0: i32, %arg1: i32) -> (i32, i32) {
    %c0_i32 = arith.constant 0 : i32
    %c0_i32_0 = arith.constant 0 : i32
    %c0_i32_1 = arith.constant 0 : i32
    return %c0_i32, %c0_i32_0 : i32, i32
  }
  func.func @transform_1(%arg0: i32, %arg1: i32) -> (i32, i32, i32) {
    %c0_i32 = arith.constant 0 : i32
    %c0_i32_0 = arith.constant 0 : i32
    %c0_i32_1 = arith.constant 0 : i32
    return %arg1, %c0_i32, %c0_i32_0 : i32, i32, i32
  }
  func.func @transform_2(%arg0: i32, %arg1: i32) -> (i32, i32, i32) {
    %c0_i32 = arith.constant 0 : i32
    %c0_i32_0 = arith.constant 0 : i32
    %c0_i32_1 = arith.constant 0 : i32
    %c0_i32_2 = arith.constant 0 : i32
    return %c0_i32, %c0_i32_0, %c0_i32_1 : i32, i32, i32
  }
  func.func @transform_3(%arg0: i32, %arg1: i32) -> (i32, i32, i32) {
    %c0_i32 = arith.constant 0 : i32
    %c0_i32_0 = arith.constant 0 : i32
    %c0_i32_1 = arith.constant 0 : i32
    %c0_i32_2 = arith.constant 0 : i32
    return %c0_i32, %c0_i32_0, %c0_i32_1 : i32, i32, i32
  }
  func.func @transform_4(%arg0: i32, %arg1: i32) -> (i32, i32) {
    %c0_i32 = arith.constant 0 : i32
    %c0_i32_0 = arith.constant 0 : i32
    %c0_i32_1 = arith.constant 0 : i32
    return %c0_i32, %c0_i32_0 : i32, i32
  }
  func.func @transform_5(%arg0: i32, %arg1: i32) -> (i32, i32) {
    %c0_i32 = arith.constant 0 : i32
    %c0_i32_0 = arith.constant 0 : i32
    %c0_i32_1 = arith.constant 0 : i32
    return %c0_i32, %c0_i32_0 : i32, i32
  }
  func.func @transform_6(%arg0: i32, %arg1: i32) -> (i32, i32) {
    %c0_i32 = arith.constant 0 : i32
    %c0_i32_0 = arith.constant 0 : i32
    %c0_i32_1 = arith.constant 0 : i32
    return %c0_i32, %c0_i32_0 : i32, i32
  }
}

</mosaic_0001>

<sc_bundles>
// kernel: kernel.5.cloned.1.call-start
scs
__scs_entry_jumppad:
0x0: {  	(pc) =	sbr.rel $0x88, $3  }
0x1: {  	(tag) =	ssettag $0x0;
	lr =	simm.s32 $0x1  }
0x2: {  	[smem:$0x3F9B] =	sst lr;
	_ =	strace $0xD0000000  }
0x3: {  	_ = 	snop  }
0x4: {  	_ = 	snop  }
0x5: {  	_ = 	snop  }
0x6: {  	_ = 	snop  }
0x7: {  	_ = 	snop  }
__scs_overlays_trampoline_lowered:
0x8: {  	[smem:$0x3FAA] =	sst s0  }
0x9: {  	[smem:$0x3FAB] =	sst s1  }
0xa: {  	[smem:$0x3FAC] =	sst s2  }
0xb: {  	[smem:$0x3FAD] =	sst s3  }
0xc: {  	[smem:$0x3FAE] =	sst s4  }
0xd: {  	[smem:$0x3FAF] =	sst s5  }
0xe: {  	[smem:$0x3FB0] =	sst s6  }
0xf: {  	[smem:$0x3FB1] =	sst s7  }
0x10: {  	[smem:$0x3FB2] =	sst s8  }
0x11: {  	[smem:$0x3FB3] =	sst s9;
	s0 =	simm.s32 @!p0 $0x0  }
0x12: {  	s1 =	sld [smem:$0x3F99];
	s0 =	simm.s32 @p0 $0x1  }
0x13: {  	[smem:$0x3FB4] =	sst s0;
	s0 =	simm.s32 @!p1 $0x0  }
0x14: {  	s2 =	sld [smem:$0x3F98];
	s0 =	simm.s32 @p1 $0x1  }
0x15: {  	[smem:$0x3FB5] =	sst s0;
	s0 =	simm.s32 @!p2 $0x0  }
0x16: {  	s3 =	sld [smem:$0x3FDB];
	s0 =	simm.s32 @p2 $0x1  }
0x17: {  	s4 =	simm.s32 $0x1BF5;
	[smem:$0x3FB7] =	sst s0  }
0x18: {  	s0 =	sld [smem:$0x3F9A];
	_ =	swait.ge [sflag:s4], $0x0  }
0x19: {  	s7 =	sld [smem:$0x3F9B]  }
0x1a: {  	s8 =	sadd.s32 $0xFFFFE003, lr  }
0x1b: {  	s9 =	sadd.s32 $0xFFFFFEF7, lr;
	s5 =	simm.s32 $0xFFFFFFFF;
	p2 =	slt.u32 s8, $0xFFFFF086  }
0x1c: {  	p1 =	slt.u32 s9, $0xF7A;
	s5 =	simm.s32 @!p2 $0x0  }
0x1d: {  	s5 =	simm.s32 @p1 $0x1;
	p0 =	seq.s32 s7, s2  }
0x1e: {  	s7 =	smul.u32 @!p0 $0xF7A, s2;
	p2 =	seq.s32 @!p0 s5, $0x0  }
0x1f: {  	s9 =	smul.u32 $0xF7A, s1;
	s8 =	simm.s32 @!p0 $0x1BF5;
	p2 =	por !p2, p0  }
0x20: {  	[sflag:s8] =	ssyncset.s32 @!p0 $0xFFFFF086;
	s6 =	sadd.s32 @!p0 s3, s7;
	s7 =	simm.s32 @!p0 $0x108  }
0x21: {  	s3 =	sadd.s32 s3, s9;
	s6 =	sadd.s32 @!p0 $0x88, s6;
	s7 =	simm.s32 @p2 $0x1082  }
0x22: {  	[simem:s7], [sflag:s8] =	dma.local @!p0 [hbm:s6], $0xF7A  }
0x23: {  	s9 =	sor.u32 $0xD0000000, s2;
	s6 =	simm.s32 $0x108;
	_ =	swait.ge @!p0 [sflag:s8], $0x0  }
0x24: {  	s3 =	sadd.s32 $0x88, s3;
	s6 =	simm.s32 @!p1 $0x1082;
	[sflag:s4] =	ssyncset.s32 $0xFFFFF086  }
0x25: {  	[simem:s6], [sflag:s4] =	dma.local [hbm:s3], $0xF7A  }
0x26: {  	[smem:$0x3F9B] =	sst s1;
	(tag) =	ssettag s2;
	_ =	strace s9  }
0x27: {  	s1 =	sld [smem:$0x3FAB]  }
0x28: {  	s2 =	sld [smem:$0x3FAC]  }
0x29: {  	s4 =	sld [smem:$0x3FAE]  }
0x2a: {  	p0 =	seq.s32 s5, $0x0;
	s5 =	sld [smem:$0x3FAF]  }
0x2b: {  	s6 =	sld [smem:$0x3FB0]  }
0x2c: {  	s7 =	sld [smem:$0x3FB1]  }
0x2d: {  	s3 =	simm.s32 $0x108;
	s8 =	sld [smem:$0x3FB2]  }
0x2e: {  	s3 =	simm.s32 @!p0 $0x1082;
	s9 =	sld [smem:$0x3FB3]  }
0x2f: {  	lr =	sadd.s32 s0, s3;
	s0 =	sld [smem:$0x3FAA]  }
0x30: {  	s3 =	sld [smem:$0x3FAD]  }
0x31: {  	[smem:$0x3FB6] =	sst s10  }
0x32: {  	s10 =	sld [smem:$0x3FB4];
	_ =	sdelay $0x3  }
0x33: {  	p0 =	seq.s32 s10, $0x1;
	s10 =	sld [smem:$0x3FB6];
	_ =	sdelay $0x3  }
0x34: {  	[smem:$0x3FB6] =	sst s10  }
0x35: {  	s10 =	sld [smem:$0x3FB5];
	_ =	sdelay $0x3  }
0x36: {  	p1 =	seq.s32 s10, $0x1;
	s10 =	sld [smem:$0x3FB6];
	_ =	sdelay $0x3  }
0x37: {  	[smem:$0x3FB6] =	sst s10  }
0x38: {  	s10 =	sld [smem:$0x3FB7]  }
0x39: {  	_ = 	snop;
	(pc) =	sbr.ind lr, $3  }
0x3a: {  	_ = 	snop  }
0x3b: {  	_ = 	snop  }
0x3c: {  	p2 =	seq.s32 s10, $0x1;
	s10 =	sld [smem:$0x3FB6]  }
0x3d: {  	_ =	shalt  }
0x3e: {  	_ =	shalt  }
0x3f: {  	_ =	shalt  }
0x40: {  	_ =	shalt  }
0x41: {  	_ =	shalt  }
0x42: {  	_ =	shalt  }
0x43: {  	_ =	shalt  }
0x44: {  	_ =	shalt  }
0x45: {  	_ =	shalt  }
0x46: {  	_ =	shalt  }
0x47: {  	_ =	shalt  }
0x48: {  	_ =	shalt  }
0x49: {  	_ =	shalt  }
0x4a: {  	_ =	shalt  }
0x4b: {  	_ =	shalt  }
0x4c: {  	_ =	shalt  }
0x4d: {  	_ =	shalt  }
0x4e: {  	_ =	shalt  }
0x4f: {  	_ =	shalt  }
0x50: {  	_ =	shalt  }
0x51: {  	_ =	shalt  }
0x52: {  	_ =	shalt  }
0x53: {  	_ =	shalt  }
0x54: {  	_ =	shalt  }
0x55: {  	_ =	shalt  }
0x56: {  	_ =	shalt  }
0x57: {  	_ =	shalt  }
0x58: {  	_ =	shalt  }
0x59: {  	_ =	shalt  }
0x5a: {  	_ =	shalt  }
0x5b: {  	_ =	shalt  }
0x5c: {  	_ =	shalt  }
0x5d: {  	_ =	shalt  }
0x5e: {  	_ =	shalt  }
0x5f: {  	_ =	shalt  }
0x60: {  	_ =	shalt  }
0x61: {  	_ =	shalt  }
0x62: {  	_ =	shalt  }
0x63: {  	_ =	shalt  }
0x64: {  	_ =	shalt  }
0x65: {  	_ =	shalt  }
0x66: {  	_ =	shalt  }
0x67: {  	_ =	shalt  }
0x68: {  	_ =	shalt  }
0x69: {  	_ =	shalt  }
0x6a: {  	_ =	shalt  }
0x6b: {  	_ =	shalt  }
0x6c: {  	_ =	shalt  }
0x6d: {  	_ =	shalt  }
0x6e: {  	_ =	shalt  }
0x6f: {  	_ =	shalt  }
0x70: {  	_ =	shalt  }
0x71: {  	_ =	shalt  }
0x72: {  	_ =	shalt  }
0x73: {  	_ =	shalt  }
0x74: {  	_ =	shalt  }
0x75: {  	_ =	shalt  }
0x76: {  	_ =	shalt  }
0x77: {  	_ =	shalt  }
0x78: {  	_ =	shalt  }
0x79: {  	_ =	shalt  }
0x7a: {  	_ =	shalt  }
0x7b: {  	_ =	shalt  }
0x7c: {  	_ =	shalt  }
0x7d: {  	_ =	shalt  }
0x7e: {  	_ =	shalt  }
0x7f: {  	_ =	shalt  }
0x80: {  	_ =	shalt  }
0x81: {  	_ =	shalt  }
0x82: {  	_ =	shalt  }
0x83: {  	_ =	shalt  }
0x84: {  	_ =	shalt  }
0x85: {  	_ =	shalt  }
0x86: {  	_ =	shalt  }
0x87: {  	_ =	shalt  }
.Lfunc_end0:
.L_simem_size_0:
called_computation_lowered:
.L_overlay_start_0:
0x88: {  	s2 =	sld [smem:$0x3FD9]  }
0x89: {  	s3 =	sld [smem:$0x3FFE];
	_ =	sdelay $0x1  }
0x8a: {  	s1 =	srdreg.scid  }
0x8b: {  	s0 =	sand.u32 $0x1, s1  }
0x8c: {  	s16 =	sshll.u32 s0, $0xA;
	s2 =	sadd.s32 s3, s2  }
0x8d: {  	s2 =	sadd.s32 s2, s16  }
0x8e: {  	[smem:$0x3FC2] =	sst s2  }
0x8f: {  	_ = 	snop  }
0x90: {  	(tm) =	ssettm $0x1  }
0x91: {  	s17 =	sld [smem:$0x3FFB];
	_ =	sdelay $0x3  }
0x92: {  	_ =	strace s17  }
0x93: {  	s2 =	sld [smem:$0x3FFC];
	_ =	sdelay $0x3  }
0x94: {  	_ =	strace s2  }
0x95: {  	s2 =	sld [smem:$0x3FFD];
	_ =	sdelay $0x3  }
0x96: {  	_ =	strace s2  }
0x97: {  	_ =	strace $0x8FFFFFFF  }
0x98: {  	s18 =	sld [smem:$0x3FDB];
	_ =	sdelay $0x1  }
0x99: {  	s19 =	simm.s32 $_scs_section_size  }
0x9a: {  	s4 =	simm.s32 $_size__tile_overlayer_lowered;
	s5 =	simm.s32 $_tile_overlayer_lowered  }
0x9b: {  	s22 =	simm.s32 $0x1BFF;
	s21 =	sshll.u32 s5, $0x1;
	s2 =	sadd.s32 s19, s18  }
0x9c: {  	s6 =	simm.s32 $0x0;
	s20 =	sshll.u32 s4, $0x1;
	s4 =	sadd.s32 s21, s2  }
0x9d: {  	[timem:s6], [sflag:s22] =	dma.local [hbm:s4], s20  }
0x9e: {  	_ =	swait.ge [sflag:s22], s20  }
0x9f: {  	s3 =	ssub.s32 $0x0, s20;
	[sflag:s22] =	ssyncset.done $0x0  }
0xa0: {  	[sflag:s22] =	ssyncadd.s32 s3;
	_ =	sdelay $0x1  }
0xa1: {  	s23 =	simm.s32 $0x1B8B  }
0xa2: {  	_ =	swait.ge [sflag:s23], $0x1  }
0xa3: {  	[sflag:s23] =	ssyncset.done $0x0  }
0xa4: {  	s25 =	simm.s32 $0x1B8E;
	s24 =	sld [smem:$0x3FFE];
	[sflag:s23] =	ssyncadd.s32 $0xFFFFFFFF  }
0xa5: {  	s26 =	simm.s32 $execute0_lowered;
	[smem:$0x3FD2] =	sst s25  }
0xa6: {  	s4 =	sshll.u32 s26, $0x1;
	_ =	strace $0x80000046;
	[dreg:$0x1] =	wrdreg $0xFFFFFFFF  }
0xa7: {  	s28 =	simm.s32 $_size_execute0_lowered;
	s2 =	sadd.s32 s2, s4;
	[dreg:$0x0] =	wrdreg $0x0  }
0xa8: {  	s4 =	sshll.u32 s28, $0x1;
	[dreg:$0x2] =	wrdreg s2  }
0xa9: {  	[dreg:$0x3] =	wrdreg s4  }
0xaa: {  	[dreg:$0x4] =	wrdreg $0xC0  }
0xab: {  	_ =	task [dreg:s6], $0x5FFFF  }
0xac: {  	[dreg:$0x1] =	wrdreg $0xFFFFFFFF  }
0xad: {  	[dreg:$0x0] =	wrdreg $0x60  }
0xae: {  	[dreg:$0x2] =	wrdreg s24  }
0xaf: {  	[dreg:$0x3] =	wrdreg $0x9  }
0xb0: {  	_ =	task.clear_ibuf [dreg:s6], $0x4FFFF;
	_ =	strace $0x90000046  }
0xb1: {  	s29 =	simm.s32 $0x9;
	_ =	strace $0x80000048  }
0xb2: {  	_ =	swait.ge [sflag:s29], $0x1  }
0xb3: {  	[sflag:s29] =	ssyncadd.s32 $0xFFFFFFFF  }
0xb4: {  	_ =	strace $0x90000048  }
0xb5: {  	_ =	sfence  }
0xb6: {  	s30 =	sld [smem:$0x0];
	_ =	sdelay $0x2  }
0xb7: {  	s31 =	sshll.u32 s1, $0xD;
	s1 =	sshrl.u32 s1, $0x2  }
0xb8: {  	s3 =	sand.u32 $0x4000, s31;
	s1 =	sadd.s32 s1, s30  }
0xb9: {  	s0 =	sor.u32 s3, s0;
	s1 =	sshll.u32 s1, $0x11  }
0xba: {  	s0 =	sor.u32 s1, s0  }
0xbb: {  	s0 =	sadd.s32 $0x8F2B, s0  }
0xbc: {  	[sflag:s0] =	ssyncadd.remote.s32 $0x1  }
0xbd: {  	_ =	sfence.sel $0xFFFF  }
0xbe: {  	[dreg:$0x0] =	wrdreg $0xFFFFFFFF;
	(pc) =	sbr.abs _section_cstart, $3  }
0xbf: {  	[dreg:$0x1] =	wrdreg $0xFFFFFFFF  }
0xc0: {  	_ =	task.clear_ibuf [dreg:s6], $0x2FFFF;
	_ =	strace $0x9FFFFFFF  }
0xc1: {  	(tm) =	ssettm $0x7FFFFFFF  }
tec
execute0_lowered:
.L_overlay_start_1:
0x0: {  	(tag) =	ssettag $0x1  }
0x1: {  	s0 =	srdreg.scid  }
0x2: {  	s6 =	stileid.u32;
	s3 =	rddreg [dreg:$0x0]  }
0x3: {  	s2 =	simm.s32 $0x0;
	s0 =	sand.u32 $0x1, s0;
	s4 =	smul.u32 $0x1400, s6  }
0x4: {  	[smem:$0x7FF] =	sst s2;
	s1 =	smul.u32 $0x14000, s0  }
0x5: {  	s5 =	sshll.u32 s0, $0x4;
	s0 =	ssub.s32 $0x2, s0;
	_ =	strace $0x80000047  }
0x6: {  	s5 =	sor.u32 s6, s5;
	s6 =	sshrl.u32 s0, $0x1;
	s1 =	sadd.s32 s4, s1  }
0x7: {  	s4 =	smul.u32 $0xA0000, s5;
	s0 =	ssub.s32 s0, s6;
	s1 =	sshrl.u32 s1, $0x3  }
0x8: {  	s0 =	smax.u32 s0, $0x1;
	s1 =	sadd.s32 s1, s3;
	s3 =	sadd.s32 $0xB000, s3  }
0x9: {  	s4 =	sshrl.u32 s4, $0x3;
	[dreg:$0x16] =	wrdreg s0;
	s7 =	sadd.s32 $0x1000, s1  }
0xa: {  	s1 =	sadd.s32 $0x6000, s1;
	s6 =	sadd.s32 s3, s4;
	[dreg:$0x2] =	wrdreg s7  }
0xb: {  	[dreg:$0x3] =	wrdreg s1;
	s8 =	sadd.s32 $0x800, s6  }
0xc: {  	s9 =	sadd.s32 $0x1000, s6;
	[dreg:$0x4] =	wrdreg s8  }
0xd: {  	s10 =	sadd.s32 $0x1800, s6;
	[dreg:$0x5] =	wrdreg s9  }
0xe: {  	s11 =	sadd.s32 $0x2000, s6;
	[dreg:$0x6] =	wrdreg s10  }
0xf: {  	s12 =	sadd.s32 $0x2800, s6;
	[dreg:$0x7] =	wrdreg s11  }
0x10: {  	s13 =	sadd.s32 $0x3000, s6;
	[dreg:$0x8] =	wrdreg s12  }
0x11: {  	s14 =	sadd.s32 $0x3800, s6;
	[dreg:$0x9] =	wrdreg s13  }
0x12: {  	s15 =	sadd.s32 $0x4000, s6;
	[dreg:$0xa] =	wrdreg s14  }
0x13: {  	s16 =	sadd.s32 $0x4800, s6;
	[dreg:$0xb] =	wrdreg s15  }
0x14: {  	s17 =	sadd.s32 $0x5000, s6;
	[dreg:$0xc] =	wrdreg s16  }
0x15: {  	s18 =	sadd.s32 $0x5800, s6;
	[dreg:$0xd] =	wrdreg s17  }
0x16: {  	s19 =	sadd.s32 $0x6000, s6;
	[dreg:$0xe] =	wrdreg s18  }
0x17: {  	s20 =	sadd.s32 $0x6800, s6;
	[dreg:$0xf] =	wrdreg s19  }
0x18: {  	s21 =	sadd.s32 $0x7000, s6;
	[dreg:$0x10] =	wrdreg s20  }
0x19: {  	s22 =	sadd.s32 $0x7800, s6;
	s23 =	sadd.s32 $0x8000, s6;
	[dreg:$0x11] =	wrdreg s21  }
0x1a: {  	s24 =	sadd.s32 $0x8800, s6;
	s25 =	sadd.s32 $0x9000, s6;
	[dreg:$0x12] =	wrdreg s22  }
0x1b: {  	s26 =	sadd.s32 $0x9800, s6;
	s28 =	sadd.s32 $0xA000, s6;
	[dreg:$0x13] =	wrdreg s23  }
0x1c: {  	s29 =	sadd.s32 $0xA800, s6;
	s30 =	sadd.s32 $0xB000, s6;
	[dreg:$0x14] =	wrdreg s24  }
0x1d: {  	s31 =	sadd.s32 $0xB800, s6;
	s1 =	sadd.s32 $0xC000, s6;
	[dreg:$0x15] =	wrdreg s25  }
0x1e: {  	s0 =	sadd.s32 $0xC800, s6;
	s4 =	sadd.s32 $0xD000, s6;
	[dreg:$0x17] =	wrdreg s26  }
0x1f: {  	s5 =	sadd.s32 $0xD800, s6;
	s7 =	sadd.s32 $0xE000, s6;
	[dreg:$0x18] =	wrdreg s28  }
0x20: {  	s8 =	sadd.s32 $0xE800, s6;
	s9 =	sadd.s32 $0xF000, s6;
	s10 =	sadd.s32 $0xF800, s6  }
0x21: {  	s11 =	sadd.s32 $0x10000, s6;
	s12 =	sadd.s32 $0x10800, s6;
	s13 =	sadd.s32 $0x11000, s6  }
0x22: {  	s14 =	sadd.s32 $0x11800, s6;
	s15 =	sadd.s32 $0x12000, s6;
	s16 =	sadd.s32 $0x12800, s6  }
0x23: {  	s17 =	sadd.s32 $0x13000, s6;
	s18 =	sadd.s32 $0x13800, s6;
	s19 =	simm.s32 $0x4000  }
0x24: {  	s20 =	simm.s32 $0x3;
	s21 =	simm.s32 $0x5400;
	s22 =	simm.s32 $0x1  }
0x25: {  	v0 =	vimm.f32 $0.0e+00;
	s23 =	simm.s32 $0x80;
	s24 =	simm.s32 $0x2;
	s25 =	simm.s32 $0x0  }
.LBB2_1:
0x26: {  	s26 =	simm.s32 $0x40;
	s28 =	simm.s32 $0x0  }
.LBB2_2:
0x27: {  	p0 =	sne.s32 s26, $0xFFC0;
	[tilespmem:s28+$0x0] =	vst v0;
	s28 =	smov.u32 s26;
	s26 =	sadd.s32 $0x40, s26  }
.Ltmp0:
0x28: {  	(pc) =	sbr.rel @p0 .LBB2_2-.Ltmp0, $2  }
0x29: {  	_ =	sdelay $0x2  }
0x2a: {  	s28 =	sshra.s32 s28, $0x2  }
0x2b: {  	[tilespmem:s28+$0x0] =	vst v0;
	s26 =	rddreg [dreg:$0x2]  }
0x2c: {  	[tilespmem:s19], [sflag:$0x3] =	stream.linear.gather [hbm4b:s26+s2], $0x1200, $0x38;
	[tilespmem:$0x6800] =	vst v63  }
0x2d: {  	_ =	swait.ge [sflag:s20], $0x1200  }
0x2e: {  	[sflag:s20] =	ssyncset.done $0x0  }
0x2f: {  	s28 =	rddreg [dreg:$0x3];
	[sflag:s20] =	ssyncadd.s32 $0xFFFFEE00  }
0x30: {  	[tilespmem:s21], [sflag:$0x3] =	stream.linear.gather [hbm4b:s28+s2], $0x1200, $0x38;
	[tilespmem:$0x6800] =	vst v63  }
0x31: {  	_ =	swait.ge [sflag:s20], $0x1200  }
0x32: {  	[sflag:s20] =	ssyncset.done $0x0  }
0x33: {  	[sflag:s20] =	ssyncadd.s32 $0xFFFFEE00  }
0x34: {  	[hbm4b:s6+s2] =	stream.linear.scatter [tilespmem:s2], [sflag:$0x1], $0x4000, $0x38;
	[tilespmem:$0x6800] =	vst v63  }
0x35: {  	s28 =	rddreg [dreg:$0x4]  }
0x36: {  	[hbm4b:s28+s2] =	stream.linear.scatter [tilespmem:s2], [sflag:$0x1], $0x4000, $0x38;
	[tilespmem:$0x6800] =	vst v63  }
0x37: {  	s28 =	rddreg [dreg:$0x5]  }
0x38: {  	[hbm4b:s28+s2] =	stream.linear.scatter [tilespmem:s2], [sflag:$0x1], $0x4000, $0x38;
	[tilespmem:$0x6800] =	vst v63  }
0x39: {  	s28 =	rddreg [dreg:$0x6]  }
0x3a: {  	[hbm4b:s28+s2] =	stream.linear.scatter [tilespmem:s2], [sflag:$0x1], $0x4000, $0x38;
	[tilespmem:$0x6800] =	vst v63  }
0x3b: {  	s28 =	rddreg [dreg:$0x7]  }
0x3c: {  	[hbm4b:s28+s2] =	stream.linear.scatter [tilespmem:s2], [sflag:$0x1], $0x4000, $0x38;
	[tilespmem:$0x6800] =	vst v63  }
0x3d: {  	s28 =	rddreg [dreg:$0x8]  }
0x3e: {  	[hbm4b:s28+s2] =	stream.linear.scatter [tilespmem:s2], [sflag:$0x1], $0x4000, $0x38;
	[tilespmem:$0x6800] =	vst v63  }
0x3f: {  	s28 =	rddreg [dreg:$0x9]  }
0x40: {  	[hbm4b:s28+s2] =	stream.linear.scatter [tilespmem:s2], [sflag:$0x1], $0x4000, $0x38;
	[tilespmem:$0x6800] =	vst v63  }
0x41: {  	s28 =	rddreg [dreg:$0xa]  }
0x42: {  	[hbm4b:s28+s2] =	stream.linear.scatter [tilespmem:s2], [sflag:$0x1], $0x4000, $0x38;
	[tilespmem:$0x6800] =	vst v63  }
0x43: {  	s28 =	rddreg [dreg:$0xb]  }
0x44: {  	[hbm4b:s28+s2] =	stream.linear.scatter [tilespmem:s2], [sflag:$0x1], $0x4000, $0x38;
	[tilespmem:$0x6800] =	vst v63  }
0x45: {  	s28 =	rddreg [dreg:$0xc]  }
0x46: {  	[hbm4b:s28+s2] =	stream.linear.scatter [tilespmem:s2], [sflag:$0x1], $0x4000, $0x38;
	[tilespmem:$0x6800] =	vst v63  }
0x47: {  	s28 =	rddreg [dreg:$0xd]  }
0x48: {  	[hbm4b:s28+s2] =	stream.linear.scatter [tilespmem:s2], [sflag:$0x1], $0x4000, $0x38;
	[tilespmem:$0x6800] =	vst v63  }
0x49: {  	s28 =	rddreg [dreg:$0xe]  }
0x4a: {  	[hbm4b:s28+s2] =	stream.linear.scatter [tilespmem:s2], [sflag:$0x1], $0x4000, $0x38;
	[tilespmem:$0x6800] =	vst v63  }
0x4b: {  	s28 =	rddreg [dreg:$0xf]  }
0x4c: {  	[hbm4b:s28+s2] =	stream.linear.scatter [tilespmem:s2], [sflag:$0x1], $0x4000, $0x38;
	[tilespmem:$0x6800] =	vst v63  }
0x4d: {  	s28 =	rddreg [dreg:$0x10]  }
0x4e: {  	[hbm4b:s28+s2] =	stream.linear.scatter [tilespmem:s2], [sflag:$0x1], $0x4000, $0x38;
	[tilespmem:$0x6800] =	vst v63  }
0x4f: {  	s28 =	rddreg [dreg:$0x11]  }
0x50: {  	[hbm4b:s28+s2] =	stream.linear.scatter [tilespmem:s2], [sflag:$0x1], $0x4000, $0x38;
	[tilespmem:$0x6800] =	vst v63  }
0x51: {  	s28 =	rddreg [dreg:$0x12]  }
0x52: {  	[hbm4b:s28+s2] =	stream.linear.scatter [tilespmem:s2], [sflag:$0x1], $0x4000, $0x38;
	[tilespmem:$0x6800] =	vst v63  }
0x53: {  	s28 =	rddreg [dreg:$0x13]  }
0x54: {  	[hbm4b:s28+s2] =	stream.linear.scatter [tilespmem:s2], [sflag:$0x1], $0x4000, $0x38;
	[tilespmem:$0x6800] =	vst v63  }
0x55: {  	s28 =	rddreg [dreg:$0x14]  }
0x56: {  	[hbm4b:s28+s2] =	stream.linear.scatter [tilespmem:s2], [sflag:$0x1], $0x4000, $0x38;
	[tilespmem:$0x6800] =	vst v63  }
0x57: {  	s28 =	rddreg [dreg:$0x15]  }
0x58: {  	[hbm4b:s28+s2] =	stream.linear.scatter [tilespmem:s2], [sflag:$0x1], $0x4000, $0x38;
	[tilespmem:$0x6800] =	vst v63  }
0x59: {  	s28 =	rddreg [dreg:$0x17]  }
0x5a: {  	[hbm4b:s28+s2] =	stream.linear.scatter [tilespmem:s2], [sflag:$0x1], $0x4000, $0x38;
	[tilespmem:$0x6800] =	vst v63  }
0x5b: {  	s28 =	rddreg [dreg:$0x18]  }
0x5c: {  	[hbm4b:s28+s2] =	stream.linear.scatter [tilespmem:s2], [sflag:$0x1], $0x4000, $0x38;
	[tilespmem:$0x6800] =	vst v63  }
0x5d: {  	_ = 	snop  }
0x5e: {  	[hbm4b:s29+s2] =	stream.linear.scatter [tilespmem:s2], [sflag:$0x1], $0x4000, $0x38;
	[tilespmem:$0x6800] =	vst v63  }
0x5f: {  	_ = 	snop  }
0x60: {  	[hbm4b:s30+s2] =	stream.linear.scatter [tilespmem:s2], [sflag:$0x1], $0x4000, $0x38;
	[tilespmem:$0x6800] =	vst v63  }
0x61: {  	_ = 	snop  }
0x62: {  	[hbm4b:s31+s2] =	stream.linear.scatter [tilespmem:s2], [sflag:$0x1], $0x4000, $0x38;
	[tilespmem:$0x6800] =	vst v63  }
0x63: {  	_ = 	snop  }
0x64: {  	[hbm4b:s1+s2] =	stream.linear.scatter [tilespmem:s2], [sflag:$0x1], $0x4000, $0x38;
	[tilespmem:$0x6800] =	vst v63  }
0x65: {  	_ = 	snop  }
0x66: {  	[hbm4b:s0+s2] =	stream.linear.scatter [tilespmem:s2], [sflag:$0x1], $0x4000, $0x38;
	[tilespmem:$0x6800] =	vst v63  }
0x67: {  	_ = 	snop  }
0x68: {  	[hbm4b:s4+s2] =	stream.linear.scatter [tilespmem:s2], [sflag:$0x1], $0x4000, $0x38;
	[tilespmem:$0x6800] =	vst v63  }
0x69: {  	_ = 	snop  }
0x6a: {  	[hbm4b:s5+s2] =	stream.linear.scatter [tilespmem:s2], [sflag:$0x1], $0x4000, $0x38;
	[tilespmem:$0x6800] =	vst v63  }
0x6b: {  	_ = 	snop  }
0x6c: {  	[hbm4b:s7+s2] =	stream.linear.scatter [tilespmem:s2], [sflag:$0x1], $0x4000, $0x38;
	[tilespmem:$0x6800] =	vst v63  }
0x6d: {  	_ = 	snop  }
0x6e: {  	[hbm4b:s8+s2] =	stream.linear.scatter [tilespmem:s2], [sflag:$0x1], $0x4000, $0x38;
	[tilespmem:$0x6800] =	vst v63  }
0x6f: {  	_ = 	snop  }
0x70: {  	[hbm4b:s9+s2] =	stream.linear.scatter [tilespmem:s2], [sflag:$0x1], $0x4000, $0x38;
	[tilespmem:$0x6800] =	vst v63  }
0x71: {  	_ = 	snop  }
0x72: {  	[hbm4b:s10+s2] =	stream.linear.scatter [tilespmem:s2], [sflag:$0x1], $0x4000, $0x38;
	[tilespmem:$0x6800] =	vst v63  }
0x73: {  	_ = 	snop  }
0x74: {  	[hbm4b:s11+s2] =	stream.linear.scatter [tilespmem:s2], [sflag:$0x1], $0x4000, $0x38;
	[tilespmem:$0x6800] =	vst v63  }
0x75: {  	_ = 	snop  }
0x76: {  	[hbm4b:s12+s2] =	stream.linear.scatter [tilespmem:s2], [sflag:$0x1], $0x4000, $0x38;
	[tilespmem:$0x6800] =	vst v63  }
0x77: {  	_ = 	snop  }
0x78: {  	[hbm4b:s13+s2] =	stream.linear.scatter [tilespmem:s2], [sflag:$0x1], $0x4000, $0x38;
	[tilespmem:$0x6800] =	vst v63  }
0x79: {  	_ = 	snop  }
0x7a: {  	[hbm4b:s14+s2] =	stream.linear.scatter [tilespmem:s2], [sflag:$0x1], $0x4000, $0x38;
	[tilespmem:$0x6800] =	vst v63  }
0x7b: {  	_ = 	snop  }
0x7c: {  	[hbm4b:s15+s2] =	stream.linear.scatter [tilespmem:s2], [sflag:$0x1], $0x4000, $0x38;
	[tilespmem:$0x6800] =	vst v63  }
0x7d: {  	_ = 	snop  }
0x7e: {  	[hbm4b:s16+s2] =	stream.linear.scatter [tilespmem:s2], [sflag:$0x1], $0x4000, $0x38;
	[tilespmem:$0x6800] =	vst v63  }
0x7f: {  	_ = 	snop  }
0x80: {  	[hbm4b:s17+s2] =	stream.linear.scatter [tilespmem:s2], [sflag:$0x1], $0x4000, $0x38;
	[tilespmem:$0x6800] =	vst v63  }
0x81: {  	_ = 	snop  }
0x82: {  	[hbm4b:s18+s2] =	stream.linear.scatter [tilespmem:s2], [sflag:$0x1], $0x4000, $0x38;
	[tilespmem:$0x6800] =	vst v63  }
0x83: {  	_ =	swait.ge [sflag:s22], $0x4000  }
0x84: {  	[sflag:s22] =	ssyncset.done $0x0  }
0x85: {  	[sflag:s22] =	ssyncadd.s32 $0xFFFFC000  }
0x86: {  	_ =	swait.ge [sflag:s22], $0x4000  }
0x87: {  	[sflag:s22] =	ssyncset.done $0x0  }
0x88: {  	[sflag:s22] =	ssyncadd.s32 $0xFFFFC000  }
0x89: {  	_ =	swait.ge [sflag:s22], $0x4000  }
0x8a: {  	[sflag:s22] =	ssyncset.done $0x0  }
0x8b: {  	[sflag:s22] =	ssyncadd.s32 $0xFFFFC000  }
0x8c: {  	_ =	swait.ge [sflag:s22], $0x4000  }
0x8d: {  	[sflag:s22] =	ssyncset.done $0x0  }
0x8e: {  	[sflag:s22] =	ssyncadd.s32 $0xFFFFC000  }
0x8f: {  	_ =	swait.ge [sflag:s22], $0x4000  }
0x90: {  	[sflag:s22] =	ssyncset.done $0x0  }
0x91: {  	[sflag:s22] =	ssyncadd.s32 $0xFFFFC000  }
0x92: {  	_ =	swait.ge [sflag:s22], $0x4000  }
0x93: {  	[sflag:s22] =	ssyncset.done $0x0  }
0x94: {  	[sflag:s22] =	ssyncadd.s32 $0xFFFFC000  }
0x95: {  	_ =	swait.ge [sflag:s22], $0x4000  }
0x96: {  	[sflag:s22] =	ssyncset.done $0x0  }
0x97: {  	[sflag:s22] =	ssyncadd.s32 $0xFFFFC000  }
0x98: {  	_ =	swait.ge [sflag:s22], $0x4000  }
0x99: {  	[sflag:s22] =	ssyncset.done $0x0  }
0x9a: {  	[sflag:s22] =	ssyncadd.s32 $0xFFFFC000  }
0x9b: {  	_ =	swait.ge [sflag:s22], $0x4000  }
0x9c: {  	[sflag:s22] =	ssyncset.done $0x0  }
0x9d: {  	[sflag:s22] =	ssyncadd.s32 $0xFFFFC000  }
0x9e: {  	_ =	swait.ge [sflag:s22], $0x4000  }
0x9f: {  	[sflag:s22] =	ssyncset.done $0x0  }
0xa0: {  	[sflag:s22] =	ssyncadd.s32 $0xFFFFC000  }
0xa1: {  	_ =	swait.ge [sflag:s22], $0x4000  }
0xa2: {  	[sflag:s22] =	ssyncset.done $0x0  }
0xa3: {  	[sflag:s22] =	ssyncadd.s32 $0xFFFFC000  }
0xa4: {  	_ =	swait.ge [sflag:s22], $0x4000  }
0xa5: {  	[sflag:s22] =	ssyncset.done $0x0  }
0xa6: {  	[sflag:s22] =	ssyncadd.s32 $0xFFFFC000  }
0xa7: {  	_ =	swait.ge [sflag:s22], $0x4000  }
0xa8: {  	[sflag:s22] =	ssyncset.done $0x0  }
0xa9: {  	[sflag:s22] =	ssyncadd.s32 $0xFFFFC000  }
0xaa: {  	_ =	swait.ge [sflag:s22], $0x4000  }
0xab: {  	[sflag:s22] =	ssyncset.done $0x0  }
0xac: {  	[sflag:s22] =	ssyncadd.s32 $0xFFFFC000  }
0xad: {  	_ =	swait.ge [sflag:s22], $0x4000  }
0xae: {  	[sflag:s22] =	ssyncset.done $0x0  }
0xaf: {  	[sflag:s22] =	ssyncadd.s32 $0xFFFFC000  }
0xb0: {  	_ =	swait.ge [sflag:s22], $0x4000  }
0xb1: {  	[sflag:s22] =	ssyncset.done $0x0  }
0xb2: {  	[sflag:s22] =	ssyncadd.s32 $0xFFFFC000  }
0xb3: {  	_ =	swait.ge [sflag:s22], $0x4000  }
0xb4: {  	[sflag:s22] =	ssyncset.done $0x0  }
0xb5: {  	[sflag:s22] =	ssyncadd.s32 $0xFFFFC000  }
0xb6: {  	_ =	swait.ge [sflag:s22], $0x4000  }
0xb7: {  	[sflag:s22] =	ssyncset.done $0x0  }
0xb8: {  	[sflag:s22] =	ssyncadd.s32 $0xFFFFC000  }
0xb9: {  	_ =	swait.ge [sflag:s22], $0x4000  }
0xba: {  	[sflag:s22] =	ssyncset.done $0x0  }
0xbb: {  	[sflag:s22] =	ssyncadd.s32 $0xFFFFC000  }
0xbc: {  	_ =	swait.ge [sflag:s22], $0x4000  }
0xbd: {  	[sflag:s22] =	ssyncset.done $0x0  }
0xbe: {  	[sflag:s22] =	ssyncadd.s32 $0xFFFFC000  }
0xbf: {  	_ =	swait.ge [sflag:s22], $0x4000  }
0xc0: {  	[sflag:s22] =	ssyncset.done $0x0  }
0xc1: {  	[sflag:s22] =	ssyncadd.s32 $0xFFFFC000  }
0xc2: {  	_ =	swait.ge [sflag:s22], $0x4000  }
0xc3: {  	[sflag:s22] =	ssyncset.done $0x0  }
0xc4: {  	[sflag:s22] =	ssyncadd.s32 $0xFFFFC000  }
0xc5: {  	_ =	swait.ge [sflag:s22], $0x4000  }
0xc6: {  	[sflag:s22] =	ssyncset.done $0x0  }
0xc7: {  	[sflag:s22] =	ssyncadd.s32 $0xFFFFC000  }
0xc8: {  	_ =	swait.ge [sflag:s22], $0x4000  }
0xc9: {  	[sflag:s22] =	ssyncset.done $0x0  }
0xca: {  	[sflag:s22] =	ssyncadd.s32 $0xFFFFC000  }
0xcb: {  	_ =	swait.ge [sflag:s22], $0x4000  }
0xcc: {  	[sflag:s22] =	ssyncset.done $0x0  }
0xcd: {  	[sflag:s22] =	ssyncadd.s32 $0xFFFFC000  }
0xce: {  	_ =	swait.ge [sflag:s22], $0x4000  }
0xcf: {  	[sflag:s22] =	ssyncset.done $0x0  }
0xd0: {  	[sflag:s22] =	ssyncadd.s32 $0xFFFFC000  }
0xd1: {  	_ =	swait.ge [sflag:s22], $0x4000  }
0xd2: {  	[sflag:s22] =	ssyncset.done $0x0  }
0xd3: {  	[sflag:s22] =	ssyncadd.s32 $0xFFFFC000  }
0xd4: {  	_ =	swait.ge [sflag:s22], $0x4000  }
0xd5: {  	[sflag:s22] =	ssyncset.done $0x0  }
0xd6: {  	[sflag:s22] =	ssyncadd.s32 $0xFFFFC000  }
0xd7: {  	_ =	swait.ge [sflag:s22], $0x4000  }
0xd8: {  	[sflag:s22] =	ssyncset.done $0x0  }
0xd9: {  	[sflag:s22] =	ssyncadd.s32 $0xFFFFC000  }
0xda: {  	_ =	swait.ge [sflag:s22], $0x4000  }
0xdb: {  	[sflag:s22] =	ssyncset.done $0x0  }
0xdc: {  	[sflag:s22] =	ssyncadd.s32 $0xFFFFC000  }
0xdd: {  	_ =	swait.ge [sflag:s22], $0x4000  }
0xde: {  	[sflag:s22] =	ssyncset.done $0x0  }
0xdf: {  	[sflag:s22] =	ssyncadd.s32 $0xFFFFC000  }
0xe0: {  	_ =	swait.ge [sflag:s22], $0x4000  }
0xe1: {  	[sflag:s22] =	ssyncset.done $0x0  }
0xe2: {  	[sflag:s22] =	ssyncadd.s32 $0xFFFFC000  }
0xe3: {  	_ =	swait.ge [sflag:s22], $0x4000  }
0xe4: {  	[sflag:s22] =	ssyncset.done $0x0  }
0xe5: {  	[sflag:s22] =	ssyncadd.s32 $0xFFFFC000  }
0xe6: {  	_ =	swait.ge [sflag:s22], $0x4000  }
0xe7: {  	[sflag:s22] =	ssyncset.done $0x0  }
0xe8: {  	[sflag:s22] =	ssyncadd.s32 $0xFFFFC000  }
0xe9: {  	_ =	swait.ge [sflag:s22], $0x4000  }
0xea: {  	[sflag:s22] =	ssyncset.done $0x0  }
0xeb: {  	[sflag:s22] =	ssyncadd.s32 $0xFFFFC000  }
0xec: {  	_ =	swait.ge [sflag:s22], $0x4000  }
0xed: {  	[sflag:s22] =	ssyncset.done $0x0  }
0xee: {  	[sflag:s22] =	ssyncadd.s32 $0xFFFFC000  }
0xef: {  	_ =	swait.ge [sflag:s22], $0x4000  }
0xf0: {  	[sflag:s22] =	ssyncset.done $0x0  }
0xf1: {  	[sflag:s22] =	ssyncadd.s32 $0xFFFFC000  }
0xf2: {  	_ =	swait.ge [sflag:s22], $0x4000  }
0xf3: {  	[sflag:s22] =	ssyncset.done $0x0  }
0xf4: {  	[sflag:s22] =	ssyncadd.s32 $0xFFFFC000  }
0xf5: {  	_ =	swait.ge [sflag:s22], $0x4000  }
0xf6: {  	[sflag:s22] =	ssyncset.done $0x0  }
0xf7: {  	[sflag:s22] =	ssyncadd.s32 $0xFFFFC000  }
0xf8: {  	_ =	swait.ge [sflag:s22], $0x4000  }
0xf9: {  	[sflag:s22] =	ssyncset.done $0x0  }
0xfa: {  	[sflag:s22] =	ssyncadd.s32 $0xFFFFC000  }
0xfb: {  	[bflag:$0x0] =	sbarrier.arrive $0xFFFF  }
0xfc: {  	[hbm4b:s3+s23] =	stream.indirect.scatter [tilespmem:s21], [sflag:$0x2], $0x1, s19, s23, $0xb8;
	[tilespmem:$0x6800] =	vst v63  }
0xfd: {  	s26 =	simm.s32 $0x4080;
	s28 =	simm.s32 $0x5480  }
0xfe: {  	[hbm4b:s3+s23] =	stream.indirect.scatter [tilespmem:s28], [sflag:$0x2], $0x1, s26, s23, $0xb8;
	[tilespmem:$0x6800] =	vst v63  }
0xff: {  	s26 =	simm.s32 $0x4100;
	s28 =	simm.s32 $0x5500  }
0x100: {  	[hbm4b:s3+s23] =	stream.indirect.scatter [tilespmem:s28], [sflag:$0x2], $0x1, s26, s23, $0xb8;
	[tilespmem:$0x6800] =	vst v63  }
0x101: {  	s26 =	simm.s32 $0x4180;
	s28 =	simm.s32 $0x5580  }
0x102: {  	[hbm4b:s3+s23] =	stream.indirect.scatter [tilespmem:s28], [sflag:$0x2], $0x1, s26, s23, $0xb8;
	[tilespmem:$0x6800] =	vst v63  }
0x103: {  	s26 =	simm.s32 $0x4200;
	s28 =	simm.s32 $0x5600  }
0x104: {  	[hbm4b:s3+s23] =	stream.indirect.scatter [tilespmem:s28], [sflag:$0x2], $0x1, s26, s23, $0xb8;
	[tilespmem:$0x6800] =	vst v63  }
0x105: {  	s26 =	simm.s32 $0x4280;
	s28 =	simm.s32 $0x5680  }
0x106: {  	[hbm4b:s3+s23] =	stream.indirect.scatter [tilespmem:s28], [sflag:$0x2], $0x1, s26, s23, $0xb8;
	[tilespmem:$0x6800] =	vst v63  }
0x107: {  	s26 =	simm.s32 $0x4300;
	s28 =	simm.s32 $0x5700  }
0x108: {  	[hbm4b:s3+s23] =	stream.indirect.scatter [tilespmem:s28], [sflag:$0x2], $0x1, s26, s23, $0xb8;
	[tilespmem:$0x6800] =	vst v63  }
0x109: {  	s26 =	simm.s32 $0x4380;
	s28 =	simm.s32 $0x5780  }
0x10a: {  	[hbm4b:s3+s23] =	stream.indirect.scatter [tilespmem:s28], [sflag:$0x2], $0x1, s26, s23, $0xb8;
	[tilespmem:$0x6800] =	vst v63  }
0x10b: {  	s26 =	simm.s32 $0x4400;
	s28 =	simm.s32 $0x5800  }
0x10c: {  	[hbm4b:s3+s23] =	stream.indirect.scatter [tilespmem:s28], [sflag:$0x2], $0x1, s26, s23, $0xb8;
	[tilespmem:$0x6800] =	vst v63  }
0x10d: {  	s26 =	simm.s32 $0x4480;
	s28 =	simm.s32 $0x5880  }
0x10e: {  	[hbm4b:s3+s23] =	stream.indirect.scatter [tilespmem:s28], [sflag:$0x2], $0x1, s26, s23, $0xb8;
	[tilespmem:$0x6800] =	vst v63  }
0x10f: {  	s26 =	simm.s32 $0x4500;
	s28 =	simm.s32 $0x5900  }
0x110: {  	[hbm4b:s3+s23] =	stream.indirect.scatter [tilespmem:s28], [sflag:$0x2], $0x1, s26, s23, $0xb8;
	[tilespmem:$0x6800] =	vst v63  }
0x111: {  	s26 =	simm.s32 $0x4580;
	s28 =	simm.s32 $0x5980  }
0x112: {  	[hbm4b:s3+s23] =	stream.indirect.scatter [tilespmem:s28], [sflag:$0x2], $0x1, s26, s23, $0xb8;
	[tilespmem:$0x6800] =	vst v63  }
0x113: {  	s26 =	simm.s32 $0x4600;
	s28 =	simm.s32 $0x5A00  }
0x114: {  	[hbm4b:s3+s23] =	stream.indirect.scatter [tilespmem:s28], [sflag:$0x2], $0x1, s26, s23, $0xb8;
	[tilespmem:$0x6800] =	vst v63  }
0x115: {  	s26 =	simm.s32 $0x4680;
	s28 =	simm.s32 $0x5A80  }
0x116: {  	[hbm4b:s3+s23] =	stream.indirect.scatter [tilespmem:s28], [sflag:$0x2], $0x1, s26, s23, $0xb8;
	[tilespmem:$0x6800] =	vst v63  }
0x117: {  	s26 =	simm.s32 $0x4700;
	s28 =	simm.s32 $0x5B00  }
0x118: {  	[hbm4b:s3+s23] =	stream.indirect.scatter [tilespmem:s28], [sflag:$0x2], $0x1, s26, s23, $0xb8;
	[tilespmem:$0x6800] =	vst v63  }
0x119: {  	s26 =	simm.s32 $0x4780;
	s28 =	simm.s32 $0x5B80  }
0x11a: {  	[hbm4b:s3+s23] =	stream.indirect.scatter [tilespmem:s28], [sflag:$0x2], $0x1, s26, s23, $0xb8;
	[tilespmem:$0x6800] =	vst v63  }
0x11b: {  	s26 =	simm.s32 $0x4800;
	s28 =	simm.s32 $0x5C00  }
0x11c: {  	[hbm4b:s3+s23] =	stream.indirect.scatter [tilespmem:s28], [sflag:$0x2], $0x1, s26, s23, $0xb8;
	[tilespmem:$0x6800] =	vst v63  }
0x11d: {  	s26 =	simm.s32 $0x4880;
	s28 =	simm.s32 $0x5C80  }
0x11e: {  	[hbm4b:s3+s23] =	stream.indirect.scatter [tilespmem:s28], [sflag:$0x2], $0x1, s26, s23, $0xb8;
	[tilespmem:$0x6800] =	vst v63  }
0x11f: {  	s26 =	simm.s32 $0x4900;
	s28 =	simm.s32 $0x5D00  }
0x120: {  	[hbm4b:s3+s23] =	stream.indirect.scatter [tilespmem:s28], [sflag:$0x2], $0x1, s26, s23, $0xb8;
	[tilespmem:$0x6800] =	vst v63  }
0x121: {  	s26 =	simm.s32 $0x4980;
	s28 =	simm.s32 $0x5D80  }
0x122: {  	[hbm4b:s3+s23] =	stream.indirect.scatter [tilespmem:s28], [sflag:$0x2], $0x1, s26, s23, $0xb8;
	[tilespmem:$0x6800] =	vst v63  }
0x123: {  	s26 =	simm.s32 $0x4A00;
	s28 =	simm.s32 $0x5E00  }
0x124: {  	[hbm4b:s3+s23] =	stream.indirect.scatter [tilespmem:s28], [sflag:$0x2], $0x1, s26, s23, $0xb8;
	[tilespmem:$0x6800] =	vst v63  }
0x125: {  	s26 =	simm.s32 $0x4A80;
	s28 =	simm.s32 $0x5E80  }
0x126: {  	[hbm4b:s3+s23] =	stream.indirect.scatter [tilespmem:s28], [sflag:$0x2], $0x1, s26, s23, $0xb8;
	[tilespmem:$0x6800] =	vst v63  }
0x127: {  	s26 =	simm.s32 $0x4B00;
	s28 =	simm.s32 $0x5F00  }
0x128: {  	[hbm4b:s3+s23] =	stream.indirect.scatter [tilespmem:s28], [sflag:$0x2], $0x1, s26, s23, $0xb8;
	[tilespmem:$0x6800] =	vst v63  }
0x129: {  	s26 =	simm.s32 $0x4B80;
	s28 =	simm.s32 $0x5F80  }
0x12a: {  	[hbm4b:s3+s23] =	stream.indirect.scatter [tilespmem:s28], [sflag:$0x2], $0x1, s26, s23, $0xb8;
	[tilespmem:$0x6800] =	vst v63  }
0x12b: {  	s26 =	simm.s32 $0x4C00;
	s28 =	simm.s32 $0x6000  }
0x12c: {  	[hbm4b:s3+s23] =	stream.indirect.scatter [tilespmem:s28], [sflag:$0x2], $0x1, s26, s23, $0xb8;
	[tilespmem:$0x6800] =	vst v63  }
0x12d: {  	s26 =	simm.s32 $0x4C80;
	s28 =	simm.s32 $0x6080  }
0x12e: {  	[hbm4b:s3+s23] =	stream.indirect.scatter [tilespmem:s28], [sflag:$0x2], $0x1, s26, s23, $0xb8;
	[tilespmem:$0x6800] =	vst v63  }
0x12f: {  	s26 =	simm.s32 $0x4D00;
	s28 =	simm.s32 $0x6100  }
0x130: {  	[hbm4b:s3+s23] =	stream.indirect.scatter [tilespmem:s28], [sflag:$0x2], $0x1, s26, s23, $0xb8;
	[tilespmem:$0x6800] =	vst v63  }
0x131: {  	s26 =	simm.s32 $0x4D80;
	s28 =	simm.s32 $0x6180  }
0x132: {  	[hbm4b:s3+s23] =	stream.indirect.scatter [tilespmem:s28], [sflag:$0x2], $0x1, s26, s23, $0xb8;
	[tilespmem:$0x6800] =	vst v63  }
0x133: {  	s26 =	simm.s32 $0x4E00;
	s28 =	simm.s32 $0x6200  }
0x134: {  	[hbm4b:s3+s23] =	stream.indirect.scatter [tilespmem:s28], [sflag:$0x2], $0x1, s26, s23, $0xb8;
	[tilespmem:$0x6800] =	vst v63  }
0x135: {  	s26 =	simm.s32 $0x4E80;
	s28 =	simm.s32 $0x6280  }
0x136: {  	[hbm4b:s3+s23] =	stream.indirect.scatter [tilespmem:s28], [sflag:$0x2], $0x1, s26, s23, $0xb8;
	[tilespmem:$0x6800] =	vst v63  }
0x137: {  	s26 =	simm.s32 $0x4F00;
	s28 =	simm.s32 $0x6300  }
0x138: {  	[hbm4b:s3+s23] =	stream.indirect.scatter [tilespmem:s28], [sflag:$0x2], $0x1, s26, s23, $0xb8;
	[tilespmem:$0x6800] =	vst v63  }
0x139: {  	s26 =	simm.s32 $0x4F80;
	s28 =	simm.s32 $0x6380  }
0x13a: {  	[hbm4b:s3+s23] =	stream.indirect.scatter [tilespmem:s28], [sflag:$0x2], $0x1, s26, s23, $0xb8;
	[tilespmem:$0x6800] =	vst v63  }
0x13b: {  	s26 =	simm.s32 $0x5000;
	s28 =	simm.s32 $0x6400  }
0x13c: {  	[hbm4b:s3+s23] =	stream.indirect.scatter [tilespmem:s28], [sflag:$0x2], $0x1, s26, s23, $0xb8;
	[tilespmem:$0x6800] =	vst v63  }
0x13d: {  	s26 =	simm.s32 $0x5080;
	s28 =	simm.s32 $0x6480  }
0x13e: {  	[hbm4b:s3+s23] =	stream.indirect.scatter [tilespmem:s28], [sflag:$0x2], $0x1, s26, s23, $0xb8;
	[tilespmem:$0x6800] =	vst v63  }
0x13f: {  	s26 =	simm.s32 $0x5100;
	s28 =	simm.s32 $0x6500  }
0x140: {  	[hbm4b:s3+s23] =	stream.indirect.scatter [tilespmem:s28], [sflag:$0x2], $0x1, s26, s23, $0xb8;
	[tilespmem:$0x6800] =	vst v63  }
0x141: {  	s26 =	simm.s32 $0x5180;
	s28 =	simm.s32 $0x6580  }
0x142: {  	[hbm4b:s3+s23] =	stream.indirect.scatter [tilespmem:s28], [sflag:$0x2], $0x1, s26, s23, $0xb8;
	[tilespmem:$0x6800] =	vst v63  }
0x143: {  	_ =	swait.ge [sflag:s24], $0x80  }
0x144: {  	[sflag:s24] =	ssyncset.done $0x0  }
0x145: {  	[sflag:s24] =	ssyncadd.s32 $0xFFFFFF80  }
0x146: {  	_ =	swait.ge [sflag:s24], $0x80  }
0x147: {  	[sflag:s24] =	ssyncset.done $0x0  }
0x148: {  	[sflag:s24] =	ssyncadd.s32 $0xFFFFFF80  }
0x149: {  	_ =	swait.ge [sflag:s24], $0x80  }
0x14a: {  	[sflag:s24] =	ssyncset.done $0x0  }
0x14b: {  	[sflag:s24] =	ssyncadd.s32 $0xFFFFFF80  }
0x14c: {  	_ =	swait.ge [sflag:s24], $0x80  }
0x14d: {  	[sflag:s24] =	ssyncset.done $0x0  }
0x14e: {  	[sflag:s24] =	ssyncadd.s32 $0xFFFFFF80  }
0x14f: {  	_ =	swait.ge [sflag:s24], $0x80  }
0x150: {  	[sflag:s24] =	ssyncset.done $0x0  }
0x151: {  	[sflag:s24] =	ssyncadd.s32 $0xFFFFFF80  }
0x152: {  	_ =	swait.ge [sflag:s24], $0x80  }
0x153: {  	[sflag:s24] =	ssyncset.done $0x0  }
0x154: {  	[sflag:s24] =	ssyncadd.s32 $0xFFFFFF80  }
0x155: {  	_ =	swait.ge [sflag:s24], $0x80  }
0x156: {  	[sflag:s24] =	ssyncset.done $0x0  }
0x157: {  	[sflag:s24] =	ssyncadd.s32 $0xFFFFFF80  }
0x158: {  	_ =	swait.ge [sflag:s24], $0x80  }
0x159: {  	[sflag:s24] =	ssyncset.done $0x0  }
0x15a: {  	[sflag:s24] =	ssyncadd.s32 $0xFFFFFF80  }
0x15b: {  	_ =	swait.ge [sflag:s24], $0x80  }
0x15c: {  	[sflag:s24] =	ssyncset.done $0x0  }
0x15d: {  	[sflag:s24] =	ssyncadd.s32 $0xFFFFFF80  }
0x15e: {  	_ =	swait.ge [sflag:s24], $0x80  }
0x15f: {  	[sflag:s24] =	ssyncset.done $0x0  }
0x160: {  	[sflag:s24] =	ssyncadd.s32 $0xFFFFFF80  }
0x161: {  	_ =	swait.ge [sflag:s24], $0x80  }
0x162: {  	[sflag:s24] =	ssyncset.done $0x0  }
0x163: {  	[sflag:s24] =	ssyncadd.s32 $0xFFFFFF80  }
0x164: {  	_ =	swait.ge [sflag:s24], $0x80  }
0x165: {  	[sflag:s24] =	ssyncset.done $0x0  }
0x166: {  	[sflag:s24] =	ssyncadd.s32 $0xFFFFFF80  }
0x167: {  	_ =	swait.ge [sflag:s24], $0x80  }
0x168: {  	[sflag:s24] =	ssyncset.done $0x0  }
0x169: {  	[sflag:s24] =	ssyncadd.s32 $0xFFFFFF80  }
0x16a: {  	_ =	swait.ge [sflag:s24], $0x80  }
0x16b: {  	[sflag:s24] =	ssyncset.done $0x0  }
0x16c: {  	[sflag:s24] =	ssyncadd.s32 $0xFFFFFF80  }
0x16d: {  	_ =	swait.ge [sflag:s24], $0x80  }
0x16e: {  	[sflag:s24] =	ssyncset.done $0x0  }
0x16f: {  	[sflag:s24] =	ssyncadd.s32 $0xFFFFFF80  }
0x170: {  	_ =	swait.ge [sflag:s24], $0x80  }
0x171: {  	[sflag:s24] =	ssyncset.done $0x0  }
0x172: {  	[sflag:s24] =	ssyncadd.s32 $0xFFFFFF80  }
0x173: {  	_ =	swait.ge [sflag:s24], $0x80  }
0x174: {  	[sflag:s24] =	ssyncset.done $0x0  }
0x175: {  	[sflag:s24] =	ssyncadd.s32 $0xFFFFFF80  }
0x176: {  	_ =	swait.ge [sflag:s24], $0x80  }
0x177: {  	[sflag:s24] =	ssyncset.done $0x0  }
0x178: {  	[sflag:s24] =	ssyncadd.s32 $0xFFFFFF80  }
0x179: {  	_ =	swait.ge [sflag:s24], $0x80  }
0x17a: {  	[sflag:s24] =	ssyncset.done $0x0  }
0x17b: {  	[sflag:s24] =	ssyncadd.s32 $0xFFFFFF80  }
0x17c: {  	_ =	swait.ge [sflag:s24], $0x80  }
0x17d: {  	[sflag:s24] =	ssyncset.done $0x0  }
0x17e: {  	[sflag:s24] =	ssyncadd.s32 $0xFFFFFF80  }
0x17f: {  	_ =	swait.ge [sflag:s24], $0x80  }
0x180: {  	[sflag:s24] =	ssyncset.done $0x0  }
0x181: {  	[sflag:s24] =	ssyncadd.s32 $0xFFFFFF80  }
0x182: {  	_ =	swait.ge [sflag:s24], $0x80  }
0x183: {  	[sflag:s24] =	ssyncset.done $0x0  }
0x184: {  	[sflag:s24] =	ssyncadd.s32 $0xFFFFFF80  }
0x185: {  	_ =	swait.ge [sflag:s24], $0x80  }
0x186: {  	[sflag:s24] =	ssyncset.done $0x0  }
0x187: {  	[sflag:s24] =	ssyncadd.s32 $0xFFFFFF80  }
0x188: {  	_ =	swait.ge [sflag:s24], $0x80  }
0x189: {  	[sflag:s24] =	ssyncset.done $0x0  }
0x18a: {  	[sflag:s24] =	ssyncadd.s32 $0xFFFFFF80  }
0x18b: {  	_ =	swait.ge [sflag:s24], $0x80  }
0x18c: {  	[sflag:s24] =	ssyncset.done $0x0  }
0x18d: {  	[sflag:s24] =	ssyncadd.s32 $0xFFFFFF80  }
0x18e: {  	_ =	swait.ge [sflag:s24], $0x80  }
0x18f: {  	[sflag:s24] =	ssyncset.done $0x0  }
0x190: {  	[sflag:s24] =	ssyncadd.s32 $0xFFFFFF80  }
0x191: {  	_ =	swait.ge [sflag:s24], $0x80  }
0x192: {  	[sflag:s24] =	ssyncset.done $0x0  }
0x193: {  	[sflag:s24] =	ssyncadd.s32 $0xFFFFFF80  }
0x194: {  	_ =	swait.ge [sflag:s24], $0x80  }
0x195: {  	[sflag:s24] =	ssyncset.done $0x0  }
0x196: {  	[sflag:s24] =	ssyncadd.s32 $0xFFFFFF80  }
0x197: {  	_ =	swait.ge [sflag:s24], $0x80  }
0x198: {  	[sflag:s24] =	ssyncset.done $0x0  }
0x199: {  	[sflag:s24] =	ssyncadd.s32 $0xFFFFFF80  }
0x19a: {  	_ =	swait.ge [sflag:s24], $0x80  }
0x19b: {  	[sflag:s24] =	ssyncset.done $0x0  }
0x19c: {  	[sflag:s24] =	ssyncadd.s32 $0xFFFFFF80  }
0x19d: {  	_ =	swait.ge [sflag:s24], $0x80  }
0x19e: {  	[sflag:s24] =	ssyncset.done $0x0  }
0x19f: {  	[sflag:s24] =	ssyncadd.s32 $0xFFFFFF80  }
0x1a0: {  	_ =	swait.ge [sflag:s24], $0x80  }
0x1a1: {  	[sflag:s24] =	ssyncset.done $0x0  }
0x1a2: {  	[sflag:s24] =	ssyncadd.s32 $0xFFFFFF80  }
0x1a3: {  	_ =	swait.ge [sflag:s24], $0x80  }
0x1a4: {  	[sflag:s24] =	ssyncset.done $0x0  }
0x1a5: {  	[sflag:s24] =	ssyncadd.s32 $0xFFFFFF80  }
0x1a6: {  	_ =	swait.ge [sflag:s24], $0x80  }
0x1a7: {  	[sflag:s24] =	ssyncset.done $0x0  }
0x1a8: {  	[sflag:s24] =	ssyncadd.s32 $0xFFFFFF80  }
0x1a9: {  	_ =	swait.ge [sflag:s24], $0x80  }
0x1aa: {  	[sflag:s24] =	ssyncset.done $0x0  }
0x1ab: {  	[sflag:s24] =	ssyncadd.s32 $0xFFFFFF80  }
0x1ac: {  	_ =	swait.ge [sflag:s24], $0x80  }
0x1ad: {  	s25 =	sadd.s32 $0x1, s25;
	s28 =	rddreg [dreg:$0x16]  }
0x1ae: {  	p0 =	sne.s32 s25, s28  }
.Ltmp1:
0x1af: {  	_ = 	snop;
	(pc) =	sbr.rel @p0 .LBB2_1-.Ltmp1, $3  }
0x1b0: {  	_ =	sdelay $0x1  }
0x1b1: {  	[sflag:s24] =	ssyncset.done $0x0  }
0x1b2: {  	[sflag:s24] =	ssyncadd.s32 $0xFFFFFF80  }
0x1b3: {  	_ =	sfence.sel $0x180000  }
0x1b4: {  	[bflag:$0x0] =	sbarrier.arrive $0xFFFF  }
0x1b5: {  	_ =	strace $0x90000047  }
0x1b6: {  	s0 =	stileid.u32;
	[bflag:$0x2] =	sbarrier.arrive $0xFFFF  }
0x1b7: {  	p0 =	sne.s32 s0, $0x0;
	s0 =	rddreg [dreg:$0x1]  }
0x1b8: {  	s0 =	sadd.s32 @!p0 $0x100000, s0  }
0x1b9: {  	[sflag:s0] =	ssyncadd.tile.s32 @!p0 $0x1;
	_ =	shalt  }
.Lfunc_end2:
_tile_overlayer_lowered:
.L_overlay_start_2:
0x1ba: {  	(tag) =	ssettag $0x2  }
0x1bb: {  	s0 =	rddreg [dreg:$0x0];
	s2 =	stileid.u32  }
0x1bc: {  	s1 =	rddreg [dreg:$0x1];
	p0 =	sne.s32 s2, $0x0  }
0x1bd: {  	s3 =	rddreg [dreg:$0x2];
	[bflag:$0x3] =	sbarrier.arrive $0xFFFF;
	s2 =	simm.s32 @!p0 $0x1C03  }
0x1be: {  	[timem:s3], [sflag:s2] =	dma.local @!p0 [hbm:s0], s1  }
0x1bf: {  	s0 =	simm.s32 @!p0 $0x3  }
0x1c0: {  	_ =	swait.ge @!p0 [sflag:s0], s1  }
0x1c1: {  	s1 =	ssub.s32 @!p0 $0x0, s1;
	[sflag:s0] =	ssyncset.done @!p0 $0x0  }
0x1c2: {  	[sflag:s0] =	ssyncadd.s32 @!p0 s1  }
0x1c3: {  	[bflag:$0x3] =	sbarrier.arrive $0xFFFF  }
0x1c4: {  	_ =	shalt  }

</sc_bundles>
